<compile_context>
chip_gen: v7x
topology: tpu7x:2x2x1
jax: 0.10.2.dev20260603
libtpu: 0.0.44.dev20260713+nightly
codegen_flags: <defaults>
</compile_context>

<pallas_src>
import functools

import jax
import jax.numpy as jnp
from jax import lax
from jax.experimental import pallas as pl
from jax.experimental.pallas import tpu as pltpu
from jax.experimental.pallas import tpu_sc as plsc

NC = 2
NS = 16
CH = 80
F32 = jnp.float32


def _dg(a, b, dims):
    return lax.dot_general(a, b, (dims, ((), ())), preferred_element_type=F32)


def _lrelu(x):
    return jnp.maximum(x, 0.2 * x)


def _project(x, Wn, bn, Wq, bq, Wk, bk, Wv, bv, A1):
    n, d = x.shape
    dh = d // 2
    bn_ = n // 5

    def body(x_ref, wn_ref, bnr, wq_ref, bqr, wk_ref, bkr, wv_ref, bvr,
             a1_ref, h_ref, v_ref, qa0_ref, qa1_ref, ka_ref):
        xb = x_ref[...]
        a1 = a1_ref[...]
        h_ref[...] = _dg(xb, wn_ref[...], ((1,), (1,))) + bnr[...]
        v_ref[...] = _dg(xb, wv_ref[...], ((1,), (1,))) + bvr[...]
        tq = _dg(xb, wq_ref[...], ((1,), (1,))) + bqr[...]
        qa = _dg(tq, a1[:, :d], ((1,), (1,)))
        qa0_ref[...] = qa[:, :dh]
        qa1_ref[...] = qa[:, dh:]
        tk = _dg(xb, wk_ref[...], ((1,), (1,))) + bkr[...]
        ka_ref[...] = _dg(tk, a1[:, d:2 * d], ((1,), (1,)))

    row_spec = pl.BlockSpec((bn_, d), lambda i: (i, 0))
    half_spec = pl.BlockSpec((bn_, dh), lambda i: (i, 0))
    full = lambda s: pl.BlockSpec(s, lambda i: (0, 0))
    half_sh = jax.ShapeDtypeStruct((n, dh), F32)
    return pl.pallas_call(
        body,
        grid=(n // bn_,),
        in_specs=[row_spec, full((d, d)), full((1, d)), full((d, d)),
                  full((1, d)), full((d, d)), full((1, d)), full((d, d)),
                  full((1, d)), full((d, 3 * d))],
        out_specs=[row_spec, row_spec] + [half_spec] * 2 + [row_spec],
        out_shape=([jax.ShapeDtypeStruct((n, d), F32)] * 2 + [half_sh] * 2
                   + [jax.ShapeDtypeStruct((n, d), F32)]),
    )(x, Wn, bn, Wq, bq, Wk, bk, Wv, bv, A1)


def _edge_gather_sum(qaf, kaf, idx3):
    n, d = qaf.shape
    dh = d // 2
    nrows, _, ch = idx3.shape
    e = nrows * ch
    ept = e // NS
    nch = ept // ch
    mesh = plsc.VectorSubcoreMesh(core_axis_name="c", subcore_axis_name="s",
                                  num_cores=NC, num_subcores=NS)

    @functools.partial(
        pl.kernel,
        out_type=jax.ShapeDtypeStruct((NC * e, dh), F32),
        mesh=mesh,
        scratch_types=[
            pltpu.VMEM((2, CH), jnp.int32), pltpu.VMEM((2, CH), jnp.int32),
            pltpu.VMEM((CH, 128), F32), pltpu.VMEM((CH, 128), F32),
            pltpu.VMEM((CH, 128), F32), pltpu.VMEM((CH, 128), F32),
            pltpu.VMEM((CH, 64), F32), pltpu.VMEM((CH, 64), F32),
            pltpu.SemaphoreType.DMA, pltpu.SemaphoreType.DMA,
            pltpu.SemaphoreType.DMA, pltpu.SemaphoreType.DMA,
            pltpu.SemaphoreType.DMA, pltpu.SemaphoreType.DMA,
            pltpu.SemaphoreType.DMA, pltpu.SemaphoreType.DMA,
        ])
    def k(qaf_h, kaf_h, idx_h, out_h,
          is0, is1, qb0, qb1, kb0, kb1, ob0, ob1,
          si0, si1, sq0, sq1, sk0, sk1, so0, so1):
        cid = lax.axis_index("c")
        sid = lax.axis_index("s")

        irow0 = sid * nch
        base_out = cid * e + sid * ept
        coff = cid * dh
        bufs = [(is0, qb0, kb0, ob0, si0, sq0, sk0, so0),
                (is1, qb1, kb1, ob1, si1, sq1, sk1, so1)]

        def idx_load(j, b):
            isb = bufs[b][0]
            pltpu.async_copy(idx_h.at[irow0 + j], isb, bufs[b][5])

        def idx_wait(j, b):
            isb = bufs[b][0]
            pltpu.make_async_copy(idx_h.at[irow0 + j], isb, bufs[b][5]).wait()

        def start_gathers(b):
            isb, qb, kb, _, _, sq, sk, _ = bufs[b]
            pltpu.async_copy(qaf_h.at[isb.at[0]], qb, sq)
            pltpu.async_copy(kaf_h.at[isb.at[1]], kb, sk)

        for b in range(2):
            idx_load(b, b)
            idx_wait(b, b)
            start_gathers(b)

        def pair(j2, carry):
            for b in range(2):
                isb, qb, kb, ob, si, sq, sk, so = bufs[b]
                j = j2 * 2 + b
                pltpu.make_async_copy(qaf_h.at[isb.at[0]], qb, sq).wait()
                pltpu.make_async_copy(kaf_h.at[isb.at[1]], kb, sk).wait()

                @pl.when(j + 2 < nch)
                def _():
                    idx_load(j + 2, b)

                @pl.when(j >= 2)
                def _():
                    pltpu.make_async_copy(
                        ob, out_h.at[pl.ds(base_out + (j - 2) * ch, ch)],
                        so).wait()

                def row(r, c2):
                    for p in range(dh // 16):
                        sl = pl.ds(16 * p, 16)
                        ksl = pl.ds(coff + 16 * p, 16)
                        ob[r, sl] = qb[r, ksl] + kb[r, ksl]
                    return c2

                lax.fori_loop(0, ch, row, 0)
                pltpu.async_copy(
                    ob, out_h.at[pl.ds(base_out + j * ch, ch)], so)

                @pl.when(j + 2 < nch)
                def _():
                    idx_wait(j + 2, b)
                    start_gathers(b)
            return carry

        lax.fori_loop(0, nch // 2, pair, 0)
        for b in range(2):
            ob, so = bufs[b][3], bufs[b][7]
            j = nch - 2 + b
            pltpu.make_async_copy(
                ob, out_h.at[pl.ds(base_out + j * ch, ch)], so).wait()

    return k(qaf, kaf, idx3)


def _edge_scores(gs, ef, We, be, A1, b1, A2, b2):
    e2, dh = gs.shape
    e = e2 // 2
    d = 2 * dh
    de = ef.shape[1]
    nh = A2.shape[0]
    be_blk = 4000
    nb = e // be_blk

    def body(gs0_ref, gs1_ref, ef_ref, we_ref, ber, a1_ref, b1r, a2_ref,
             b2r, s_ref, stats_ref, msc, lsc):
        i = pl.program_id(0)
        a1e = a1_ref[...][:, 2 * d:]
        we2 = _dg(a1e, we_ref[...], ((1,), (0,)))
        c = _dg(ber[...], a1e, ((1,), (1,)))
        gsum = jnp.concatenate([gs0_ref[...], gs1_ref[...]], axis=1)
        z = gsum + _dg(ef_ref[...], we2, ((1,), (1,))) + c + b1r[...]
        z = _lrelu(z)
        t = _dg(z, a2_ref[...], ((1,), (1,))) + b2r[...]
        t = _lrelu(t)
        s = jnp.mean(t, axis=1, keepdims=True)
        s_ref[...] = s
        bm = jnp.max(s, keepdims=True)

        @pl.when(i == 0)
        def _():
            msc[...] = bm
            lsc[...] = jnp.sum(jnp.exp(s - bm), keepdims=True)

        @pl.when(i > 0)
        def _():
            m_old = msc[...]
            m_new = jnp.maximum(m_old, bm)
            lsc[...] = (lsc[...] * jnp.exp(m_old - m_new)
                        + jnp.sum(jnp.exp(s - m_new), keepdims=True))
            msc[...] = m_new

        @pl.when(i == nb - 1)
        def _():
            stats_ref[...] = jnp.concatenate([msc[...], lsc[...]], axis=1)

    full = lambda s: pl.BlockSpec(s, lambda i: (0, 0))
    return pl.pallas_call(
        body,
        grid=(nb,),
        in_specs=[pl.BlockSpec((be_blk, dh), lambda i: (i, 0)),
                  pl.BlockSpec((be_blk, dh), lambda i: (i + nb, 0)),
                  pl.BlockSpec((be_blk, de), lambda i: (i, 0)),
                  full((d, de)), full((1, d)), full((d, 3 * d)),
                  full((1, d)), full((nh, d)), full((1, nh))],
        out_specs=[pl.BlockSpec((be_blk, 1), lambda i: (i, 0)),
                   full((1, 2))],
        out_shape=[jax.ShapeDtypeStruct((e, 1), F32),
                   jax.ShapeDtypeStruct((1, 2), F32)],
        scratch_shapes=[pltpu.VMEM((1, 1), F32), pltpu.VMEM((1, 1), F32)],
    )(gs, gs, ef, We, be, A1, b1, A2, b2)


def _softmax_weights(s, stats):
    e = s.shape[0]
    be_blk = 4000
    nb = e // be_blk

    def body(s_ref, st_ref, w_ref):
        m = st_ref[0:1, 0:1]
        l = st_ref[0:1, 1:2]
        w = jnp.exp(s_ref[...] - m) / l
        w_ref[...] = jnp.broadcast_to(w, (be_blk, 16))

    return pl.pallas_call(
        body,
        grid=(nb,),
        in_specs=[pl.BlockSpec((be_blk, 1), lambda i: (i, 0)),
                  pl.BlockSpec((1, 2), lambda i: (0, 0))],
        out_specs=pl.BlockSpec((be_blk, 16), lambda i: (i, 0)),
        out_shape=jax.ShapeDtypeStruct((e, 16), F32),
    )(s, stats)


def _scatter_agg(vf, w16, src1d, tgt1d):
    n, d = vf.shape
    e = src1d.shape[0]
    eps = e // NC
    nch_a = (eps // NS) // CH // 2 * 2 + 2
    nch_l = eps // CH - (NS - 1) * nch_a
    rows_a = (n // NS) // 8 * 8
    rem = n - NS * rows_a
    mesh = plsc.VectorSubcoreMesh(core_axis_name="c", subcore_axis_name="s",
                                  num_cores=NC, num_subcores=NS)

    @functools.partial(
        pl.kernel,
        out_type=jax.ShapeDtypeStruct((NC * n, d), F32),
        mesh=mesh,
        scratch_types=[
            pltpu.VMEM((CH,), jnp.int32), pltpu.VMEM((CH,), jnp.int32),
            pltpu.VMEM((CH,), jnp.int32), pltpu.VMEM((CH,), jnp.int32),
            pltpu.VMEM((CH, 16), F32), pltpu.VMEM((CH, 16), F32),
            pltpu.VMEM((CH, 128), F32), pltpu.VMEM((CH, 128), F32),
            pltpu.VMEM((8, 128), F32),
            pltpu.VMEM_SHARED((n, d), F32),
            pltpu.SemaphoreType.DMA, pltpu.SemaphoreType.DMA,
            pltpu.SemaphoreType.DMA, pltpu.SemaphoreType.DMA,
            pltpu.SemaphoreType.DMA, pltpu.SemaphoreType.DMA,
            pltpu.SemaphoreType.DMA, pltpu.SemaphoreType.DMA,
        ])
    def k(vf_h, w_h, src_h, tgt_h, out_h,
          sx0, sx1, tx0, tx1, wb0, wb1, vb0, vb1, zbuf, accum,
          sa0, sa1, sb0, sb1, sv0, sv1, sw0, sw1):
        cid = lax.axis_index("c")
        sid = lax.axis_index("s")

        def zrow(r, c2):
            for p in range(d // 16):
                zbuf[r, pl.ds(16 * p, 16)] = jnp.zeros((16,), F32)
            return c2

        lax.fori_loop(0, 8, zrow, 0)
        row0 = sid * rows_a

        def zchunk(i, c2):
            pltpu.sync_copy(zbuf, accum.at[pl.ds(row0 + i * 8, 8)])
            return c2

        lax.fori_loop(0, rows_a // 8, zchunk, 0)

        @pl.when(sid == NS - 1)
        def _():
            pltpu.sync_copy(zbuf, accum.at[pl.ds(NS * rows_a, 8)])
            pltpu.sync_copy(zbuf, accum.at[pl.ds(NS * rows_a + 8, 8)])

        plsc.subcore_barrier()

        nch = jnp.where(sid < NS - 1, nch_a, nch_l)
        base_e = (cid * eps
                  + jnp.where(sid < NS - 1, sid * nch_a, (NS - 1) * nch_a)
                  * CH)
        bufs = [(sx0, tx0, wb0, vb0, sa0, sb0, sv0, sw0),
                (sx1, tx1, wb1, vb1, sa1, sb1, sv1, sw1)]

        def idx_load(j, b):
            sx, tx, _, _, sa, sb, _, _ = bufs[b]
            pltpu.async_copy(src_h.at[pl.ds(base_e + j * CH, CH)], sx, sa)
            pltpu.async_copy(tgt_h.at[pl.ds(base_e + j * CH, CH)], tx, sb)

        def idx_wait(j, b):
            sx, tx, _, _, sa, sb, _, _ = bufs[b]
            pltpu.make_async_copy(
                src_h.at[pl.ds(base_e + j * CH, CH)], sx, sa).wait()
            pltpu.make_async_copy(
                tgt_h.at[pl.ds(base_e + j * CH, CH)], tx, sb).wait()

        def start_loads(j, b):
            _, tx, wb, vb, _, _, sv, sw = bufs[b]
            pltpu.async_copy(vf_h.at[tx], vb, sv)
            pltpu.async_copy(w_h.at[pl.ds(base_e + j * CH, CH)], wb, sw)

        for b in range(2):
            idx_load(b, b)
            idx_wait(b, b)
            start_loads(b, b)

        def pair(j2, carry):
            for b in range(2):
                sx, tx, wb, vb, sa, sb, sv, sw = bufs[b]
                j = j2 * 2 + b
                pltpu.make_async_copy(vf_h.at[tx], vb, sv).wait()
                pltpu.make_async_copy(
                    w_h.at[pl.ds(base_e + j * CH, CH)], wb, sw).wait()

                def row(r, c2):
                    wv = wb[r, pl.ds(0, 16)]
                    for p in range(d // 16):
                        sl = pl.ds(16 * p, 16)
                        vb[r, sl] = vb[r, sl] * wv
                    return c2

                lax.fori_loop(0, CH, row, 0)
                pltpu.sync_copy(vb, accum.at[sx], add=True)

                @pl.when(j + 2 < nch)
                def _():
                    idx_load(j + 2, b)
                    idx_wait(j + 2, b)
                    start_loads(j + 2, b)
            return carry

        lax.fori_loop(0, nch // 2, pair, 0)
        plsc.subcore_barrier()
        pltpu.sync_copy(accum.at[pl.ds(row0, rows_a)],
                        out_h.at[pl.ds(cid * n + row0, rows_a)])

        @pl.when(sid == NS - 1)
        def _():
            pltpu.sync_copy(accum.at[pl.ds(NS * rows_a, rem)],
                            out_h.at[pl.ds(cid * n + NS * rows_a, rem)])

    return k(vf, w16, src1d, tgt1d)


def _finalize(h, agg, gamma, beta):
    n, d = h.shape
    bn_ = n // 5
    nbn = n // bn_

    def body(h_ref, a0_ref, a1_ref, g_ref, b_ref, o_ref):
        y = h_ref[...] + a0_ref[...] + a1_ref[...]
        mu = jnp.mean(y, axis=1, keepdims=True)
        yc = y - mu
        var = jnp.mean(yc * yc, axis=1, keepdims=True)
        o_ref[...] = yc * lax.rsqrt(var + 1e-5) * g_ref[...] + b_ref[...]

    row_spec = pl.BlockSpec((bn_, d), lambda i: (i, 0))
    full = lambda s: pl.BlockSpec(s, lambda i: (0, 0))
    return pl.pallas_call(
        body,
        grid=(nbn,),
        in_specs=[row_spec,
                  pl.BlockSpec((bn_, d), lambda i: (i, 0)),
                  pl.BlockSpec((bn_, d), lambda i: (i + nbn, 0)),
                  full((1, d)), full((1, d))],
        out_specs=row_spec,
        out_shape=jax.ShapeDtypeStruct((n, d), F32),
    )(h, agg, agg, gamma, beta)


def kernel(node_features, edge_index, edge_features, Wn, bn, Wq, bq, Wk, bk,
           Wv, bv, We, be, A1, b1, A2, b2, gamma, beta):
    idx3 = jnp.stack([edge_index[0].reshape(-1, CH),
                      edge_index[1].reshape(-1, CH)], axis=1)
    r = lambda x: x[None, :]
    h, vf, qa0, qa1, kaf = _project(
        node_features, Wn, r(bn), Wq, r(bq), Wk, r(bk), Wv, r(bv), A1)
    qaf = jnp.concatenate([qa0, qa1], axis=1)
    gs = _edge_gather_sum(qaf, kaf, idx3)
    s, stats = _edge_scores(gs, edge_features, We, r(be), A1, r(b1), A2,
                            r(b2))
    w16 = _softmax_weights(s, stats)
    agg = _scatter_agg(vf, w16, edge_index[0], edge_index[1])
    return _finalize(h, agg, r(gamma), r(beta))

# --- scband reference (transcript-rebuilt; emitter-appended) ---
"""Pipeline reference for scband-semantic-knowledge-graph-55722905699140 (READ-ONLY COPY).

The authoritative reference and input builder live on the scoring server;
editing this copy changes nothing except your own understanding.
"""

import jax, jax.numpy as jnp
import numpy as np

N = 10000
E = 320000
D_NODE = 128
D_EDGE = 16
NUM_HEADS = 8

def setup_inputs(seed: int = 0):
    key = jax.random.key(seed)
    ks = jax.random.split(key, 16)
    def w(k, o, i):
        return jax.random.normal(k, (o, i), jnp.float32) * 0.02
    inp = {}
    inp['node_features'] = jax.random.normal(ks[0], (N, D_NODE), jnp.float32)
    inp['edge_index'] = jax.random.randint(ks[1], (2, E), 0, N, dtype=jnp.int32)
    inp['edge_features'] = jax.random.normal(ks[2], (E, D_EDGE), jnp.float32)
    inp['Wn'] = w(ks[3], D_NODE, D_NODE); inp['bn'] = jnp.zeros((D_NODE,), jnp.float32)
    inp['Wq'] = w(ks[4], D_NODE, D_NODE); inp['bq'] = jnp.zeros((D_NODE,), jnp.float32)
    inp['Wk'] = w(ks[5], D_NODE, D_NODE); inp['bk'] = jnp.zeros((D_NODE,), jnp.float32)
    inp['Wv'] = w(ks[6], D_NODE, D_NODE); inp['bv'] = jnp.zeros((D_NODE,), jnp.float32)
    inp['We'] = w(ks[7], D_NODE, D_EDGE); inp['be'] = jnp.zeros((D_NODE,), jnp.float32)
    inp['A1'] = w(ks[8], D_NODE, 3 * D_NODE); inp['b1'] = jnp.zeros((D_NODE,), jnp.float32)
    inp['A2'] = w(ks[9], NUM_HEADS, D_NODE); inp['b2'] = jnp.zeros((NUM_HEADS,), jnp.float32)
    inp['gamma'] = jnp.ones((D_NODE,), jnp.float32)
    inp['beta'] = jnp.zeros((D_NODE,), jnp.float32)
    return inp

def reference(node_features, edge_index, edge_features, Wn, bn, Wq, bq, Wk, bk, Wv, bv, We, be, A1, b1, A2, b2, gamma, beta):
    h = node_features @ Wn.T + bn
    q = node_features @ Wq.T + bq
    k = node_features @ Wk.T + bk
    v = node_features @ Wv.T + bv
    edge_h = edge_features @ We.T + be
    src = edge_index[0]
    tgt = edge_index[1]
    attn_input = jnp.concatenate([q[src], k[tgt], edge_h], axis=-1)
    hdn = jax.nn.leaky_relu(attn_input @ A1.T + b1, negative_slope=0.2)
    attn_scores = hdn @ A2.T + b2
    attn_scores = jax.nn.leaky_relu(attn_scores, negative_slope=0.2)
    tgt_values = v[tgt]
    attn_weights = jax.nn.softmax(attn_scores.mean(axis=-1), axis=0)
    agg = jnp.zeros_like(node_features).at[src].add(attn_weights[:, None] * tgt_values)
    y = h + agg
    mu = y.mean(axis=-1, keepdims=True)
    var = y.var(axis=-1, keepdims=True)
    out = (y - mu) / jnp.sqrt(var + 1e-5) * gamma + beta
    return out

if __name__ == "__main__":
    import jax
    _d = setup_inputs()
    print(jax.jit(kernel)(*tuple(_d.values())))

</pallas_src>

<mosaic_0001>
#map = affine_map<(d0, d1) -> (0, 0)>
#map1 = affine_map<(d0, d1) -> (0, 0, 0)>
module attributes {stable_mosaic.version = 14 : i64} {
  func.func @k(%arg0: i32, %arg1: i32, %arg2: memref<10000x128xf32, #tpu.memory_space<hbm>>, %arg3: memref<10000x128xf32, #tpu.memory_space<hbm>>, %arg4: memref<4000x2x80xi32, #tpu.memory_space<hbm>>, %arg5: memref<640000x64xf32, #tpu.memory_space<hbm>>, %arg6: memref<2x80xi32, #tpu.memory_space<vmem>>, %arg7: memref<2x80xi32, #tpu.memory_space<vmem>>, %arg8: memref<80x128xf32, #tpu.memory_space<vmem>>, %arg9: memref<80x128xf32, #tpu.memory_space<vmem>>, %arg10: memref<80x128xf32, #tpu.memory_space<vmem>>, %arg11: memref<80x128xf32, #tpu.memory_space<vmem>>, %arg12: memref<80x64xf32, #tpu.memory_space<vmem>>, %arg13: memref<80x64xf32, #tpu.memory_space<vmem>>, %arg14: memref<!tpu.dma_semaphore, #tpu.memory_space<semaphore_mem>>, %arg15: memref<!tpu.dma_semaphore, #tpu.memory_space<semaphore_mem>>, %arg16: memref<!tpu.dma_semaphore, #tpu.memory_space<semaphore_mem>>, %arg17: memref<!tpu.dma_semaphore, #tpu.memory_space<semaphore_mem>>, %arg18: memref<!tpu.dma_semaphore, #tpu.memory_space<semaphore_mem>>, %arg19: memref<!tpu.dma_semaphore, #tpu.memory_space<semaphore_mem>>, %arg20: memref<!tpu.dma_semaphore, #tpu.memory_space<semaphore_mem>>, %arg21: memref<!tpu.dma_semaphore, #tpu.memory_space<semaphore_mem>>) attributes {dimension_semantics = [#tpu.dimension_semantics<core_parallel>, #tpu.dimension_semantics<subcore_parallel>], iteration_bounds = array<i64: 2, 16>, scalar_prefetch = 0 : i64, scratch_operands = 16 : i64, tpu.core_type = #tpu.core_type<sc_vector_subcore>, window_params = [{transform_indices = #map}, {transform_indices = #map}, {transform_indices = #map1}, {transform_indices = #map}]} {
    %mul3A = arith.constant 250 : i32
    %mul3A_0 = arith.muli %arg1, %mul3A : i32
    %mul3A_1 = arith.constant 320000 : i32
    %mul3A_2 = arith.muli %arg0, %mul3A_1 : i32
    %mul3A_3 = arith.constant 20000 : i32
    %mul3A_4 = arith.muli %arg1, %mul3A_3 : i32
    %add3A = arith.addi %mul3A_2, %mul3A_4 : i32
    %mul3A_5 = arith.constant 64 : i32
    %mul3A_6 = arith.muli %arg0, %mul3A_5 : i32
    %add3A_7 = arith.constant 0 : i32
    %add3A_8 = arith.addi %mul3A_0, %add3A_7 : i32
    %dma_start3A = arith.constant 0 : i32
    %dma_start3A_9 = arith.constant 0 : i32
    %dma_start3A_10 = tpu.memref_slice %arg4[%add3A_8, %dma_start3A, %dma_start3A_9] : memref<4000x2x80xi32, #tpu.memory_space<hbm>> -> memref<1x2x80xi32, #tpu.memory_space<hbm>>
    %dma_start3A_11 = tpu.memref_squeeze %dma_start3A_10 : memref<1x2x80xi32, #tpu.memory_space<hbm>> -> memref<2x80xi32, #tpu.memory_space<hbm>>
    %dma_start3A_12 = arith.constant 0 : i32
    %dma_start3A_13 = arith.constant 0 : i32
    %dma_start3A_14 = tpu.memref_slice %arg4[%add3A_8, %dma_start3A_12, %dma_start3A_13] : memref<4000x2x80xi32, #tpu.memory_space<hbm>> -> memref<1x2x80xi32, #tpu.memory_space<hbm>>
    %dma_start3A_15 = tpu.memref_squeeze %dma_start3A_14 : memref<1x2x80xi32, #tpu.memory_space<hbm>> -> memref<2x80xi32, #tpu.memory_space<hbm>>
    tpu.enqueue_dma source(%dma_start3A_15 : memref<2x80xi32, #tpu.memory_space<hbm>>) target(%arg6 : memref<2x80xi32, #tpu.memory_space<vmem>>) target_semaphore(%arg16 : memref<!tpu.dma_semaphore, #tpu.memory_space<semaphore_mem>>)
    %add3A_16 = arith.constant 0 : i32
    %add3A_17 = arith.addi %mul3A_0, %add3A_16 : i32
    %dma_wait3A = arith.constant 0 : i32
    %dma_wait3A_18 = arith.constant 0 : i32
    %dma_wait3A_19 = tpu.memref_slice %arg4[%add3A_17, %dma_wait3A, %dma_wait3A_18] : memref<4000x2x80xi32, #tpu.memory_space<hbm>> -> memref<1x2x80xi32, #tpu.memory_space<hbm>>
    %dma_wait3A_20 = tpu.memref_squeeze %dma_wait3A_19 : memref<1x2x80xi32, #tpu.memory_space<hbm>> -> memref<2x80xi32, #tpu.memory_space<hbm>>
    %dma_wait3A_21 = arith.constant 0 : i32
    %dma_wait3A_22 = arith.constant 0 : i32
    %dma_wait3A_23 = tpu.memref_slice %arg4[%add3A_17, %dma_wait3A_21, %dma_wait3A_22] : memref<4000x2x80xi32, #tpu.memory_space<hbm>> -> memref<1x2x80xi32, #tpu.memory_space<hbm>>
    %dma_wait3A_24 = tpu.memref_squeeze %dma_wait3A_23 : memref<1x2x80xi32, #tpu.memory_space<hbm>> -> memref<2x80xi32, #tpu.memory_space<hbm>>
    tpu.wait_dma2 semaphore(%arg16 : memref<!tpu.dma_semaphore, #tpu.memory_space<semaphore_mem>>) src(%dma_wait3A_24 : memref<2x80xi32, #tpu.memory_space<hbm>>) dst(%arg6 : memref<2x80xi32, #tpu.memory_space<vmem>>)
    %dma_start3A_25 = arith.constant 0 : i32
    %dma_start3A_26 = arith.constant 0 : i32
    %dma_start3A_27 = tpu.memref_slice %arg6[%dma_start3A_25, %dma_start3A_26] : memref<2x80xi32, #tpu.memory_space<vmem>> -> memref<1x80xi32, #tpu.memory_space<vmem>>
    %dma_start3A_28 = tpu.memref_squeeze %dma_start3A_27 : memref<1x80xi32, #tpu.memory_space<vmem>> -> memref<80xi32, #tpu.memory_space<vmem>>
    %dma_start3A_29 = arith.constant 0 : i32
    %dma_start3A_30 = arith.constant 0 : i32
    %dma_start3A_31 = tpu.memref_slice %arg2[%dma_start3A_29, %dma_start3A_30] : memref<10000x128xf32, #tpu.memory_space<hbm>> -> memref<10000x128xf32, #tpu.memory_space<hbm>>
    tpu.enqueue_indirect_dma source(%dma_start3A_31 : memref<10000x128xf32, #tpu.memory_space<hbm>>) target(%arg8 : memref<80x128xf32, #tpu.memory_space<vmem>>) offsets(%dma_start3A_28 : memref<80xi32, #tpu.memory_space<vmem>>) semaphore(%arg16 : memref<!tpu.dma_semaphore, #tpu.memory_space<semaphore_mem>>)
    %dma_start3A_32 = arith.constant 1 : i32
    %dma_start3A_33 = arith.constant 0 : i32
    %dma_start3A_34 = tpu.memref_slice %arg6[%dma_start3A_32, %dma_start3A_33] : memref<2x80xi32, #tpu.memory_space<vmem>> -> memref<1x80xi32, #tpu.memory_space<vmem>>
    %dma_start3A_35 = tpu.memref_squeeze %dma_start3A_34 : memref<1x80xi32, #tpu.memory_space<vmem>> -> memref<80xi32, #tpu.memory_space<vmem>>
    %dma_start3A_36 = arith.constant 0 : i32
    %dma_start3A_37 = arith.constant 0 : i32
    %dma_start3A_38 = tpu.memref_slice %arg3[%dma_start3A_36, %dma_start3A_37] : memref<10000x128xf32, #tpu.memory_space<hbm>> -> memref<10000x128xf32, #tpu.memory_space<hbm>>
    tpu.enqueue_indirect_dma source(%dma_start3A_38 : memref<10000x128xf32, #tpu.memory_space<hbm>>) target(%arg10 : memref<80x128xf32, #tpu.memory_space<vmem>>) offsets(%dma_start3A_35 : memref<80xi32, #tpu.memory_space<vmem>>) semaphore(%arg18 : memref<!tpu.dma_semaphore, #tpu.memory_space<semaphore_mem>>)
    %add3A_39 = arith.constant 1 : i32
    %add3A_40 = arith.addi %mul3A_0, %add3A_39 : i32
    %dma_start3A_41 = arith.constant 0 : i32
    %dma_start3A_42 = arith.constant 0 : i32
    %dma_start3A_43 = tpu.memref_slice %arg4[%add3A_40, %dma_start3A_41, %dma_start3A_42] : memref<4000x2x80xi32, #tpu.memory_space<hbm>> -> memref<1x2x80xi32, #tpu.memory_space<hbm>>
    %dma_start3A_44 = tpu.memref_squeeze %dma_start3A_43 : memref<1x2x80xi32, #tpu.memory_space<hbm>> -> memref<2x80xi32, #tpu.memory_space<hbm>>
    %dma_start3A_45 = arith.constant 0 : i32
    %dma_start3A_46 = arith.constant 0 : i32
    %dma_start3A_47 = tpu.memref_slice %arg4[%add3A_40, %dma_start3A_45, %dma_start3A_46] : memref<4000x2x80xi32, #tpu.memory_space<hbm>> -> memref<1x2x80xi32, #tpu.memory_space<hbm>>
    %dma_start3A_48 = tpu.memref_squeeze %dma_start3A_47 : memref<1x2x80xi32, #tpu.memory_space<hbm>> -> memref<2x80xi32, #tpu.memory_space<hbm>>
    tpu.enqueue_dma source(%dma_start3A_48 : memref<2x80xi32, #tpu.memory_space<hbm>>) target(%arg7 : memref<2x80xi32, #tpu.memory_space<vmem>>) target_semaphore(%arg17 : memref<!tpu.dma_semaphore, #tpu.memory_space<semaphore_mem>>)
    %add3A_49 = arith.constant 1 : i32
    %add3A_50 = arith.addi %mul3A_0, %add3A_49 : i32
    %dma_wait3A_51 = arith.constant 0 : i32
    %dma_wait3A_52 = arith.constant 0 : i32
    %dma_wait3A_53 = tpu.memref_slice %arg4[%add3A_50, %dma_wait3A_51, %dma_wait3A_52] : memref<4000x2x80xi32, #tpu.memory_space<hbm>> -> memref<1x2x80xi32, #tpu.memory_space<hbm>>
    %dma_wait3A_54 = tpu.memref_squeeze %dma_wait3A_53 : memref<1x2x80xi32, #tpu.memory_space<hbm>> -> memref<2x80xi32, #tpu.memory_space<hbm>>
    %dma_wait3A_55 = arith.constant 0 : i32
    %dma_wait3A_56 = arith.constant 0 : i32
    %dma_wait3A_57 = tpu.memref_slice %arg4[%add3A_50, %dma_wait3A_55, %dma_wait3A_56] : memref<4000x2x80xi32, #tpu.memory_space<hbm>> -> memref<1x2x80xi32, #tpu.memory_space<hbm>>
    %dma_wait3A_58 = tpu.memref_squeeze %dma_wait3A_57 : memref<1x2x80xi32, #tpu.memory_space<hbm>> -> memref<2x80xi32, #tpu.memory_space<hbm>>
    tpu.wait_dma2 semaphore(%arg17 : memref<!tpu.dma_semaphore, #tpu.memory_space<semaphore_mem>>) src(%dma_wait3A_58 : memref<2x80xi32, #tpu.memory_space<hbm>>) dst(%arg7 : memref<2x80xi32, #tpu.memory_space<vmem>>)
    %dma_start3A_59 = arith.constant 0 : i32
    %dma_start3A_60 = arith.constant 0 : i32
    %dma_start3A_61 = tpu.memref_slice %arg7[%dma_start3A_59, %dma_start3A_60] : memref<2x80xi32, #tpu.memory_space<vmem>> -> memref<1x80xi32, #tpu.memory_space<vmem>>
    %dma_start3A_62 = tpu.memref_squeeze %dma_start3A_61 : memref<1x80xi32, #tpu.memory_space<vmem>> -> memref<80xi32, #tpu.memory_space<vmem>>
    %dma_start3A_63 = arith.constant 0 : i32
    %dma_start3A_64 = arith.constant 0 : i32
    %dma_start3A_65 = tpu.memref_slice %arg2[%dma_start3A_63, %dma_start3A_64] : memref<10000x128xf32, #tpu.memory_space<hbm>> -> memref<10000x128xf32, #tpu.memory_space<hbm>>
    tpu.enqueue_indirect_dma source(%dma_start3A_65 : memref<10000x128xf32, #tpu.memory_space<hbm>>) target(%arg9 : memref<80x128xf32, #tpu.memory_space<vmem>>) offsets(%dma_start3A_62 : memref<80xi32, #tpu.memory_space<vmem>>) semaphore(%arg17 : memref<!tpu.dma_semaphore, #tpu.memory_space<semaphore_mem>>)
    %dma_start3A_66 = arith.constant 1 : i32
    %dma_start3A_67 = arith.constant 0 : i32
    %dma_start3A_68 = tpu.memref_slice %arg7[%dma_start3A_66, %dma_start3A_67] : memref<2x80xi32, #tpu.memory_space<vmem>> -> memref<1x80xi32, #tpu.memory_space<vmem>>
    %dma_start3A_69 = tpu.memref_squeeze %dma_start3A_68 : memref<1x80xi32, #tpu.memory_space<vmem>> -> memref<80xi32, #tpu.memory_space<vmem>>
    %dma_start3A_70 = arith.constant 0 : i32
    %dma_start3A_71 = arith.constant 0 : i32
    %dma_start3A_72 = tpu.memref_slice %arg3[%dma_start3A_70, %dma_start3A_71] : memref<10000x128xf32, #tpu.memory_space<hbm>> -> memref<10000x128xf32, #tpu.memory_space<hbm>>
    tpu.enqueue_indirect_dma source(%dma_start3A_72 : memref<10000x128xf32, #tpu.memory_space<hbm>>) target(%arg11 : memref<80x128xf32, #tpu.memory_space<vmem>>) offsets(%dma_start3A_69 : memref<80xi32, #tpu.memory_space<vmem>>) semaphore(%arg19 : memref<!tpu.dma_semaphore, #tpu.memory_space<semaphore_mem>>)
    %scan3A = arith.constant 0 : i32
    %scan3A_73 = arith.constant 0 : i32
    %scan3A_74 = arith.constant 125 : i32
    %scan3A_75 = arith.addi %scan3A_73, %scan3A_74 : i32
    %scan3A_76 = arith.constant 1 : i32
    scf.for %scan3A_90 = %scan3A_73 to %scan3A_75 step %scan3A_76  : i32 {
      %mul3A_91 = arith.constant 2 : i32
      %mul3A_92 = arith.muli %scan3A_90, %mul3A_91 : i32
      %add3A_93 = arith.constant 0 : i32
      %add3A_94 = arith.addi %mul3A_92, %add3A_93 : i32
      %dma_wait3A_95 = arith.constant 0 : i32
      %dma_wait3A_96 = arith.constant 0 : i32
      %dma_wait3A_97 = tpu.memref_slice %arg6[%dma_wait3A_95, %dma_wait3A_96] : memref<2x80xi32, #tpu.memory_space<vmem>> -> memref<1x80xi32, #tpu.memory_space<vmem>>
      %dma_wait3A_98 = tpu.memref_squeeze %dma_wait3A_97 : memref<1x80xi32, #tpu.memory_space<vmem>> -> memref<80xi32, #tpu.memory_space<vmem>>
      %dma_wait3A_99 = arith.constant 0 : i32
      %dma_wait3A_100 = arith.constant 0 : i32
      %dma_wait3A_101 = tpu.memref_slice %arg2[%dma_wait3A_99, %dma_wait3A_100] : memref<10000x128xf32, #tpu.memory_space<hbm>> -> memref<10000x128xf32, #tpu.memory_space<hbm>>
      tpu.wait_indirect_dma semaphore(%arg16 : memref<!tpu.dma_semaphore, #tpu.memory_space<semaphore_mem>>) src(%dma_wait3A_101 : memref<10000x128xf32, #tpu.memory_space<hbm>>) dst(%arg8 : memref<80x128xf32, #tpu.memory_space<vmem>>)
      %dma_wait3A_102 = arith.constant 1 : i32
      %dma_wait3A_103 = arith.constant 0 : i32
      %dma_wait3A_104 = tpu.memref_slice %arg6[%dma_wait3A_102, %dma_wait3A_103] : memref<2x80xi32, #tpu.memory_space<vmem>> -> memref<1x80xi32, #tpu.memory_space<vmem>>
      %dma_wait3A_105 = tpu.memref_squeeze %dma_wait3A_104 : memref<1x80xi32, #tpu.memory_space<vmem>> -> memref<80xi32, #tpu.memory_space<vmem>>
      %dma_wait3A_106 = arith.constant 0 : i32
      %dma_wait3A_107 = arith.constant 0 : i32
      %dma_wait3A_108 = tpu.memref_slice %arg3[%dma_wait3A_106, %dma_wait3A_107] : memref<10000x128xf32, #tpu.memory_space<hbm>> -> memref<10000x128xf32, #tpu.memory_space<hbm>>
      tpu.wait_indirect_dma semaphore(%arg18 : memref<!tpu.dma_semaphore, #tpu.memory_space<semaphore_mem>>) src(%dma_wait3A_108 : memref<10000x128xf32, #tpu.memory_space<hbm>>) dst(%arg10 : memref<80x128xf32, #tpu.memory_space<vmem>>)
      %add3A_109 = arith.constant 2 : i32
      %add3A_110 = arith.addi %add3A_94, %add3A_109 : i32
      %lt3A = arith.constant 250 : i32
      %lt3A_111 = arith.cmpi slt, %add3A_110, %lt3A : i32
      %convert_element_type3A = arith.extui %lt3A_111 : i1 to i32
      %cond3A = arith.constant 0 : i32
      %cond3A_112 = arith.cmpi ne, %convert_element_type3A, %cond3A : i32
      scf.if %cond3A_112 {
        %add3A_187 = arith.constant 2 : i32
        %add3A_188 = arith.addi %add3A_94, %add3A_187 : i32
        %add3A_189 = arith.addi %mul3A_0, %add3A_188 : i32
        %dma_start3A_190 = arith.constant 0 : i32
        %dma_start3A_191 = arith.constant 0 : i32
        %dma_start3A_192 = tpu.memref_slice %arg4[%add3A_189, %dma_start3A_190, %dma_start3A_191] : memref<4000x2x80xi32, #tpu.memory_space<hbm>> -> memref<1x2x80xi32, #tpu.memory_space<hbm>>
        %dma_start3A_193 = tpu.memref_squeeze %dma_start3A_192 : memref<1x2x80xi32, #tpu.memory_space<hbm>> -> memref<2x80xi32, #tpu.memory_space<hbm>>
        %dma_start3A_194 = arith.constant 0 : i32
        %dma_start3A_195 = arith.constant 0 : i32
        %dma_start3A_196 = tpu.memref_slice %arg4[%add3A_189, %dma_start3A_194, %dma_start3A_195] : memref<4000x2x80xi32, #tpu.memory_space<hbm>> -> memref<1x2x80xi32, #tpu.memory_space<hbm>>
        %dma_start3A_197 = tpu.memref_squeeze %dma_start3A_196 : memref<1x2x80xi32, #tpu.memory_space<hbm>> -> memref<2x80xi32, #tpu.memory_space<hbm>>
        tpu.enqueue_dma source(%dma_start3A_197 : memref<2x80xi32, #tpu.memory_space<hbm>>) target(%arg6 : memref<2x80xi32, #tpu.memory_space<vmem>>) target_semaphore(%arg16 : memref<!tpu.dma_semaphore, #tpu.memory_space<semaphore_mem>>)
      } else {
      }
      %ge3A = arith.constant 2 : i32
      %ge3A_113 = arith.cmpi sge, %add3A_94, %ge3A : i32
      %convert_element_type3A_114 = arith.extui %ge3A_113 : i1 to i32
      %cond3A_115 = arith.constant 0 : i32
      %cond3A_116 = arith.cmpi ne, %convert_element_type3A_114, %cond3A_115 : i32
      scf.if %cond3A_116 {
        %sub3A = arith.constant 2 : i32
        %sub3A_187 = arith.subi %add3A_94, %sub3A : i32
        %mul3A_188 = arith.constant 80 : i32
        %mul3A_189 = arith.muli %sub3A_187, %mul3A_188 : i32
        %add3A_190 = arith.addi %add3A, %mul3A_189 : i32
        %dma_wait3A_191 = arith.constant 0 : i32
        %dma_wait3A_192 = tpu.memref_slice %arg5[%add3A_190, %dma_wait3A_191] : memref<640000x64xf32, #tpu.memory_space<hbm>> -> memref<80x64xf32, #tpu.memory_space<hbm>>
        %dma_wait3A_193 = arith.constant 0 : i32
        %dma_wait3A_194 = tpu.memref_slice %arg5[%add3A_190, %dma_wait3A_193] : memref<640000x64xf32, #tpu.memory_space<hbm>> -> memref<80x64xf32, #tpu.memory_space<hbm>>
        tpu.wait_dma2 semaphore(%arg20 : memref<!tpu.dma_semaphore, #tpu.memory_space<semaphore_mem>>) src(%arg12 : memref<80x64xf32, #tpu.memory_space<vmem>>) dst(%dma_wait3A_194 : memref<80x64xf32, #tpu.memory_space<hbm>>)
      } else {
      }
      %scan3A_117 = arith.constant 0 : i32
      %scan3A_118 = arith.constant 0 : i32
      %scan3A_119 = arith.constant 80 : i32
      %scan3A_120 = arith.addi %scan3A_118, %scan3A_119 : i32
      %scan3A_121 = arith.constant 1 : i32
      scf.for %scan3A_187 = %scan3A_118 to %scan3A_120 step %scan3A_121  : i32 {
        %add3A_188 = arith.constant 0 : i32
        %add3A_189 = arith.addi %mul3A_6, %add3A_188 : i32
        %get3A = arith.index_cast %scan3A_187 : i32 to index
        %get3A_190 = arith.index_cast %add3A_189 : i32 to index
        %get3A_191 = tpu.vector_load %arg8[%get3A, %get3A_190] {strides = array<i32>} : memref<80x128xf32, #tpu.memory_space<vmem>>, vector<1x16xf32>,
        %get3A_192 = vector.shape_cast %get3A_191 : vector<1x16xf32> to vector<16xf32>
        %get3A_193 = arith.index_cast %scan3A_187 : i32 to index
        %get3A_194 = arith.index_cast %add3A_189 : i32 to index
        %get3A_195 = tpu.vector_load %arg10[%get3A_193, %get3A_194] {strides = array<i32>} : memref<80x128xf32, #tpu.memory_space<vmem>>, vector<1x16xf32>,
        %get3A_196 = vector.shape_cast %get3A_195 : vector<1x16xf32> to vector<16xf32>
        %add3A_197 = arith.addf %get3A_192, %get3A_196 : vector<16xf32>
        %swap3A = arith.index_cast %scan3A_187 : i32 to index
        %swap3A_198 = arith.constant 0 : index
        %swap3A_199 = tpu.vector_load %arg12[%swap3A, %swap3A_198] {strides = array<i32>} : memref<80x64xf32, #tpu.memory_space<vmem>>, vector<1x16xf32>,
        %swap3A_200 = vector.shape_cast %swap3A_199 : vector<1x16xf32> to vector<16xf32>
        %swap3A_201 = vector.shape_cast %add3A_197 : vector<16xf32> to vector<1x16xf32>
        tpu.vector_store %arg12[%swap3A, %swap3A_198], %swap3A_201 {strides = array<i32>} : memref<80x64xf32, #tpu.memory_space<vmem>>, vector<1x16xf32>,
        %add3A_202 = arith.constant 16 : i32
        %add3A_203 = arith.addi %mul3A_6, %add3A_202 : i32
        %get3A_204 = arith.index_cast %scan3A_187 : i32 to index
        %get3A_205 = arith.index_cast %add3A_203 : i32 to index
        %get3A_206 = tpu.vector_load %arg8[%get3A_204, %get3A_205] {strides = array<i32>} : memref<80x128xf32, #tpu.memory_space<vmem>>, vector<1x16xf32>,
        %get3A_207 = vector.shape_cast %get3A_206 : vector<1x16xf32> to vector<16xf32>
        %get3A_208 = arith.index_cast %scan3A_187 : i32 to index
        %get3A_209 = arith.index_cast %add3A_203 : i32 to index
        %get3A_210 = tpu.vector_load %arg10[%get3A_208, %get3A_209] {strides = array<i32>} : memref<80x128xf32, #tpu.memory_space<vmem>>, vector<1x16xf32>,
        %get3A_211 = vector.shape_cast %get3A_210 : vector<1x16xf32> to vector<16xf32>
        %add3A_212 = arith.addf %get3A_207, %get3A_211 : vector<16xf32>
        %swap3A_213 = arith.index_cast %scan3A_187 : i32 to index
        %swap3A_214 = arith.constant 16 : index
        %swap3A_215 = tpu.vector_load %arg12[%swap3A_213, %swap3A_214] {strides = array<i32>} : memref<80x64xf32, #tpu.memory_space<vmem>>, vector<1x16xf32>,
        %swap3A_216 = vector.shape_cast %swap3A_215 : vector<1x16xf32> to vector<16xf32>
        %swap3A_217 = vector.shape_cast %add3A_212 : vector<16xf32> to vector<1x16xf32>
        tpu.vector_store %arg12[%swap3A_213, %swap3A_214], %swap3A_217 {strides = array<i32>} : memref<80x64xf32, #tpu.memory_space<vmem>>, vector<1x16xf32>,
        %add3A_218 = arith.constant 32 : i32
        %add3A_219 = arith.addi %mul3A_6, %add3A_218 : i32
        %get3A_220 = arith.index_cast %scan3A_187 : i32 to index
        %get3A_221 = arith.index_cast %add3A_219 : i32 to index
        %get3A_222 = tpu.vector_load %arg8[%get3A_220, %get3A_221] {strides = array<i32>} : memref<80x128xf32, #tpu.memory_space<vmem>>, vector<1x16xf32>,
        %get3A_223 = vector.shape_cast %get3A_222 : vector<1x16xf32> to vector<16xf32>
        %get3A_224 = arith.index_cast %scan3A_187 : i32 to index
        %get3A_225 = arith.index_cast %add3A_219 : i32 to index
        %get3A_226 = tpu.vector_load %arg10[%get3A_224, %get3A_225] {strides = array<i32>} : memref<80x128xf32, #tpu.memory_space<vmem>>, vector<1x16xf32>,
        %get3A_227 = vector.shape_cast %get3A_226 : vector<1x16xf32> to vector<16xf32>
        %add3A_228 = arith.addf %get3A_223, %get3A_227 : vector<16xf32>
        %swap3A_229 = arith.index_cast %scan3A_187 : i32 to index
        %swap3A_230 = arith.constant 32 : index
        %swap3A_231 = tpu.vector_load %arg12[%swap3A_229, %swap3A_230] {strides = array<i32>} : memref<80x64xf32, #tpu.memory_space<vmem>>, vector<1x16xf32>,
        %swap3A_232 = vector.shape_cast %swap3A_231 : vector<1x16xf32> to vector<16xf32>
        %swap3A_233 = vector.shape_cast %add3A_228 : vector<16xf32> to vector<1x16xf32>
        tpu.vector_store %arg12[%swap3A_229, %swap3A_230], %swap3A_233 {strides = array<i32>} : memref<80x64xf32, #tpu.memory_space<vmem>>, vector<1x16xf32>,
        %add3A_234 = arith.constant 48 : i32
        %add3A_235 = arith.addi %mul3A_6, %add3A_234 : i32
        %get3A_236 = arith.index_cast %scan3A_187 : i32 to index
        %get3A_237 = arith.index_cast %add3A_235 : i32 to index
        %get3A_238 = tpu.vector_load %arg8[%get3A_236, %get3A_237] {strides = array<i32>} : memref<80x128xf32, #tpu.memory_space<vmem>>, vector<1x16xf32>,
        %get3A_239 = vector.shape_cast %get3A_238 : vector<1x16xf32> to vector<16xf32>
        %get3A_240 = arith.index_cast %scan3A_187 : i32 to index
        %get3A_241 = arith.index_cast %add3A_235 : i32 to index
        %get3A_242 = tpu.vector_load %arg10[%get3A_240, %get3A_241] {strides = array<i32>} : memref<80x128xf32, #tpu.memory_space<vmem>>, vector<1x16xf32>,
        %get3A_243 = vector.shape_cast %get3A_242 : vector<1x16xf32> to vector<16xf32>
        %add3A_244 = arith.addf %get3A_239, %get3A_243 : vector<16xf32>
        %swap3A_245 = arith.index_cast %scan3A_187 : i32 to index
        %swap3A_246 = arith.constant 48 : index
        %swap3A_247 = tpu.vector_load %arg12[%swap3A_245, %swap3A_246] {strides = array<i32>} : memref<80x64xf32, #tpu.memory_space<vmem>>, vector<1x16xf32>,
        %swap3A_248 = vector.shape_cast %swap3A_247 : vector<1x16xf32> to vector<16xf32>
        %swap3A_249 = vector.shape_cast %add3A_244 : vector<16xf32> to vector<1x16xf32>
        tpu.vector_store %arg12[%swap3A_245, %swap3A_246], %swap3A_249 {strides = array<i32>} : memref<80x64xf32, #tpu.memory_space<vmem>>, vector<1x16xf32>,
      }
      %scan3A_122 = arith.constant 80 : i32
      %mul3A_123 = arith.constant 80 : i32
      %mul3A_124 = arith.muli %add3A_94, %mul3A_123 : i32
      %add3A_125 = arith.addi %add3A, %mul3A_124 : i32
      %dma_start3A_126 = arith.constant 0 : i32
      %dma_start3A_127 = tpu.memref_slice %arg5[%add3A_125, %dma_start3A_126] : memref<640000x64xf32, #tpu.memory_space<hbm>> -> memref<80x64xf32, #tpu.memory_space<hbm>>
      %dma_start3A_128 = arith.constant 0 : i32
      %dma_start3A_129 = tpu.memref_slice %arg5[%add3A_125, %dma_start3A_128] : memref<640000x64xf32, #tpu.memory_space<hbm>> -> memref<80x64xf32, #tpu.memory_space<hbm>>
      tpu.enqueue_dma source(%arg12 : memref<80x64xf32, #tpu.memory_space<vmem>>) target(%dma_start3A_129 : memref<80x64xf32, #tpu.memory_space<hbm>>) target_semaphore(%arg20 : memref<!tpu.dma_semaphore, #tpu.memory_space<semaphore_mem>>)
      %add3A_130 = arith.constant 2 : i32
      %add3A_131 = arith.addi %add3A_94, %add3A_130 : i32
      %lt3A_132 = arith.constant 250 : i32
      %lt3A_133 = arith.cmpi slt, %add3A_131, %lt3A_132 : i32
      %convert_element_type3A_134 = arith.extui %lt3A_133 : i1 to i32
      %cond3A_135 = arith.constant 0 : i32
      %cond3A_136 = arith.cmpi ne, %convert_element_type3A_134, %cond3A_135 : i32
      scf.if %cond3A_136 {
        %add3A_187 = arith.constant 2 : i32
        %add3A_188 = arith.addi %add3A_94, %add3A_187 : i32
        %add3A_189 = arith.addi %mul3A_0, %add3A_188 : i32
        %dma_wait3A_190 = arith.constant 0 : i32
        %dma_wait3A_191 = arith.constant 0 : i32
        %dma_wait3A_192 = tpu.memref_slice %arg4[%add3A_189, %dma_wait3A_190, %dma_wait3A_191] : memref<4000x2x80xi32, #tpu.memory_space<hbm>> -> memref<1x2x80xi32, #tpu.memory_space<hbm>>
        %dma_wait3A_193 = tpu.memref_squeeze %dma_wait3A_192 : memref<1x2x80xi32, #tpu.memory_space<hbm>> -> memref<2x80xi32, #tpu.memory_space<hbm>>
        %dma_wait3A_194 = arith.constant 0 : i32
        %dma_wait3A_195 = arith.constant 0 : i32
        %dma_wait3A_196 = tpu.memref_slice %arg4[%add3A_189, %dma_wait3A_194, %dma_wait3A_195] : memref<4000x2x80xi32, #tpu.memory_space<hbm>> -> memref<1x2x80xi32, #tpu.memory_space<hbm>>
        %dma_wait3A_197 = tpu.memref_squeeze %dma_wait3A_196 : memref<1x2x80xi32, #tpu.memory_space<hbm>> -> memref<2x80xi32, #tpu.memory_space<hbm>>
        tpu.wait_dma2 semaphore(%arg16 : memref<!tpu.dma_semaphore, #tpu.memory_space<semaphore_mem>>) src(%dma_wait3A_197 : memref<2x80xi32, #tpu.memory_space<hbm>>) dst(%arg6 : memref<2x80xi32, #tpu.memory_space<vmem>>)
        %dma_start3A_198 = arith.constant 0 : i32
        %dma_start3A_199 = arith.constant 0 : i32
        %dma_start3A_200 = tpu.memref_slice %arg6[%dma_start3A_198, %dma_start3A_199] : memref<2x80xi32, #tpu.memory_space<vmem>> -> memref<1x80xi32, #tpu.memory_space<vmem>>
        %dma_start3A_201 = tpu.memref_squeeze %dma_start3A_200 : memref<1x80xi32, #tpu.memory_space<vmem>> -> memref<80xi32, #tpu.memory_space<vmem>>
        %dma_start3A_202 = arith.constant 0 : i32
        %dma_start3A_203 = arith.constant 0 : i32
        %dma_start3A_204 = tpu.memref_slice %arg2[%dma_start3A_202, %dma_start3A_203] : memref<10000x128xf32, #tpu.memory_space<hbm>> -> memref<10000x128xf32, #tpu.memory_space<hbm>>
        tpu.enqueue_indirect_dma source(%dma_start3A_204 : memref<10000x128xf32, #tpu.memory_space<hbm>>) target(%arg8 : memref<80x128xf32, #tpu.memory_space<vmem>>) offsets(%dma_start3A_201 : memref<80xi32, #tpu.memory_space<vmem>>) semaphore(%arg16 : memref<!tpu.dma_semaphore, #tpu.memory_space<semaphore_mem>>)
        %dma_start3A_205 = arith.constant 1 : i32
        %dma_start3A_206 = arith.constant 0 : i32
        %dma_start3A_207 = tpu.memref_slice %arg6[%dma_start3A_205, %dma_start3A_206] : memref<2x80xi32, #tpu.memory_space<vmem>> -> memref<1x80xi32, #tpu.memory_space<vmem>>
        %dma_start3A_208 = tpu.memref_squeeze %dma_start3A_207 : memref<1x80xi32, #tpu.memory_space<vmem>> -> memref<80xi32, #tpu.memory_space<vmem>>
        %dma_start3A_209 = arith.constant 0 : i32
        %dma_start3A_210 = arith.constant 0 : i32
        %dma_start3A_211 = tpu.memref_slice %arg3[%dma_start3A_209, %dma_start3A_210] : memref<10000x128xf32, #tpu.memory_space<hbm>> -> memref<10000x128xf32, #tpu.memory_space<hbm>>
        tpu.enqueue_indirect_dma source(%dma_start3A_211 : memref<10000x128xf32, #tpu.memory_space<hbm>>) target(%arg10 : memref<80x128xf32, #tpu.memory_space<vmem>>) offsets(%dma_start3A_208 : memref<80xi32, #tpu.memory_space<vmem>>) semaphore(%arg18 : memref<!tpu.dma_semaphore, #tpu.memory_space<semaphore_mem>>)
      } else {
      }
      %mul3A_137 = arith.constant 2 : i32
      %mul3A_138 = arith.muli %scan3A_90, %mul3A_137 : i32
      %add3A_139 = arith.constant 1 : i32
      %add3A_140 = arith.addi %mul3A_138, %add3A_139 : i32
      %dma_wait3A_141 = arith.constant 0 : i32
      %dma_wait3A_142 = arith.constant 0 : i32
      %dma_wait3A_143 = tpu.memref_slice %arg7[%dma_wait3A_141, %dma_wait3A_142] : memref<2x80xi32, #tpu.memory_space<vmem>> -> memref<1x80xi32, #tpu.memory_space<vmem>>
      %dma_wait3A_144 = tpu.memref_squeeze %dma_wait3A_143 : memref<1x80xi32, #tpu.memory_space<vmem>> -> memref<80xi32, #tpu.memory_space<vmem>>
      %dma_wait3A_145 = arith.constant 0 : i32
      %dma_wait3A_146 = arith.constant 0 : i32
      %dma_wait3A_147 = tpu.memref_slice %arg2[%dma_wait3A_145, %dma_wait3A_146] : memref<10000x128xf32, #tpu.memory_space<hbm>> -> memref<10000x128xf32, #tpu.memory_space<hbm>>
      tpu.wait_indirect_dma semaphore(%arg17 : memref<!tpu.dma_semaphore, #tpu.memory_space<semaphore_mem>>) src(%dma_wait3A_147 : memref<10000x128xf32, #tpu.memory_space<hbm>>) dst(%arg9 : memref<80x128xf32, #tpu.memory_space<vmem>>)
      %dma_wait3A_148 = arith.constant 1 : i32
      %dma_wait3A_149 = arith.constant 0 : i32
      %dma_wait3A_150 = tpu.memref_slice %arg7[%dma_wait3A_148, %dma_wait3A_149] : memref<2x80xi32, #tpu.memory_space<vmem>> -> memref<1x80xi32, #tpu.memory_space<vmem>>
      %dma_wait3A_151 = tpu.memref_squeeze %dma_wait3A_150 : memref<1x80xi32, #tpu.memory_space<vmem>> -> memref<80xi32, #tpu.memory_space<vmem>>
      %dma_wait3A_152 = arith.constant 0 : i32
      %dma_wait3A_153 = arith.constant 0 : i32
      %dma_wait3A_154 = tpu.memref_slice %arg3[%dma_wait3A_152, %dma_wait3A_153] : memref<10000x128xf32, #tpu.memory_space<hbm>> -> memref<10000x128xf32, #tpu.memory_space<hbm>>
      tpu.wait_indirect_dma semaphore(%arg19 : memref<!tpu.dma_semaphore, #tpu.memory_space<semaphore_mem>>) src(%dma_wait3A_154 : memref<10000x128xf32, #tpu.memory_space<hbm>>) dst(%arg11 : memref<80x128xf32, #tpu.memory_space<vmem>>)
      %add3A_155 = arith.constant 2 : i32
      %add3A_156 = arith.addi %add3A_140, %add3A_155 : i32
      %lt3A_157 = arith.constant 250 : i32
      %lt3A_158 = arith.cmpi slt, %add3A_156, %lt3A_157 : i32
      %convert_element_type3A_159 = arith.extui %lt3A_158 : i1 to i32
      %cond3A_160 = arith.constant 0 : i32
      %cond3A_161 = arith.cmpi ne, %convert_element_type3A_159, %cond3A_160 : i32
      scf.if %cond3A_161 {
        %add3A_187 = arith.constant 2 : i32
        %add3A_188 = arith.addi %add3A_140, %add3A_187 : i32
        %add3A_189 = arith.addi %mul3A_0, %add3A_188 : i32
        %dma_start3A_190 = arith.constant 0 : i32
        %dma_start3A_191 = arith.constant 0 : i32
        %dma_start3A_192 = tpu.memref_slice %arg4[%add3A_189, %dma_start3A_190, %dma_start3A_191] : memref<4000x2x80xi32, #tpu.memory_space<hbm>> -> memref<1x2x80xi32, #tpu.memory_space<hbm>>
        %dma_start3A_193 = tpu.memref_squeeze %dma_start3A_192 : memref<1x2x80xi32, #tpu.memory_space<hbm>> -> memref<2x80xi32, #tpu.memory_space<hbm>>
        %dma_start3A_194 = arith.constant 0 : i32
        %dma_start3A_195 = arith.constant 0 : i32
        %dma_start3A_196 = tpu.memref_slice %arg4[%add3A_189, %dma_start3A_194, %dma_start3A_195] : memref<4000x2x80xi32, #tpu.memory_space<hbm>> -> memref<1x2x80xi32, #tpu.memory_space<hbm>>
        %dma_start3A_197 = tpu.memref_squeeze %dma_start3A_196 : memref<1x2x80xi32, #tpu.memory_space<hbm>> -> memref<2x80xi32, #tpu.memory_space<hbm>>
        tpu.enqueue_dma source(%dma_start3A_197 : memref<2x80xi32, #tpu.memory_space<hbm>>) target(%arg7 : memref<2x80xi32, #tpu.memory_space<vmem>>) target_semaphore(%arg17 : memref<!tpu.dma_semaphore, #tpu.memory_space<semaphore_mem>>)
      } else {
      }
      %ge3A_162 = arith.constant 2 : i32
      %ge3A_163 = arith.cmpi sge, %add3A_140, %ge3A_162 : i32
      %convert_element_type3A_164 = arith.extui %ge3A_163 : i1 to i32
      %cond3A_165 = arith.constant 0 : i32
      %cond3A_166 = arith.cmpi ne, %convert_element_type3A_164, %cond3A_165 : i32
      scf.if %cond3A_166 {
        %sub3A = arith.constant 2 : i32
        %sub3A_187 = arith.subi %add3A_140, %sub3A : i32
        %mul3A_188 = arith.constant 80 : i32
        %mul3A_189 = arith.muli %sub3A_187, %mul3A_188 : i32
        %add3A_190 = arith.addi %add3A, %mul3A_189 : i32
        %dma_wait3A_191 = arith.constant 0 : i32
        %dma_wait3A_192 = tpu.memref_slice %arg5[%add3A_190, %dma_wait3A_191] : memref<640000x64xf32, #tpu.memory_space<hbm>> -> memref<80x64xf32, #tpu.memory_space<hbm>>
        %dma_wait3A_193 = arith.constant 0 : i32
        %dma_wait3A_194 = tpu.memref_slice %arg5[%add3A_190, %dma_wait3A_193] : memref<640000x64xf32, #tpu.memory_space<hbm>> -> memref<80x64xf32, #tpu.memory_space<hbm>>
        tpu.wait_dma2 semaphore(%arg21 : memref<!tpu.dma_semaphore, #tpu.memory_space<semaphore_mem>>) src(%arg13 : memref<80x64xf32, #tpu.memory_space<vmem>>) dst(%dma_wait3A_194 : memref<80x64xf32, #tpu.memory_space<hbm>>)
      } else {
      }
      %scan3A_167 = arith.constant 0 : i32
      %scan3A_168 = arith.constant 0 : i32
      %scan3A_169 = arith.constant 80 : i32
      %scan3A_170 = arith.addi %scan3A_168, %scan3A_169 : i32
      %scan3A_171 = arith.constant 1 : i32
      scf.for %scan3A_187 = %scan3A_168 to %scan3A_170 step %scan3A_171  : i32 {
        %add3A_188 = arith.constant 0 : i32
        %add3A_189 = arith.addi %mul3A_6, %add3A_188 : i32
        %get3A = arith.index_cast %scan3A_187 : i32 to index
        %get3A_190 = arith.index_cast %add3A_189 : i32 to index
        %get3A_191 = tpu.vector_load %arg9[%get3A, %get3A_190] {strides = array<i32>} : memref<80x128xf32, #tpu.memory_space<vmem>>, vector<1x16xf32>,
        %get3A_192 = vector.shape_cast %get3A_191 : vector<1x16xf32> to vector<16xf32>
        %get3A_193 = arith.index_cast %scan3A_187 : i32 to index
        %get3A_194 = arith.index_cast %add3A_189 : i32 to index
        %get3A_195 = tpu.vector_load %arg11[%get3A_193, %get3A_194] {strides = array<i32>} : memref<80x128xf32, #tpu.memory_space<vmem>>, vector<1x16xf32>,
        %get3A_196 = vector.shape_cast %get3A_195 : vector<1x16xf32> to vector<16xf32>
        %add3A_197 = arith.addf %get3A_192, %get3A_196 : vector<16xf32>
        %swap3A = arith.index_cast %scan3A_187 : i32 to index
        %swap3A_198 = arith.constant 0 : index
        %swap3A_199 = tpu.vector_load %arg13[%swap3A, %swap3A_198] {strides = array<i32>} : memref<80x64xf32, #tpu.memory_space<vmem>>, vector<1x16xf32>,
        %swap3A_200 = vector.shape_cast %swap3A_199 : vector<1x16xf32> to vector<16xf32>
        %swap3A_201 = vector.shape_cast %add3A_197 : vector<16xf32> to vector<1x16xf32>
        tpu.vector_store %arg13[%swap3A, %swap3A_198], %swap3A_201 {strides = array<i32>} : memref<80x64xf32, #tpu.memory_space<vmem>>, vector<1x16xf32>,
        %add3A_202 = arith.constant 16 : i32
        %add3A_203 = arith.addi %mul3A_6, %add3A_202 : i32
        %get3A_204 = arith.index_cast %scan3A_187 : i32 to index
        %get3A_205 = arith.index_cast %add3A_203 : i32 to index
        %get3A_206 = tpu.vector_load %arg9[%get3A_204, %get3A_205] {strides = array<i32>} : memref<80x128xf32, #tpu.memory_space<vmem>>, vector<1x16xf32>,
        %get3A_207 = vector.shape_cast %get3A_206 : vector<1x16xf32> to vector<16xf32>
        %get3A_208 = arith.index_cast %scan3A_187 : i32 to index
        %get3A_209 = arith.index_cast %add3A_203 : i32 to index
        %get3A_210 = tpu.vector_load %arg11[%get3A_208, %get3A_209] {strides = array<i32>} : memref<80x128xf32, #tpu.memory_space<vmem>>, vector<1x16xf32>,
        %get3A_211 = vector.shape_cast %get3A_210 : vector<1x16xf32> to vector<16xf32>
        %add3A_212 = arith.addf %get3A_207, %get3A_211 : vector<16xf32>
        %swap3A_213 = arith.index_cast %scan3A_187 : i32 to index
        %swap3A_214 = arith.constant 16 : index
        %swap3A_215 = tpu.vector_load %arg13[%swap3A_213, %swap3A_214] {strides = array<i32>} : memref<80x64xf32, #tpu.memory_space<vmem>>, vector<1x16xf32>,
        %swap3A_216 = vector.shape_cast %swap3A_215 : vector<1x16xf32> to vector<16xf32>
        %swap3A_217 = vector.shape_cast %add3A_212 : vector<16xf32> to vector<1x16xf32>
        tpu.vector_store %arg13[%swap3A_213, %swap3A_214], %swap3A_217 {strides = array<i32>} : memref<80x64xf32, #tpu.memory_space<vmem>>, vector<1x16xf32>,
        %add3A_218 = arith.constant 32 : i32
        %add3A_219 = arith.addi %mul3A_6, %add3A_218 : i32
        %get3A_220 = arith.index_cast %scan3A_187 : i32 to index
        %get3A_221 = arith.index_cast %add3A_219 : i32 to index
        %get3A_222 = tpu.vector_load %arg9[%get3A_220, %get3A_221] {strides = array<i32>} : memref<80x128xf32, #tpu.memory_space<vmem>>, vector<1x16xf32>,
        %get3A_223 = vector.shape_cast %get3A_222 : vector<1x16xf32> to vector<16xf32>
        %get3A_224 = arith.index_cast %scan3A_187 : i32 to index
        %get3A_225 = arith.index_cast %add3A_219 : i32 to index
        %get3A_226 = tpu.vector_load %arg11[%get3A_224, %get3A_225] {strides = array<i32>} : memref<80x128xf32, #tpu.memory_space<vmem>>, vector<1x16xf32>,
        %get3A_227 = vector.shape_cast %get3A_226 : vector<1x16xf32> to vector<16xf32>
        %add3A_228 = arith.addf %get3A_223, %get3A_227 : vector<16xf32>
        %swap3A_229 = arith.index_cast %scan3A_187 : i32 to index
        %swap3A_230 = arith.constant 32 : index
        %swap3A_231 = tpu.vector_load %arg13[%swap3A_229, %swap3A_230] {strides = array<i32>} : memref<80x64xf32, #tpu.memory_space<vmem>>, vector<1x16xf32>,
        %swap3A_232 = vector.shape_cast %swap3A_231 : vector<1x16xf32> to vector<16xf32>
        %swap3A_233 = vector.shape_cast %add3A_228 : vector<16xf32> to vector<1x16xf32>
        tpu.vector_store %arg13[%swap3A_229, %swap3A_230], %swap3A_233 {strides = array<i32>} : memref<80x64xf32, #tpu.memory_space<vmem>>, vector<1x16xf32>,
        %add3A_234 = arith.constant 48 : i32
        %add3A_235 = arith.addi %mul3A_6, %add3A_234 : i32
        %get3A_236 = arith.index_cast %scan3A_187 : i32 to index
        %get3A_237 = arith.index_cast %add3A_235 : i32 to index
        %get3A_238 = tpu.vector_load %arg9[%get3A_236, %get3A_237] {strides = array<i32>} : memref<80x128xf32, #tpu.memory_space<vmem>>, vector<1x16xf32>,
        %get3A_239 = vector.shape_cast %get3A_238 : vector<1x16xf32> to vector<16xf32>
        %get3A_240 = arith.index_cast %scan3A_187 : i32 to index
        %get3A_241 = arith.index_cast %add3A_235 : i32 to index
        %get3A_242 = tpu.vector_load %arg11[%get3A_240, %get3A_241] {strides = array<i32>} : memref<80x128xf32, #tpu.memory_space<vmem>>, vector<1x16xf32>,
        %get3A_243 = vector.shape_cast %get3A_242 : vector<1x16xf32> to vector<16xf32>
        %add3A_244 = arith.addf %get3A_239, %get3A_243 : vector<16xf32>
        %swap3A_245 = arith.index_cast %scan3A_187 : i32 to index
        %swap3A_246 = arith.constant 48 : index
        %swap3A_247 = tpu.vector_load %arg13[%swap3A_245, %swap3A_246] {strides = array<i32>} : memref<80x64xf32, #tpu.memory_space<vmem>>, vector<1x16xf32>,
        %swap3A_248 = vector.shape_cast %swap3A_247 : vector<1x16xf32> to vector<16xf32>
        %swap3A_249 = vector.shape_cast %add3A_244 : vector<16xf32> to vector<1x16xf32>
        tpu.vector_store %arg13[%swap3A_245, %swap3A_246], %swap3A_249 {strides = array<i32>} : memref<80x64xf32, #tpu.memory_space<vmem>>, vector<1x16xf32>,
      }
      %scan3A_172 = arith.constant 80 : i32
      %mul3A_173 = arith.constant 80 : i32
      %mul3A_174 = arith.muli %add3A_140, %mul3A_173 : i32
      %add3A_175 = arith.addi %add3A, %mul3A_174 : i32
      %dma_start3A_176 = arith.constant 0 : i32
      %dma_start3A_177 = tpu.memref_slice %arg5[%add3A_175, %dma_start3A_176] : memref<640000x64xf32, #tpu.memory_space<hbm>> -> memref<80x64xf32, #tpu.memory_space<hbm>>
      %dma_start3A_178 = arith.constant 0 : i32
      %dma_start3A_179 = tpu.memref_slice %arg5[%add3A_175, %dma_start3A_178] : memref<640000x64xf32, #tpu.memory_space<hbm>> -> memref<80x64xf32, #tpu.memory_space<hbm>>
      tpu.enqueue_dma source(%arg13 : memref<80x64xf32, #tpu.memory_space<vmem>>) target(%dma_start3A_179 : memref<80x64xf32, #tpu.memory_space<hbm>>) target_semaphore(%arg21 : memref<!tpu.dma_semaphore, #tpu.memory_space<semaphore_mem>>)
      %add3A_180 = arith.constant 2 : i32
      %add3A_181 = arith.addi %add3A_140, %add3A_180 : i32
      %lt3A_182 = arith.constant 250 : i32
      %lt3A_183 = arith.cmpi slt, %add3A_181, %lt3A_182 : i32
      %convert_element_type3A_184 = arith.extui %lt3A_183 : i1 to i32
      %cond3A_185 = arith.constant 0 : i32
      %cond3A_186 = arith.cmpi ne, %convert_element_type3A_184, %cond3A_185 : i32
      scf.if %cond3A_186 {
        %add3A_187 = arith.constant 2 : i32
        %add3A_188 = arith.addi %add3A_140, %add3A_187 : i32
        %add3A_189 = arith.addi %mul3A_0, %add3A_188 : i32
        %dma_wait3A_190 = arith.constant 0 : i32
        %dma_wait3A_191 = arith.constant 0 : i32
        %dma_wait3A_192 = tpu.memref_slice %arg4[%add3A_189, %dma_wait3A_190, %dma_wait3A_191] : memref<4000x2x80xi32, #tpu.memory_space<hbm>> -> memref<1x2x80xi32, #tpu.memory_space<hbm>>
        %dma_wait3A_193 = tpu.memref_squeeze %dma_wait3A_192 : memref<1x2x80xi32, #tpu.memory_space<hbm>> -> memref<2x80xi32, #tpu.memory_space<hbm>>
        %dma_wait3A_194 = arith.constant 0 : i32
        %dma_wait3A_195 = arith.constant 0 : i32
        %dma_wait3A_196 = tpu.memref_slice %arg4[%add3A_189, %dma_wait3A_194, %dma_wait3A_195] : memref<4000x2x80xi32, #tpu.memory_space<hbm>> -> memref<1x2x80xi32, #tpu.memory_space<hbm>>
        %dma_wait3A_197 = tpu.memref_squeeze %dma_wait3A_196 : memref<1x2x80xi32, #tpu.memory_space<hbm>> -> memref<2x80xi32, #tpu.memory_space<hbm>>
        tpu.wait_dma2 semaphore(%arg17 : memref<!tpu.dma_semaphore, #tpu.memory_space<semaphore_mem>>) src(%dma_wait3A_197 : memref<2x80xi32, #tpu.memory_space<hbm>>) dst(%arg7 : memref<2x80xi32, #tpu.memory_space<vmem>>)
        %dma_start3A_198 = arith.constant 0 : i32
        %dma_start3A_199 = arith.constant 0 : i32
        %dma_start3A_200 = tpu.memref_slice %arg7[%dma_start3A_198, %dma_start3A_199] : memref<2x80xi32, #tpu.memory_space<vmem>> -> memref<1x80xi32, #tpu.memory_space<vmem>>
        %dma_start3A_201 = tpu.memref_squeeze %dma_start3A_200 : memref<1x80xi32, #tpu.memory_space<vmem>> -> memref<80xi32, #tpu.memory_space<vmem>>
        %dma_start3A_202 = arith.constant 0 : i32
        %dma_start3A_203 = arith.constant 0 : i32
        %dma_start3A_204 = tpu.memref_slice %arg2[%dma_start3A_202, %dma_start3A_203] : memref<10000x128xf32, #tpu.memory_space<hbm>> -> memref<10000x128xf32, #tpu.memory_space<hbm>>
        tpu.enqueue_indirect_dma source(%dma_start3A_204 : memref<10000x128xf32, #tpu.memory_space<hbm>>) target(%arg9 : memref<80x128xf32, #tpu.memory_space<vmem>>) offsets(%dma_start3A_201 : memref<80xi32, #tpu.memory_space<vmem>>) semaphore(%arg17 : memref<!tpu.dma_semaphore, #tpu.memory_space<semaphore_mem>>)
        %dma_start3A_205 = arith.constant 1 : i32
        %dma_start3A_206 = arith.constant 0 : i32
        %dma_start3A_207 = tpu.memref_slice %arg7[%dma_start3A_205, %dma_start3A_206] : memref<2x80xi32, #tpu.memory_space<vmem>> -> memref<1x80xi32, #tpu.memory_space<vmem>>
        %dma_start3A_208 = tpu.memref_squeeze %dma_start3A_207 : memref<1x80xi32, #tpu.memory_space<vmem>> -> memref<80xi32, #tpu.memory_space<vmem>>
        %dma_start3A_209 = arith.constant 0 : i32
        %dma_start3A_210 = arith.constant 0 : i32
        %dma_start3A_211 = tpu.memref_slice %arg3[%dma_start3A_209, %dma_start3A_210] : memref<10000x128xf32, #tpu.memory_space<hbm>> -> memref<10000x128xf32, #tpu.memory_space<hbm>>
        tpu.enqueue_indirect_dma source(%dma_start3A_211 : memref<10000x128xf32, #tpu.memory_space<hbm>>) target(%arg11 : memref<80x128xf32, #tpu.memory_space<vmem>>) offsets(%dma_start3A_208 : memref<80xi32, #tpu.memory_space<vmem>>) semaphore(%arg19 : memref<!tpu.dma_semaphore, #tpu.memory_space<semaphore_mem>>)
      } else {
      }
    }
    %scan3A_77 = arith.constant 125 : i32
    %add3A_78 = arith.constant 19840 : i32
    %add3A_79 = arith.addi %add3A, %add3A_78 : i32
    %dma_wait3A_80 = arith.constant 0 : i32
    %dma_wait3A_81 = tpu.memref_slice %arg5[%add3A_79, %dma_wait3A_80] : memref<640000x64xf32, #tpu.memory_space<hbm>> -> memref<80x64xf32, #tpu.memory_space<hbm>>
    %dma_wait3A_82 = arith.constant 0 : i32
    %dma_wait3A_83 = tpu.memref_slice %arg5[%add3A_79, %dma_wait3A_82] : memref<640000x64xf32, #tpu.memory_space<hbm>> -> memref<80x64xf32, #tpu.memory_space<hbm>>
    tpu.wait_dma2 semaphore(%arg20 : memref<!tpu.dma_semaphore, #tpu.memory_space<semaphore_mem>>) src(%arg12 : memref<80x64xf32, #tpu.memory_space<vmem>>) dst(%dma_wait3A_83 : memref<80x64xf32, #tpu.memory_space<hbm>>)
    %add3A_84 = arith.constant 19920 : i32
    %add3A_85 = arith.addi %add3A, %add3A_84 : i32
    %dma_wait3A_86 = arith.constant 0 : i32
    %dma_wait3A_87 = tpu.memref_slice %arg5[%add3A_85, %dma_wait3A_86] : memref<640000x64xf32, #tpu.memory_space<hbm>> -> memref<80x64xf32, #tpu.memory_space<hbm>>
    %dma_wait3A_88 = arith.constant 0 : i32
    %dma_wait3A_89 = tpu.memref_slice %arg5[%add3A_85, %dma_wait3A_88] : memref<640000x64xf32, #tpu.memory_space<hbm>> -> memref<80x64xf32, #tpu.memory_space<hbm>>
    tpu.wait_dma2 semaphore(%arg21 : memref<!tpu.dma_semaphore, #tpu.memory_space<semaphore_mem>>) src(%arg13 : memref<80x64xf32, #tpu.memory_space<vmem>>) dst(%dma_wait3A_89 : memref<80x64xf32, #tpu.memory_space<hbm>>)
    return
  }
}

#map = affine_map<(d0, d1) -> (0, 0)>
#map1 = affine_map<(d0, d1) -> (0)>
module attributes {stable_mosaic.version = 14 : i64} {
  func.func @k(%arg0: i32, %arg1: i32, %arg2: memref<10000x128xf32, #tpu.memory_space<hbm>>, %arg3: memref<320000x16xf32, #tpu.memory_space<hbm>>, %arg4: memref<320000xi32, #tpu.memory_space<hbm>>, %arg5: memref<320000xi32, #tpu.memory_space<hbm>>, %arg6: memref<20000x128xf32, #tpu.memory_space<hbm>>, %arg7: memref<80xi32, #tpu.memory_space<vmem>>, %arg8: memref<80xi32, #tpu.memory_space<vmem>>, %arg9: memref<80xi32, #tpu.memory_space<vmem>>, %arg10: memref<80xi32, #tpu.memory_space<vmem>>, %arg11: memref<80x16xf32, #tpu.memory_space<vmem>>, %arg12: memref<80x16xf32, #tpu.memory_space<vmem>>, %arg13: memref<80x128xf32, #tpu.memory_space<vmem>>, %arg14: memref<80x128xf32, #tpu.memory_space<vmem>>, %arg15: memref<8x128xf32, #tpu.memory_space<vmem>>, %arg16: memref<10000x128xf32, #tpu.memory_space<vmem_shared>>, %arg17: memref<!tpu.dma_semaphore, #tpu.memory_space<semaphore_mem>>, %arg18: memref<!tpu.dma_semaphore, #tpu.memory_space<semaphore_mem>>, %arg19: memref<!tpu.dma_semaphore, #tpu.memory_space<semaphore_mem>>, %arg20: memref<!tpu.dma_semaphore, #tpu.memory_space<semaphore_mem>>, %arg21: memref<!tpu.dma_semaphore, #tpu.memory_space<semaphore_mem>>, %arg22: memref<!tpu.dma_semaphore, #tpu.memory_space<semaphore_mem>>, %arg23: memref<!tpu.dma_semaphore, #tpu.memory_space<semaphore_mem>>, %arg24: memref<!tpu.dma_semaphore, #tpu.memory_space<semaphore_mem>>) attributes {dimension_semantics = [#tpu.dimension_semantics<core_parallel>, #tpu.dimension_semantics<subcore_parallel>], iteration_bounds = array<i64: 2, 16>, scalar_prefetch = 0 : i64, scratch_operands = 18 : i64, tpu.core_type = #tpu.core_type<sc_vector_subcore>, window_params = [{transform_indices = #map}, {transform_indices = #map}, {transform_indices = #map1}, {transform_indices = #map1}, {transform_indices = #map}]} {
    %scan3A = arith.constant 0 : i32
    %scan3A_0 = arith.constant 0 : i32
    %scan3A_1 = arith.constant 8 : i32
    %scan3A_2 = arith.addi %scan3A_0, %scan3A_1 : i32
    %scan3A_3 = arith.constant 1 : i32
    scf.for %scan3A_110 = %scan3A_0 to %scan3A_2 step %scan3A_3  : i32 {
      %broadcast_in_dim3A = arith.constant 0.000000e+00 : f32
      %broadcast_in_dim3A_111 = vector.broadcast %broadcast_in_dim3A : f32 to vector<16xf32>
      %swap3A = arith.index_cast %scan3A_110 : i32 to index
      %swap3A_112 = arith.constant 0 : index
      %swap3A_113 = tpu.vector_load %arg15[%swap3A, %swap3A_112] {strides = array<i32>} : memref<8x128xf32, #tpu.memory_space<vmem>>, vector<1x16xf32>,
      %swap3A_114 = vector.shape_cast %swap3A_113 : vector<1x16xf32> to vector<16xf32>
      %swap3A_115 = vector.shape_cast %broadcast_in_dim3A_111 : vector<16xf32> to vector<1x16xf32>
      tpu.vector_store %arg15[%swap3A, %swap3A_112], %swap3A_115 {strides = array<i32>} : memref<8x128xf32, #tpu.memory_space<vmem>>, vector<1x16xf32>,
      %broadcast_in_dim3A_116 = arith.constant 0.000000e+00 : f32
      %broadcast_in_dim3A_117 = vector.broadcast %broadcast_in_dim3A_116 : f32 to vector<16xf32>
      %swap3A_118 = arith.index_cast %scan3A_110 : i32 to index
      %swap3A_119 = arith.constant 16 : index
      %swap3A_120 = tpu.vector_load %arg15[%swap3A_118, %swap3A_119] {strides = array<i32>} : memref<8x128xf32, #tpu.memory_space<vmem>>, vector<1x16xf32>,
      %swap3A_121 = vector.shape_cast %swap3A_120 : vector<1x16xf32> to vector<16xf32>
      %swap3A_122 = vector.shape_cast %broadcast_in_dim3A_117 : vector<16xf32> to vector<1x16xf32>
      tpu.vector_store %arg15[%swap3A_118, %swap3A_119], %swap3A_122 {strides = array<i32>} : memref<8x128xf32, #tpu.memory_space<vmem>>, vector<1x16xf32>,
      %broadcast_in_dim3A_123 = arith.constant 0.000000e+00 : f32
      %broadcast_in_dim3A_124 = vector.broadcast %broadcast_in_dim3A_123 : f32 to vector<16xf32>
      %swap3A_125 = arith.index_cast %scan3A_110 : i32 to index
      %swap3A_126 = arith.constant 32 : index
      %swap3A_127 = tpu.vector_load %arg15[%swap3A_125, %swap3A_126] {strides = array<i32>} : memref<8x128xf32, #tpu.memory_space<vmem>>, vector<1x16xf32>,
      %swap3A_128 = vector.shape_cast %swap3A_127 : vector<1x16xf32> to vector<16xf32>
      %swap3A_129 = vector.shape_cast %broadcast_in_dim3A_124 : vector<16xf32> to vector<1x16xf32>
      tpu.vector_store %arg15[%swap3A_125, %swap3A_126], %swap3A_129 {strides = array<i32>} : memref<8x128xf32, #tpu.memory_space<vmem>>, vector<1x16xf32>,
      %broadcast_in_dim3A_130 = arith.constant 0.000000e+00 : f32
      %broadcast_in_dim3A_131 = vector.broadcast %broadcast_in_dim3A_130 : f32 to vector<16xf32>
      %swap3A_132 = arith.index_cast %scan3A_110 : i32 to index
      %swap3A_133 = arith.constant 48 : index
      %swap3A_134 = tpu.vector_load %arg15[%swap3A_132, %swap3A_133] {strides = array<i32>} : memref<8x128xf32, #tpu.memory_space<vmem>>, vector<1x16xf32>,
      %swap3A_135 = vector.shape_cast %swap3A_134 : vector<1x16xf32> to vector<16xf32>
      %swap3A_136 = vector.shape_cast %broadcast_in_dim3A_131 : vector<16xf32> to vector<1x16xf32>
      tpu.vector_store %arg15[%swap3A_132, %swap3A_133], %swap3A_136 {strides = array<i32>} : memref<8x128xf32, #tpu.memory_space<vmem>>, vector<1x16xf32>,
      %broadcast_in_dim3A_137 = arith.constant 0.000000e+00 : f32
      %broadcast_in_dim3A_138 = vector.broadcast %broadcast_in_dim3A_137 : f32 to vector<16xf32>
      %swap3A_139 = arith.index_cast %scan3A_110 : i32 to index
      %swap3A_140 = arith.constant 64 : index
      %swap3A_141 = tpu.vector_load %arg15[%swap3A_139, %swap3A_140] {strides = array<i32>} : memref<8x128xf32, #tpu.memory_space<vmem>>, vector<1x16xf32>,
      %swap3A_142 = vector.shape_cast %swap3A_141 : vector<1x16xf32> to vector<16xf32>
      %swap3A_143 = vector.shape_cast %broadcast_in_dim3A_138 : vector<16xf32> to vector<1x16xf32>
      tpu.vector_store %arg15[%swap3A_139, %swap3A_140], %swap3A_143 {strides = array<i32>} : memref<8x128xf32, #tpu.memory_space<vmem>>, vector<1x16xf32>,
      %broadcast_in_dim3A_144 = arith.constant 0.000000e+00 : f32
      %broadcast_in_dim3A_145 = vector.broadcast %broadcast_in_dim3A_144 : f32 to vector<16xf32>
      %swap3A_146 = arith.index_cast %scan3A_110 : i32 to index
      %swap3A_147 = arith.constant 80 : index
      %swap3A_148 = tpu.vector_load %arg15[%swap3A_146, %swap3A_147] {strides = array<i32>} : memref<8x128xf32, #tpu.memory_space<vmem>>, vector<1x16xf32>,
      %swap3A_149 = vector.shape_cast %swap3A_148 : vector<1x16xf32> to vector<16xf32>
      %swap3A_150 = vector.shape_cast %broadcast_in_dim3A_145 : vector<16xf32> to vector<1x16xf32>
      tpu.vector_store %arg15[%swap3A_146, %swap3A_147], %swap3A_150 {strides = array<i32>} : memref<8x128xf32, #tpu.memory_space<vmem>>, vector<1x16xf32>,
      %broadcast_in_dim3A_151 = arith.constant 0.000000e+00 : f32
      %broadcast_in_dim3A_152 = vector.broadcast %broadcast_in_dim3A_151 : f32 to vector<16xf32>
      %swap3A_153 = arith.index_cast %scan3A_110 : i32 to index
      %swap3A_154 = arith.constant 96 : index
      %swap3A_155 = tpu.vector_load %arg15[%swap3A_153, %swap3A_154] {strides = array<i32>} : memref<8x128xf32, #tpu.memory_space<vmem>>, vector<1x16xf32>,
      %swap3A_156 = vector.shape_cast %swap3A_155 : vector<1x16xf32> to vector<16xf32>
      %swap3A_157 = vector.shape_cast %broadcast_in_dim3A_152 : vector<16xf32> to vector<1x16xf32>
      tpu.vector_store %arg15[%swap3A_153, %swap3A_154], %swap3A_157 {strides = array<i32>} : memref<8x128xf32, #tpu.memory_space<vmem>>, vector<1x16xf32>,
      %broadcast_in_dim3A_158 = arith.constant 0.000000e+00 : f32
      %broadcast_in_dim3A_159 = vector.broadcast %broadcast_in_dim3A_158 : f32 to vector<16xf32>
      %swap3A_160 = arith.index_cast %scan3A_110 : i32 to index
      %swap3A_161 = arith.constant 112 : index
      %swap3A_162 = tpu.vector_load %arg15[%swap3A_160, %swap3A_161] {strides = array<i32>} : memref<8x128xf32, #tpu.memory_space<vmem>>, vector<1x16xf32>,
      %swap3A_163 = vector.shape_cast %swap3A_162 : vector<1x16xf32> to vector<16xf32>
      %swap3A_164 = vector.shape_cast %broadcast_in_dim3A_159 : vector<16xf32> to vector<1x16xf32>
      tpu.vector_store %arg15[%swap3A_160, %swap3A_161], %swap3A_164 {strides = array<i32>} : memref<8x128xf32, #tpu.memory_space<vmem>>, vector<1x16xf32>,
    }
    %scan3A_4 = arith.constant 8 : i32
    %mul3A = arith.constant 624 : i32
    %mul3A_5 = arith.muli %arg1, %mul3A : i32
    %scan3A_6 = arith.constant 0 : i32
    %scan3A_7 = arith.constant 0 : i32
    %scan3A_8 = arith.constant 78 : i32
    %scan3A_9 = arith.addi %scan3A_7, %scan3A_8 : i32
    %scan3A_10 = arith.constant 1 : i32
    scf.for %scan3A_110 = %scan3A_7 to %scan3A_9 step %scan3A_10  : i32 {
      %mul3A_111 = arith.constant 8 : i32
      %mul3A_112 = arith.muli %scan3A_110, %mul3A_111 : i32
      %add3A_113 = arith.addi %mul3A_5, %mul3A_112 : i32
      "tpu.region"() ({
        %run_scoped3A = tpu.sem_alloc : memref<!tpu.dma_semaphore, #tpu.memory_space<semaphore_mem>>
        %dma_start3A_114 = arith.constant 0 : i32
        %dma_start3A_115 = tpu.memref_slice %arg16[%add3A_113, %dma_start3A_114] : memref<10000x128xf32, #tpu.memory_space<vmem_shared>> -> memref<8x128xf32, #tpu.memory_space<vmem_shared>>
        %dma_start3A_116 = arith.constant 0 : i32
        %dma_start3A_117 = tpu.memref_slice %arg16[%add3A_113, %dma_start3A_116] : memref<10000x128xf32, #tpu.memory_space<vmem_shared>> -> memref<8x128xf32, #tpu.memory_space<vmem_shared>>
        tpu.enqueue_dma source(%arg15 : memref<8x128xf32, #tpu.memory_space<vmem>>) target(%dma_start3A_117 : memref<8x128xf32, #tpu.memory_space<vmem_shared>>) target_semaphore(%run_scoped3A : memref<!tpu.dma_semaphore, #tpu.memory_space<semaphore_mem>>)
        %dma_wait3A_118 = arith.constant 0 : i32
        %dma_wait3A_119 = tpu.memref_slice %arg16[%add3A_113, %dma_wait3A_118] : memref<10000x128xf32, #tpu.memory_space<vmem_shared>> -> memref<8x128xf32, #tpu.memory_space<vmem_shared>>
        %dma_wait3A_120 = arith.constant 0 : i32
        %dma_wait3A_121 = tpu.memref_slice %arg16[%add3A_113, %dma_wait3A_120] : memref<10000x128xf32, #tpu.memory_space<vmem_shared>> -> memref<8x128xf32, #tpu.memory_space<vmem_shared>>
        tpu.wait_dma2 semaphore(%run_scoped3A : memref<!tpu.dma_semaphore, #tpu.memory_space<semaphore_mem>>) src(%arg15 : memref<8x128xf32, #tpu.memory_space<vmem>>) dst(%dma_wait3A_121 : memref<8x128xf32, #tpu.memory_space<vmem_shared>>)
        tpu.yield
      }) : () -> ()
    }
    %scan3A_11 = arith.constant 78 : i32
    %eq3A = arith.constant 15 : i32
    %eq3A_12 = arith.cmpi eq, %arg1, %eq3A : i32
    %convert_element_type3A = arith.extui %eq3A_12 : i1 to i32
    %cond3A = arith.constant 0 : i32
    %cond3A_13 = arith.cmpi ne, %convert_element_type3A, %cond3A : i32
    scf.if %cond3A_13 {
      "tpu.region"() ({
        %run_scoped3A = tpu.sem_alloc : memref<!tpu.dma_semaphore, #tpu.memory_space<semaphore_mem>>
        %dma_start3A_110 = arith.constant 9984 : i32
        %dma_start3A_111 = arith.constant 0 : i32
        %dma_start3A_112 = tpu.memref_slice %arg16[%dma_start3A_110, %dma_start3A_111] : memref<10000x128xf32, #tpu.memory_space<vmem_shared>> -> memref<8x128xf32, #tpu.memory_space<vmem_shared>>
        %dma_start3A_113 = arith.constant 9984 : i32
        %dma_start3A_114 = arith.constant 0 : i32
        %dma_start3A_115 = tpu.memref_slice %arg16[%dma_start3A_113, %dma_start3A_114] : memref<10000x128xf32, #tpu.memory_space<vmem_shared>> -> memref<8x128xf32, #tpu.memory_space<vmem_shared>>
        tpu.enqueue_dma source(%arg15 : memref<8x128xf32, #tpu.memory_space<vmem>>) target(%dma_start3A_115 : memref<8x128xf32, #tpu.memory_space<vmem_shared>>) target_semaphore(%run_scoped3A : memref<!tpu.dma_semaphore, #tpu.memory_space<semaphore_mem>>)
        %dma_wait3A_116 = arith.constant 9984 : i32
        %dma_wait3A_117 = arith.constant 0 : i32
        %dma_wait3A_118 = tpu.memref_slice %arg16[%dma_wait3A_116, %dma_wait3A_117] : memref<10000x128xf32, #tpu.memory_space<vmem_shared>> -> memref<8x128xf32, #tpu.memory_space<vmem_shared>>
        %dma_wait3A_119 = arith.constant 9984 : i32
        %dma_wait3A_120 = arith.constant 0 : i32
        %dma_wait3A_121 = tpu.memref_slice %arg16[%dma_wait3A_119, %dma_wait3A_120] : memref<10000x128xf32, #tpu.memory_space<vmem_shared>> -> memref<8x128xf32, #tpu.memory_space<vmem_shared>>
        tpu.wait_dma2 semaphore(%run_scoped3A : memref<!tpu.dma_semaphore, #tpu.memory_space<semaphore_mem>>) src(%arg15 : memref<8x128xf32, #tpu.memory_space<vmem>>) dst(%dma_wait3A_121 : memref<8x128xf32, #tpu.memory_space<vmem_shared>>)
        tpu.yield
      }) : () -> ()
      "tpu.region"() ({
        %run_scoped3A = tpu.sem_alloc : memref<!tpu.dma_semaphore, #tpu.memory_space<semaphore_mem>>
        %dma_start3A_110 = arith.constant 9992 : i32
        %dma_start3A_111 = arith.constant 0 : i32
        %dma_start3A_112 = tpu.memref_slice %arg16[%dma_start3A_110, %dma_start3A_111] : memref<10000x128xf32, #tpu.memory_space<vmem_shared>> -> memref<8x128xf32, #tpu.memory_space<vmem_shared>>
        %dma_start3A_113 = arith.constant 9992 : i32
        %dma_start3A_114 = arith.constant 0 : i32
        %dma_start3A_115 = tpu.memref_slice %arg16[%dma_start3A_113, %dma_start3A_114] : memref<10000x128xf32, #tpu.memory_space<vmem_shared>> -> memref<8x128xf32, #tpu.memory_space<vmem_shared>>
        tpu.enqueue_dma source(%arg15 : memref<8x128xf32, #tpu.memory_space<vmem>>) target(%dma_start3A_115 : memref<8x128xf32, #tpu.memory_space<vmem_shared>>) target_semaphore(%run_scoped3A : memref<!tpu.dma_semaphore, #tpu.memory_space<semaphore_mem>>)
        %dma_wait3A_116 = arith.constant 9992 : i32
        %dma_wait3A_117 = arith.constant 0 : i32
        %dma_wait3A_118 = tpu.memref_slice %arg16[%dma_wait3A_116, %dma_wait3A_117] : memref<10000x128xf32, #tpu.memory_space<vmem_shared>> -> memref<8x128xf32, #tpu.memory_space<vmem_shared>>
        %dma_wait3A_119 = arith.constant 9992 : i32
        %dma_wait3A_120 = arith.constant 0 : i32
        %dma_wait3A_121 = tpu.memref_slice %arg16[%dma_wait3A_119, %dma_wait3A_120] : memref<10000x128xf32, #tpu.memory_space<vmem_shared>> -> memref<8x128xf32, #tpu.memory_space<vmem_shared>>
        tpu.wait_dma2 semaphore(%run_scoped3A : memref<!tpu.dma_semaphore, #tpu.memory_space<semaphore_mem>>) src(%arg15 : memref<8x128xf32, #tpu.memory_space<vmem>>) dst(%dma_wait3A_121 : memref<8x128xf32, #tpu.memory_space<vmem_shared>>)
        tpu.yield
      }) : () -> ()
    } else {
    }
    %barrier3A = arith.constant 0 : index
    tpu.barrier barrier_id(%barrier3A)
    %lt3A = arith.constant 15 : i32
    %lt3A_14 = arith.cmpi slt, %arg1, %lt3A : i32
    %jit3A = arith.constant 126 : i32
    %jit3A_15 = arith.constant 110 : i32
    %select_n3A = arith.select %lt3A_14, %jit3A, %jit3A_15 : i32
    %mul3A_16 = arith.constant 160000 : i32
    %mul3A_17 = arith.muli %arg0, %mul3A_16 : i32
    %lt3A_18 = arith.constant 15 : i32
    %lt3A_19 = arith.cmpi slt, %arg1, %lt3A_18 : i32
    %mul3A_20 = arith.constant 126 : i32
    %mul3A_21 = arith.muli %arg1, %mul3A_20 : i32
    %jit3A_22 = arith.constant 1890 : i32
    %select_n3A_23 = arith.select %lt3A_19, %mul3A_21, %jit3A_22 : i32
    %mul3A_24 = arith.constant 80 : i32
    %mul3A_25 = arith.muli %select_n3A_23, %mul3A_24 : i32
    %add3A = arith.addi %mul3A_17, %mul3A_25 : i32
    %add3A_26 = arith.constant 0 : i32
    %add3A_27 = arith.addi %add3A, %add3A_26 : i32
    %dma_start3A = tpu.memref_slice %arg4[%add3A_27] : memref<320000xi32, #tpu.memory_space<hbm>> -> memref<80xi32, #tpu.memory_space<hbm>>
    %dma_start3A_28 = tpu.memref_slice %arg4[%add3A_27] : memref<320000xi32, #tpu.memory_space<hbm>> -> memref<80xi32, #tpu.memory_space<hbm>>
    tpu.enqueue_dma source(%dma_start3A_28 : memref<80xi32, #tpu.memory_space<hbm>>) target(%arg7 : memref<80xi32, #tpu.memory_space<vmem>>) target_semaphore(%arg17 : memref<!tpu.dma_semaphore, #tpu.memory_space<semaphore_mem>>)
    %add3A_29 = arith.constant 0 : i32
    %add3A_30 = arith.addi %add3A, %add3A_29 : i32
    %dma_start3A_31 = tpu.memref_slice %arg5[%add3A_30] : memref<320000xi32, #tpu.memory_space<hbm>> -> memref<80xi32, #tpu.memory_space<hbm>>
    %dma_start3A_32 = tpu.memref_slice %arg5[%add3A_30] : memref<320000xi32, #tpu.memory_space<hbm>> -> memref<80xi32, #tpu.memory_space<hbm>>
    tpu.enqueue_dma source(%dma_start3A_32 : memref<80xi32, #tpu.memory_space<hbm>>) target(%arg9 : memref<80xi32, #tpu.memory_space<vmem>>) target_semaphore(%arg19 : memref<!tpu.dma_semaphore, #tpu.memory_space<semaphore_mem>>)
    %add3A_33 = arith.constant 0 : i32
    %add3A_34 = arith.addi %add3A, %add3A_33 : i32
    %dma_wait3A = tpu.memref_slice %arg4[%add3A_34] : memref<320000xi32, #tpu.memory_space<hbm>> -> memref<80xi32, #tpu.memory_space<hbm>>
    %dma_wait3A_35 = tpu.memref_slice %arg4[%add3A_34] : memref<320000xi32, #tpu.memory_space<hbm>> -> memref<80xi32, #tpu.memory_space<hbm>>
    tpu.wait_dma2 semaphore(%arg17 : memref<!tpu.dma_semaphore, #tpu.memory_space<semaphore_mem>>) src(%dma_wait3A_35 : memref<80xi32, #tpu.memory_space<hbm>>) dst(%arg7 : memref<80xi32, #tpu.memory_space<vmem>>)
    %add3A_36 = arith.constant 0 : i32
    %add3A_37 = arith.addi %add3A, %add3A_36 : i32
    %dma_wait3A_38 = tpu.memref_slice %arg5[%add3A_37] : memref<320000xi32, #tpu.memory_space<hbm>> -> memref<80xi32, #tpu.memory_space<hbm>>
    %dma_wait3A_39 = tpu.memref_slice %arg5[%add3A_37] : memref<320000xi32, #tpu.memory_space<hbm>> -> memref<80xi32, #tpu.memory_space<hbm>>
    tpu.wait_dma2 semaphore(%arg19 : memref<!tpu.dma_semaphore, #tpu.memory_space<semaphore_mem>>) src(%dma_wait3A_39 : memref<80xi32, #tpu.memory_space<hbm>>) dst(%arg9 : memref<80xi32, #tpu.memory_space<vmem>>)
    %dma_start3A_40 = arith.constant 0 : i32
    %dma_start3A_41 = arith.constant 0 : i32
    %dma_start3A_42 = tpu.memref_slice %arg2[%dma_start3A_40, %dma_start3A_41] : memref<10000x128xf32, #tpu.memory_space<hbm>> -> memref<10000x128xf32, #tpu.memory_space<hbm>>
    tpu.enqueue_indirect_dma source(%dma_start3A_42 : memref<10000x128xf32, #tpu.memory_space<hbm>>) target(%arg13 : memref<80x128xf32, #tpu.memory_space<vmem>>) offsets(%arg9 : memref<80xi32, #tpu.memory_space<vmem>>) semaphore(%arg21 : memref<!tpu.dma_semaphore, #tpu.memory_space<semaphore_mem>>)
    %add3A_43 = arith.constant 0 : i32
    %add3A_44 = arith.addi %add3A, %add3A_43 : i32
    %dma_start3A_45 = arith.constant 0 : i32
    %dma_start3A_46 = tpu.memref_slice %arg3[%add3A_44, %dma_start3A_45] : memref<320000x16xf32, #tpu.memory_space<hbm>> -> memref<80x16xf32, #tpu.memory_space<hbm>>
    %dma_start3A_47 = arith.constant 0 : i32
    %dma_start3A_48 = tpu.memref_slice %arg3[%add3A_44, %dma_start3A_47] : memref<320000x16xf32, #tpu.memory_space<hbm>> -> memref<80x16xf32, #tpu.memory_space<hbm>>
    tpu.enqueue_dma source(%dma_start3A_48 : memref<80x16xf32, #tpu.memory_space<hbm>>) target(%arg11 : memref<80x16xf32, #tpu.memory_space<vmem>>) target_semaphore(%arg23 : memref<!tpu.dma_semaphore, #tpu.memory_space<semaphore_mem>>)
    %add3A_49 = arith.constant 80 : i32
    %add3A_50 = arith.addi %add3A, %add3A_49 : i32
    %dma_start3A_51 = tpu.memref_slice %arg4[%add3A_50] : memref<320000xi32, #tpu.memory_space<hbm>> -> memref<80xi32, #tpu.memory_space<hbm>>
    %dma_start3A_52 = tpu.memref_slice %arg4[%add3A_50] : memref<320000xi32, #tpu.memory_space<hbm>> -> memref<80xi32, #tpu.memory_space<hbm>>
    tpu.enqueue_dma source(%dma_start3A_52 : memref<80xi32, #tpu.memory_space<hbm>>) target(%arg8 : memref<80xi32, #tpu.memory_space<vmem>>) target_semaphore(%arg18 : memref<!tpu.dma_semaphore, #tpu.memory_space<semaphore_mem>>)
    %add3A_53 = arith.constant 80 : i32
    %add3A_54 = arith.addi %add3A, %add3A_53 : i32
    %dma_start3A_55 = tpu.memref_slice %arg5[%add3A_54] : memref<320000xi32, #tpu.memory_space<hbm>> -> memref<80xi32, #tpu.memory_space<hbm>>
    %dma_start3A_56 = tpu.memref_slice %arg5[%add3A_54] : memref<320000xi32, #tpu.memory_space<hbm>> -> memref<80xi32, #tpu.memory_space<hbm>>
    tpu.enqueue_dma source(%dma_start3A_56 : memref<80xi32, #tpu.memory_space<hbm>>) target(%arg10 : memref<80xi32, #tpu.memory_space<vmem>>) target_semaphore(%arg20 : memref<!tpu.dma_semaphore, #tpu.memory_space<semaphore_mem>>)
    %add3A_57 = arith.constant 80 : i32
    %add3A_58 = arith.addi %add3A, %add3A_57 : i32
    %dma_wait3A_59 = tpu.memref_slice %arg4[%add3A_58] : memref<320000xi32, #tpu.memory_space<hbm>> -> memref<80xi32, #tpu.memory_space<hbm>>
    %dma_wait3A_60 = tpu.memref_slice %arg4[%add3A_58] : memref<320000xi32, #tpu.memory_space<hbm>> -> memref<80xi32, #tpu.memory_space<hbm>>
    tpu.wait_dma2 semaphore(%arg18 : memref<!tpu.dma_semaphore, #tpu.memory_space<semaphore_mem>>) src(%dma_wait3A_60 : memref<80xi32, #tpu.memory_space<hbm>>) dst(%arg8 : memref<80xi32, #tpu.memory_space<vmem>>)
    %add3A_61 = arith.constant 80 : i32
    %add3A_62 = arith.addi %add3A, %add3A_61 : i32
    %dma_wait3A_63 = tpu.memref_slice %arg5[%add3A_62] : memref<320000xi32, #tpu.memory_space<hbm>> -> memref<80xi32, #tpu.memory_space<hbm>>
    %dma_wait3A_64 = tpu.memref_slice %arg5[%add3A_62] : memref<320000xi32, #tpu.memory_space<hbm>> -> memref<80xi32, #tpu.memory_space<hbm>>
    tpu.wait_dma2 semaphore(%arg20 : memref<!tpu.dma_semaphore, #tpu.memory_space<semaphore_mem>>) src(%dma_wait3A_64 : memref<80xi32, #tpu.memory_space<hbm>>) dst(%arg10 : memref<80xi32, #tpu.memory_space<vmem>>)
    %dma_start3A_65 = arith.constant 0 : i32
    %dma_start3A_66 = arith.constant 0 : i32
    %dma_start3A_67 = tpu.memref_slice %arg2[%dma_start3A_65, %dma_start3A_66] : memref<10000x128xf32, #tpu.memory_space<hbm>> -> memref<10000x128xf32, #tpu.memory_space<hbm>>
    tpu.enqueue_indirect_dma source(%dma_start3A_67 : memref<10000x128xf32, #tpu.memory_space<hbm>>) target(%arg14 : memref<80x128xf32, #tpu.memory_space<vmem>>) offsets(%arg10 : memref<80xi32, #tpu.memory_space<vmem>>) semaphore(%arg22 : memref<!tpu.dma_semaphore, #tpu.memory_space<semaphore_mem>>)
    %add3A_68 = arith.constant 80 : i32
    %add3A_69 = arith.addi %add3A, %add3A_68 : i32
    %dma_start3A_70 = arith.constant 0 : i32
    %dma_start3A_71 = tpu.memref_slice %arg3[%add3A_69, %dma_start3A_70] : memref<320000x16xf32, #tpu.memory_space<hbm>> -> memref<80x16xf32, #tpu.memory_space<hbm>>
    %dma_start3A_72 = arith.constant 0 : i32
    %dma_start3A_73 = tpu.memref_slice %arg3[%add3A_69, %dma_start3A_72] : memref<320000x16xf32, #tpu.memory_space<hbm>> -> memref<80x16xf32, #tpu.memory_space<hbm>>
    tpu.enqueue_dma source(%dma_start3A_73 : memref<80x16xf32, #tpu.memory_space<hbm>>) target(%arg12 : memref<80x16xf32, #tpu.memory_space<vmem>>) target_semaphore(%arg24 : memref<!tpu.dma_semaphore, #tpu.memory_space<semaphore_mem>>)
    %jit3A_74 = arith.constant 2 : i32
    %div3A = arith.divsi %select_n3A, %jit3A_74 : i32
    %sign3A = arith.constant 0 : i32
    %sign3A_75 = arith.cmpi sgt, %select_n3A, %sign3A : i32
    %sign3A_76 = arith.extui %sign3A_75 : i1 to i32
    %sign3A_77 = arith.constant 0 : i32
    %sign3A_78 = arith.cmpi slt, %select_n3A, %sign3A_77 : i32
    %sign3A_79 = arith.extui %sign3A_78 : i1 to i32
    %sign3A_80 = arith.subi %sign3A_76, %sign3A_79 : i32
    %sign3A_81 = arith.constant 0 : i32
    %sign3A_82 = arith.cmpi sgt, %jit3A_74, %sign3A_81 : i32
    %sign3A_83 = arith.extui %sign3A_82 : i1 to i32
    %sign3A_84 = arith.constant 0 : i32
    %sign3A_85 = arith.cmpi slt, %jit3A_74, %sign3A_84 : i32
    %sign3A_86 = arith.extui %sign3A_85 : i1 to i32
    %sign3A_87 = arith.subi %sign3A_83, %sign3A_86 : i32
    %ne3A = arith.cmpi ne, %sign3A_80, %sign3A_87 : i32
    %rem3A = arith.remsi %select_n3A, %jit3A_74 : i32
    %ne3A_88 = arith.constant 0 : i32
    %ne3A_89 = arith.cmpi ne, %rem3A, %ne3A_88 : i32
    %and3A = arith.andi %ne3A, %ne3A_89 : i1
    %sub3A = arith.constant 1 : i32
    %sub3A_90 = arith.subi %div3A, %sub3A : i32
    %select_n3A_91 = arith.select %and3A, %sub3A_90, %div3A : i32
    %while3A = arith.constant 0 : i32
    %while3A_92 = arith.constant 0 : i32
    %while3A_93 = arith.subi %select_n3A_91, %while3A_92 : i32
    %while3A_94 = arith.addi %while3A_92, %while3A_93 : i32
    %while3A_95 = arith.constant 1 : i32
    %while3A_96 = arith.divsi %while3A_93, %while3A_95 : i32
    %while3A_97 = arith.muli %while3A_96, %while3A_95 : i32
    %while3A_98 = arith.addi %while3A_92, %while3A_97 : i32
    %while3A_99 = arith.constant 1 : i32
    scf.for %while3A_110 = %while3A_92 to %while3A_98 step %while3A_99  : i32 {
      %mul3A_111 = arith.constant 2 : i32
      %mul3A_112 = arith.muli %while3A_110, %mul3A_111 : i32
      %add3A_113 = arith.constant 0 : i32
      %add3A_114 = arith.addi %mul3A_112, %add3A_113 : i32
      %dma_wait3A_115 = arith.constant 0 : i32
      %dma_wait3A_116 = arith.constant 0 : i32
      %dma_wait3A_117 = tpu.memref_slice %arg2[%dma_wait3A_115, %dma_wait3A_116] : memref<10000x128xf32, #tpu.memory_space<hbm>> -> memref<10000x128xf32, #tpu.memory_space<hbm>>
      tpu.wait_indirect_dma semaphore(%arg21 : memref<!tpu.dma_semaphore, #tpu.memory_space<semaphore_mem>>) src(%dma_wait3A_117 : memref<10000x128xf32, #tpu.memory_space<hbm>>) dst(%arg13 : memref<80x128xf32, #tpu.memory_space<vmem>>)
      %mul3A_118 = arith.constant 80 : i32
      %mul3A_119 = arith.muli %add3A_114, %mul3A_118 : i32
      %add3A_120 = arith.addi %add3A, %mul3A_119 : i32
      %dma_wait3A_121 = arith.constant 0 : i32
      %dma_wait3A_122 = tpu.memref_slice %arg3[%add3A_120, %dma_wait3A_121] : memref<320000x16xf32, #tpu.memory_space<hbm>> -> memref<80x16xf32, #tpu.memory_space<hbm>>
      %dma_wait3A_123 = arith.constant 0 : i32
      %dma_wait3A_124 = tpu.memref_slice %arg3[%add3A_120, %dma_wait3A_123] : memref<320000x16xf32, #tpu.memory_space<hbm>> -> memref<80x16xf32, #tpu.memory_space<hbm>>
      tpu.wait_dma2 semaphore(%arg23 : memref<!tpu.dma_semaphore, #tpu.memory_space<semaphore_mem>>) src(%dma_wait3A_124 : memref<80x16xf32, #tpu.memory_space<hbm>>) dst(%arg11 : memref<80x16xf32, #tpu.memory_space<vmem>>)
      %scan3A_125 = arith.constant 0 : i32
      %scan3A_126 = arith.constant 0 : i32
      %scan3A_127 = arith.constant 80 : i32
      %scan3A_128 = arith.addi %scan3A_126, %scan3A_127 : i32
      %scan3A_129 = arith.constant 1 : i32
      scf.for %scan3A_163 = %scan3A_126 to %scan3A_128 step %scan3A_129  : i32 {
        %get3A = arith.index_cast %scan3A_163 : i32 to index
        %get3A_164 = arith.constant 0 : index
        %get3A_165 = tpu.vector_load %arg11[%get3A, %get3A_164] {strides = array<i32>} : memref<80x16xf32, #tpu.memory_space<vmem>>, vector<1x16xf32>,
        %get3A_166 = vector.shape_cast %get3A_165 : vector<1x16xf32> to vector<16xf32>
        %get3A_167 = arith.index_cast %scan3A_163 : i32 to index
        %get3A_168 = arith.constant 0 : index
        %get3A_169 = tpu.vector_load %arg13[%get3A_167, %get3A_168] {strides = array<i32>} : memref<80x128xf32, #tpu.memory_space<vmem>>, vector<1x16xf32>,
        %get3A_170 = vector.shape_cast %get3A_169 : vector<1x16xf32> to vector<16xf32>
        %mul3A_171 = arith.mulf %get3A_170, %get3A_166 : vector<16xf32>
        %swap3A = arith.index_cast %scan3A_163 : i32 to index
        %swap3A_172 = arith.constant 0 : index
        %swap3A_173 = tpu.vector_load %arg13[%swap3A, %swap3A_172] {strides = array<i32>} : memref<80x128xf32, #tpu.memory_space<vmem>>, vector<1x16xf32>,
        %swap3A_174 = vector.shape_cast %swap3A_173 : vector<1x16xf32> to vector<16xf32>
        %swap3A_175 = vector.shape_cast %mul3A_171 : vector<16xf32> to vector<1x16xf32>
        tpu.vector_store %arg13[%swap3A, %swap3A_172], %swap3A_175 {strides = array<i32>} : memref<80x128xf32, #tpu.memory_space<vmem>>, vector<1x16xf32>,
        %get3A_176 = arith.index_cast %scan3A_163 : i32 to index
        %get3A_177 = arith.constant 16 : index
        %get3A_178 = tpu.vector_load %arg13[%get3A_176, %get3A_177] {strides = array<i32>} : memref<80x128xf32, #tpu.memory_space<vmem>>, vector<1x16xf32>,
        %get3A_179 = vector.shape_cast %get3A_178 : vector<1x16xf32> to vector<16xf32>
        %mul3A_180 = arith.mulf %get3A_179, %get3A_166 : vector<16xf32>
        %swap3A_181 = arith.index_cast %scan3A_163 : i32 to index
        %swap3A_182 = arith.constant 16 : index
        %swap3A_183 = tpu.vector_load %arg13[%swap3A_181, %swap3A_182] {strides = array<i32>} : memref<80x128xf32, #tpu.memory_space<vmem>>, vector<1x16xf32>,
        %swap3A_184 = vector.shape_cast %swap3A_183 : vector<1x16xf32> to vector<16xf32>
        %swap3A_185 = vector.shape_cast %mul3A_180 : vector<16xf32> to vector<1x16xf32>
        tpu.vector_store %arg13[%swap3A_181, %swap3A_182], %swap3A_185 {strides = array<i32>} : memref<80x128xf32, #tpu.memory_space<vmem>>, vector<1x16xf32>,
        %get3A_186 = arith.index_cast %scan3A_163 : i32 to index
        %get3A_187 = arith.constant 32 : index
        %get3A_188 = tpu.vector_load %arg13[%get3A_186, %get3A_187] {strides = array<i32>} : memref<80x128xf32, #tpu.memory_space<vmem>>, vector<1x16xf32>,
        %get3A_189 = vector.shape_cast %get3A_188 : vector<1x16xf32> to vector<16xf32>
        %mul3A_190 = arith.mulf %get3A_189, %get3A_166 : vector<16xf32>
        %swap3A_191 = arith.index_cast %scan3A_163 : i32 to index
        %swap3A_192 = arith.constant 32 : index
        %swap3A_193 = tpu.vector_load %arg13[%swap3A_191, %swap3A_192] {strides = array<i32>} : memref<80x128xf32, #tpu.memory_space<vmem>>, vector<1x16xf32>,
        %swap3A_194 = vector.shape_cast %swap3A_193 : vector<1x16xf32> to vector<16xf32>
        %swap3A_195 = vector.shape_cast %mul3A_190 : vector<16xf32> to vector<1x16xf32>
        tpu.vector_store %arg13[%swap3A_191, %swap3A_192], %swap3A_195 {strides = array<i32>} : memref<80x128xf32, #tpu.memory_space<vmem>>, vector<1x16xf32>,
        %get3A_196 = arith.index_cast %scan3A_163 : i32 to index
        %get3A_197 = arith.constant 48 : index
        %get3A_198 = tpu.vector_load %arg13[%get3A_196, %get3A_197] {strides = array<i32>} : memref<80x128xf32, #tpu.memory_space<vmem>>, vector<1x16xf32>,
        %get3A_199 = vector.shape_cast %get3A_198 : vector<1x16xf32> to vector<16xf32>
        %mul3A_200 = arith.mulf %get3A_199, %get3A_166 : vector<16xf32>
        %swap3A_201 = arith.index_cast %scan3A_163 : i32 to index
        %swap3A_202 = arith.constant 48 : index
        %swap3A_203 = tpu.vector_load %arg13[%swap3A_201, %swap3A_202] {strides = array<i32>} : memref<80x128xf32, #tpu.memory_space<vmem>>, vector<1x16xf32>,
        %swap3A_204 = vector.shape_cast %swap3A_203 : vector<1x16xf32> to vector<16xf32>
        %swap3A_205 = vector.shape_cast %mul3A_200 : vector<16xf32> to vector<1x16xf32>
        tpu.vector_store %arg13[%swap3A_201, %swap3A_202], %swap3A_205 {strides = array<i32>} : memref<80x128xf32, #tpu.memory_space<vmem>>, vector<1x16xf32>,
        %get3A_206 = arith.index_cast %scan3A_163 : i32 to index
        %get3A_207 = arith.constant 64 : index
        %get3A_208 = tpu.vector_load %arg13[%get3A_206, %get3A_207] {strides = array<i32>} : memref<80x128xf32, #tpu.memory_space<vmem>>, vector<1x16xf32>,
        %get3A_209 = vector.shape_cast %get3A_208 : vector<1x16xf32> to vector<16xf32>
        %mul3A_210 = arith.mulf %get3A_209, %get3A_166 : vector<16xf32>
        %swap3A_211 = arith.index_cast %scan3A_163 : i32 to index
        %swap3A_212 = arith.constant 64 : index
        %swap3A_213 = tpu.vector_load %arg13[%swap3A_211, %swap3A_212] {strides = array<i32>} : memref<80x128xf32, #tpu.memory_space<vmem>>, vector<1x16xf32>,
        %swap3A_214 = vector.shape_cast %swap3A_213 : vector<1x16xf32> to vector<16xf32>
        %swap3A_215 = vector.shape_cast %mul3A_210 : vector<16xf32> to vector<1x16xf32>
        tpu.vector_store %arg13[%swap3A_211, %swap3A_212], %swap3A_215 {strides = array<i32>} : memref<80x128xf32, #tpu.memory_space<vmem>>, vector<1x16xf32>,
        %get3A_216 = arith.index_cast %scan3A_163 : i32 to index
        %get3A_217 = arith.constant 80 : index
        %get3A_218 = tpu.vector_load %arg13[%get3A_216, %get3A_217] {strides = array<i32>} : memref<80x128xf32, #tpu.memory_space<vmem>>, vector<1x16xf32>,
        %get3A_219 = vector.shape_cast %get3A_218 : vector<1x16xf32> to vector<16xf32>
        %mul3A_220 = arith.mulf %get3A_219, %get3A_166 : vector<16xf32>
        %swap3A_221 = arith.index_cast %scan3A_163 : i32 to index
        %swap3A_222 = arith.constant 80 : index
        %swap3A_223 = tpu.vector_load %arg13[%swap3A_221, %swap3A_222] {strides = array<i32>} : memref<80x128xf32, #tpu.memory_space<vmem>>, vector<1x16xf32>,
        %swap3A_224 = vector.shape_cast %swap3A_223 : vector<1x16xf32> to vector<16xf32>
        %swap3A_225 = vector.shape_cast %mul3A_220 : vector<16xf32> to vector<1x16xf32>
        tpu.vector_store %arg13[%swap3A_221, %swap3A_222], %swap3A_225 {strides = array<i32>} : memref<80x128xf32, #tpu.memory_space<vmem>>, vector<1x16xf32>,
        %get3A_226 = arith.index_cast %scan3A_163 : i32 to index
        %get3A_227 = arith.constant 96 : index
        %get3A_228 = tpu.vector_load %arg13[%get3A_226, %get3A_227] {strides = array<i32>} : memref<80x128xf32, #tpu.memory_space<vmem>>, vector<1x16xf32>,
        %get3A_229 = vector.shape_cast %get3A_228 : vector<1x16xf32> to vector<16xf32>
        %mul3A_230 = arith.mulf %get3A_229, %get3A_166 : vector<16xf32>
        %swap3A_231 = arith.index_cast %scan3A_163 : i32 to index
        %swap3A_232 = arith.constant 96 : index
        %swap3A_233 = tpu.vector_load %arg13[%swap3A_231, %swap3A_232] {strides = array<i32>} : memref<80x128xf32, #tpu.memory_space<vmem>>, vector<1x16xf32>,
        %swap3A_234 = vector.shape_cast %swap3A_233 : vector<1x16xf32> to vector<16xf32>
        %swap3A_235 = vector.shape_cast %mul3A_230 : vector<16xf32> to vector<1x16xf32>
        tpu.vector_store %arg13[%swap3A_231, %swap3A_232], %swap3A_235 {strides = array<i32>} : memref<80x128xf32, #tpu.memory_space<vmem>>, vector<1x16xf32>,
        %get3A_236 = arith.index_cast %scan3A_163 : i32 to index
        %get3A_237 = arith.constant 112 : index
        %get3A_238 = tpu.vector_load %arg13[%get3A_236, %get3A_237] {strides = array<i32>} : memref<80x128xf32, #tpu.memory_space<vmem>>, vector<1x16xf32>,
        %get3A_239 = vector.shape_cast %get3A_238 : vector<1x16xf32> to vector<16xf32>
        %mul3A_240 = arith.mulf %get3A_239, %get3A_166 : vector<16xf32>
        %swap3A_241 = arith.index_cast %scan3A_163 : i32 to index
        %swap3A_242 = arith.constant 112 : index
        %swap3A_243 = tpu.vector_load %arg13[%swap3A_241, %swap3A_242] {strides = array<i32>} : memref<80x128xf32, #tpu.memory_space<vmem>>, vector<1x16xf32>,
        %swap3A_244 = vector.shape_cast %swap3A_243 : vector<1x16xf32> to vector<16xf32>
        %swap3A_245 = vector.shape_cast %mul3A_240 : vector<16xf32> to vector<1x16xf32>
        tpu.vector_store %arg13[%swap3A_241, %swap3A_242], %swap3A_245 {strides = array<i32>} : memref<80x128xf32, #tpu.memory_space<vmem>>, vector<1x16xf32>,
      }
      %scan3A_130 = arith.constant 80 : i32
      "tpu.region"() ({
        %run_scoped3A = tpu.sem_alloc : memref<!tpu.dma_semaphore, #tpu.memory_space<semaphore_mem>>
        %dma_start3A_163 = arith.constant 0 : i32
        %dma_start3A_164 = arith.constant 0 : i32
        %dma_start3A_165 = tpu.memref_slice %arg16[%dma_start3A_163, %dma_start3A_164] : memref<10000x128xf32, #tpu.memory_space<vmem_shared>> -> memref<10000x128xf32, #tpu.memory_space<vmem_shared>>
        tpu.enqueue_indirect_dma source(%arg13 : memref<80x128xf32, #tpu.memory_space<vmem>>) target(%dma_start3A_165 : memref<10000x128xf32, #tpu.memory_space<vmem_shared>>) offsets(%arg7 : memref<80xi32, #tpu.memory_space<vmem>>) semaphore(%run_scoped3A : memref<!tpu.dma_semaphore, #tpu.memory_space<semaphore_mem>>) {add = true}
        %dma_wait3A_166 = arith.constant 0 : i32
        %dma_wait3A_167 = arith.constant 0 : i32
        %dma_wait3A_168 = tpu.memref_slice %arg16[%dma_wait3A_166, %dma_wait3A_167] : memref<10000x128xf32, #tpu.memory_space<vmem_shared>> -> memref<10000x128xf32, #tpu.memory_space<vmem_shared>>
        tpu.wait_indirect_dma semaphore(%run_scoped3A : memref<!tpu.dma_semaphore, #tpu.memory_space<semaphore_mem>>) src(%arg13 : memref<80x128xf32, #tpu.memory_space<vmem>>) dst(%dma_wait3A_168 : memref<10000x128xf32, #tpu.memory_space<vmem_shared>>)
        tpu.yield
      }) : () -> ()
      %add3A_131 = arith.constant 2 : i32
      %add3A_132 = arith.addi %add3A_114, %add3A_131 : i32
      %lt3A_133 = arith.cmpi slt, %add3A_132, %select_n3A : i32
      %convert_element_type3A_134 = arith.extui %lt3A_133 : i1 to i32
      %cond3A_135 = arith.constant 0 : i32
      %cond3A_136 = arith.cmpi ne, %convert_element_type3A_134, %cond3A_135 : i32
      scf.if %cond3A_136 {
        %add3A_163 = arith.constant 2 : i32
        %add3A_164 = arith.addi %add3A_114, %add3A_163 : i32
        %mul3A_165 = arith.constant 80 : i32
        %mul3A_166 = arith.muli %add3A_164, %mul3A_165 : i32
        %add3A_167 = arith.addi %add3A, %mul3A_166 : i32
        %dma_start3A_168 = tpu.memref_slice %arg4[%add3A_167] : memref<320000xi32, #tpu.memory_space<hbm>> -> memref<80xi32, #tpu.memory_space<hbm>>
        %dma_start3A_169 = tpu.memref_slice %arg4[%add3A_167] : memref<320000xi32, #tpu.memory_space<hbm>> -> memref<80xi32, #tpu.memory_space<hbm>>
        tpu.enqueue_dma source(%dma_start3A_169 : memref<80xi32, #tpu.memory_space<hbm>>) target(%arg7 : memref<80xi32, #tpu.memory_space<vmem>>) target_semaphore(%arg17 : memref<!tpu.dma_semaphore, #tpu.memory_space<semaphore_mem>>)
        %mul3A_170 = arith.constant 80 : i32
        %mul3A_171 = arith.muli %add3A_164, %mul3A_170 : i32
        %add3A_172 = arith.addi %add3A, %mul3A_171 : i32
        %dma_start3A_173 = tpu.memref_slice %arg5[%add3A_172] : memref<320000xi32, #tpu.memory_space<hbm>> -> memref<80xi32, #tpu.memory_space<hbm>>
        %dma_start3A_174 = tpu.memref_slice %arg5[%add3A_172] : memref<320000xi32, #tpu.memory_space<hbm>> -> memref<80xi32, #tpu.memory_space<hbm>>
        tpu.enqueue_dma source(%dma_start3A_174 : memref<80xi32, #tpu.memory_space<hbm>>) target(%arg9 : memref<80xi32, #tpu.memory_space<vmem>>) target_semaphore(%arg19 : memref<!tpu.dma_semaphore, #tpu.memory_space<semaphore_mem>>)
        %add3A_175 = arith.constant 2 : i32
        %add3A_176 = arith.addi %add3A_114, %add3A_175 : i32
        %mul3A_177 = arith.constant 80 : i32
        %mul3A_178 = arith.muli %add3A_176, %mul3A_177 : i32
        %add3A_179 = arith.addi %add3A, %mul3A_178 : i32
        %dma_wait3A_180 = tpu.memref_slice %arg4[%add3A_179] : memref<320000xi32, #tpu.memory_space<hbm>> -> memref<80xi32, #tpu.memory_space<hbm>>
        %dma_wait3A_181 = tpu.memref_slice %arg4[%add3A_179] : memref<320000xi32, #tpu.memory_space<hbm>> -> memref<80xi32, #tpu.memory_space<hbm>>
        tpu.wait_dma2 semaphore(%arg17 : memref<!tpu.dma_semaphore, #tpu.memory_space<semaphore_mem>>) src(%dma_wait3A_181 : memref<80xi32, #tpu.memory_space<hbm>>) dst(%arg7 : memref<80xi32, #tpu.memory_space<vmem>>)
        %mul3A_182 = arith.constant 80 : i32
        %mul3A_183 = arith.muli %add3A_176, %mul3A_182 : i32
        %add3A_184 = arith.addi %add3A, %mul3A_183 : i32
        %dma_wait3A_185 = tpu.memref_slice %arg5[%add3A_184] : memref<320000xi32, #tpu.memory_space<hbm>> -> memref<80xi32, #tpu.memory_space<hbm>>
        %dma_wait3A_186 = tpu.memref_slice %arg5[%add3A_184] : memref<320000xi32, #tpu.memory_space<hbm>> -> memref<80xi32, #tpu.memory_space<hbm>>
        tpu.wait_dma2 semaphore(%arg19 : memref<!tpu.dma_semaphore, #tpu.memory_space<semaphore_mem>>) src(%dma_wait3A_186 : memref<80xi32, #tpu.memory_space<hbm>>) dst(%arg9 : memref<80xi32, #tpu.memory_space<vmem>>)
        %add3A_187 = arith.constant 2 : i32
        %add3A_188 = arith.addi %add3A_114, %add3A_187 : i32
        %dma_start3A_189 = arith.constant 0 : i32
        %dma_start3A_190 = arith.constant 0 : i32
        %dma_start3A_191 = tpu.memref_slice %arg2[%dma_start3A_189, %dma_start3A_190] : memref<10000x128xf32, #tpu.memory_space<hbm>> -> memref<10000x128xf32, #tpu.memory_space<hbm>>
        tpu.enqueue_indirect_dma source(%dma_start3A_191 : memref<10000x128xf32, #tpu.memory_space<hbm>>) target(%arg13 : memref<80x128xf32, #tpu.memory_space<vmem>>) offsets(%arg9 : memref<80xi32, #tpu.memory_space<vmem>>) semaphore(%arg21 : memref<!tpu.dma_semaphore, #tpu.memory_space<semaphore_mem>>)
        %mul3A_192 = arith.constant 80 : i32
        %mul3A_193 = arith.muli %add3A_188, %mul3A_192 : i32
        %add3A_194 = arith.addi %add3A, %mul3A_193 : i32
        %dma_start3A_195 = arith.constant 0 : i32
        %dma_start3A_196 = tpu.memref_slice %arg3[%add3A_194, %dma_start3A_195] : memref<320000x16xf32, #tpu.memory_space<hbm>> -> memref<80x16xf32, #tpu.memory_space<hbm>>
        %dma_start3A_197 = arith.constant 0 : i32
        %dma_start3A_198 = tpu.memref_slice %arg3[%add3A_194, %dma_start3A_197] : memref<320000x16xf32, #tpu.memory_space<hbm>> -> memref<80x16xf32, #tpu.memory_space<hbm>>
        tpu.enqueue_dma source(%dma_start3A_198 : memref<80x16xf32, #tpu.memory_space<hbm>>) target(%arg11 : memref<80x16xf32, #tpu.memory_space<vmem>>) target_semaphore(%arg23 : memref<!tpu.dma_semaphore, #tpu.memory_space<semaphore_mem>>)
      } else {
      }
      %mul3A_137 = arith.constant 2 : i32
      %mul3A_138 = arith.muli %while3A_110, %mul3A_137 : i32
      %add3A_139 = arith.constant 1 : i32
      %add3A_140 = arith.addi %mul3A_138, %add3A_139 : i32
      %dma_wait3A_141 = arith.constant 0 : i32
      %dma_wait3A_142 = arith.constant 0 : i32
      %dma_wait3A_143 = tpu.memref_slice %arg2[%dma_wait3A_141, %dma_wait3A_142] : memref<10000x128xf32, #tpu.memory_space<hbm>> -> memref<10000x128xf32, #tpu.memory_space<hbm>>
      tpu.wait_indirect_dma semaphore(%arg22 : memref<!tpu.dma_semaphore, #tpu.memory_space<semaphore_mem>>) src(%dma_wait3A_143 : memref<10000x128xf32, #tpu.memory_space<hbm>>) dst(%arg14 : memref<80x128xf32, #tpu.memory_space<vmem>>)
      %mul3A_144 = arith.constant 80 : i32
      %mul3A_145 = arith.muli %add3A_140, %mul3A_144 : i32
      %add3A_146 = arith.addi %add3A, %mul3A_145 : i32
      %dma_wait3A_147 = arith.constant 0 : i32
      %dma_wait3A_148 = tpu.memref_slice %arg3[%add3A_146, %dma_wait3A_147] : memref<320000x16xf32, #tpu.memory_space<hbm>> -> memref<80x16xf32, #tpu.memory_space<hbm>>
      %dma_wait3A_149 = arith.constant 0 : i32
      %dma_wait3A_150 = tpu.memref_slice %arg3[%add3A_146, %dma_wait3A_149] : memref<320000x16xf32, #tpu.memory_space<hbm>> -> memref<80x16xf32, #tpu.memory_space<hbm>>
      tpu.wait_dma2 semaphore(%arg24 : memref<!tpu.dma_semaphore, #tpu.memory_space<semaphore_mem>>) src(%dma_wait3A_150 : memref<80x16xf32, #tpu.memory_space<hbm>>) dst(%arg12 : memref<80x16xf32, #tpu.memory_space<vmem>>)
      %scan3A_151 = arith.constant 0 : i32
      %scan3A_152 = arith.constant 0 : i32
      %scan3A_153 = arith.constant 80 : i32
      %scan3A_154 = arith.addi %scan3A_152, %scan3A_153 : i32
      %scan3A_155 = arith.constant 1 : i32
      scf.for %scan3A_163 = %scan3A_152 to %scan3A_154 step %scan3A_155  : i32 {
        %get3A = arith.index_cast %scan3A_163 : i32 to index
        %get3A_164 = arith.constant 0 : index
        %get3A_165 = tpu.vector_load %arg12[%get3A, %get3A_164] {strides = array<i32>} : memref<80x16xf32, #tpu.memory_space<vmem>>, vector<1x16xf32>,
        %get3A_166 = vector.shape_cast %get3A_165 : vector<1x16xf32> to vector<16xf32>
        %get3A_167 = arith.index_cast %scan3A_163 : i32 to index
        %get3A_168 = arith.constant 0 : index
        %get3A_169 = tpu.vector_load %arg14[%get3A_167, %get3A_168] {strides = array<i32>} : memref<80x128xf32, #tpu.memory_space<vmem>>, vector<1x16xf32>,
        %get3A_170 = vector.shape_cast %get3A_169 : vector<1x16xf32> to vector<16xf32>
        %mul3A_171 = arith.mulf %get3A_170, %get3A_166 : vector<16xf32>
        %swap3A = arith.index_cast %scan3A_163 : i32 to index
        %swap3A_172 = arith.constant 0 : index
        %swap3A_173 = tpu.vector_load %arg14[%swap3A, %swap3A_172] {strides = array<i32>} : memref<80x128xf32, #tpu.memory_space<vmem>>, vector<1x16xf32>,
        %swap3A_174 = vector.shape_cast %swap3A_173 : vector<1x16xf32> to vector<16xf32>
        %swap3A_175 = vector.shape_cast %mul3A_171 : vector<16xf32> to vector<1x16xf32>
        tpu.vector_store %arg14[%swap3A, %swap3A_172], %swap3A_175 {strides = array<i32>} : memref<80x128xf32, #tpu.memory_space<vmem>>, vector<1x16xf32>,
        %get3A_176 = arith.index_cast %scan3A_163 : i32 to index
        %get3A_177 = arith.constant 16 : index
        %get3A_178 = tpu.vector_load %arg14[%get3A_176, %get3A_177] {strides = array<i32>} : memref<80x128xf32, #tpu.memory_space<vmem>>, vector<1x16xf32>,
        %get3A_179 = vector.shape_cast %get3A_178 : vector<1x16xf32> to vector<16xf32>
        %mul3A_180 = arith.mulf %get3A_179, %get3A_166 : vector<16xf32>
        %swap3A_181 = arith.index_cast %scan3A_163 : i32 to index
        %swap3A_182 = arith.constant 16 : index
        %swap3A_183 = tpu.vector_load %arg14[%swap3A_181, %swap3A_182] {strides = array<i32>} : memref<80x128xf32, #tpu.memory_space<vmem>>, vector<1x16xf32>,
        %swap3A_184 = vector.shape_cast %swap3A_183 : vector<1x16xf32> to vector<16xf32>
        %swap3A_185 = vector.shape_cast %mul3A_180 : vector<16xf32> to vector<1x16xf32>
        tpu.vector_store %arg14[%swap3A_181, %swap3A_182], %swap3A_185 {strides = array<i32>} : memref<80x128xf32, #tpu.memory_space<vmem>>, vector<1x16xf32>,
        %get3A_186 = arith.index_cast %scan3A_163 : i32 to index
        %get3A_187 = arith.constant 32 : index
        %get3A_188 = tpu.vector_load %arg14[%get3A_186, %get3A_187] {strides = array<i32>} : memref<80x128xf32, #tpu.memory_space<vmem>>, vector<1x16xf32>,
        %get3A_189 = vector.shape_cast %get3A_188 : vector<1x16xf32> to vector<16xf32>
        %mul3A_190 = arith.mulf %get3A_189, %get3A_166 : vector<16xf32>
        %swap3A_191 = arith.index_cast %scan3A_163 : i32 to index
        %swap3A_192 = arith.constant 32 : index
        %swap3A_193 = tpu.vector_load %arg14[%swap3A_191, %swap3A_192] {strides = array<i32>} : memref<80x128xf32, #tpu.memory_space<vmem>>, vector<1x16xf32>,
        %swap3A_194 = vector.shape_cast %swap3A_193 : vector<1x16xf32> to vector<16xf32>
        %swap3A_195 = vector.shape_cast %mul3A_190 : vector<16xf32> to vector<1x16xf32>
        tpu.vector_store %arg14[%swap3A_191, %swap3A_192], %swap3A_195 {strides = array<i32>} : memref<80x128xf32, #tpu.memory_space<vmem>>, vector<1x16xf32>,
        %get3A_196 = arith.index_cast %scan3A_163 : i32 to index
        %get3A_197 = arith.constant 48 : index
        %get3A_198 = tpu.vector_load %arg14[%get3A_196, %get3A_197] {strides = array<i32>} : memref<80x128xf32, #tpu.memory_space<vmem>>, vector<1x16xf32>,
        %get3A_199 = vector.shape_cast %get3A_198 : vector<1x16xf32> to vector<16xf32>
        %mul3A_200 = arith.mulf %get3A_199, %get3A_166 : vector<16xf32>
        %swap3A_201 = arith.index_cast %scan3A_163 : i32 to index
        %swap3A_202 = arith.constant 48 : index
        %swap3A_203 = tpu.vector_load %arg14[%swap3A_201, %swap3A_202] {strides = array<i32>} : memref<80x128xf32, #tpu.memory_space<vmem>>, vector<1x16xf32>,
        %swap3A_204 = vector.shape_cast %swap3A_203 : vector<1x16xf32> to vector<16xf32>
        %swap3A_205 = vector.shape_cast %mul3A_200 : vector<16xf32> to vector<1x16xf32>
        tpu.vector_store %arg14[%swap3A_201, %swap3A_202], %swap3A_205 {strides = array<i32>} : memref<80x128xf32, #tpu.memory_space<vmem>>, vector<1x16xf32>,
        %get3A_206 = arith.index_cast %scan3A_163 : i32 to index
        %get3A_207 = arith.constant 64 : index
        %get3A_208 = tpu.vector_load %arg14[%get3A_206, %get3A_207] {strides = array<i32>} : memref<80x128xf32, #tpu.memory_space<vmem>>, vector<1x16xf32>,
        %get3A_209 = vector.shape_cast %get3A_208 : vector<1x16xf32> to vector<16xf32>
        %mul3A_210 = arith.mulf %get3A_209, %get3A_166 : vector<16xf32>
        %swap3A_211 = arith.index_cast %scan3A_163 : i32 to index
        %swap3A_212 = arith.constant 64 : index
        %swap3A_213 = tpu.vector_load %arg14[%swap3A_211, %swap3A_212] {strides = array<i32>} : memref<80x128xf32, #tpu.memory_space<vmem>>, vector<1x16xf32>,
        %swap3A_214 = vector.shape_cast %swap3A_213 : vector<1x16xf32> to vector<16xf32>
        %swap3A_215 = vector.shape_cast %mul3A_210 : vector<16xf32> to vector<1x16xf32>
        tpu.vector_store %arg14[%swap3A_211, %swap3A_212], %swap3A_215 {strides = array<i32>} : memref<80x128xf32, #tpu.memory_space<vmem>>, vector<1x16xf32>,
        %get3A_216 = arith.index_cast %scan3A_163 : i32 to index
        %get3A_217 = arith.constant 80 : index
        %get3A_218 = tpu.vector_load %arg14[%get3A_216, %get3A_217] {strides = array<i32>} : memref<80x128xf32, #tpu.memory_space<vmem>>, vector<1x16xf32>,
        %get3A_219 = vector.shape_cast %get3A_218 : vector<1x16xf32> to vector<16xf32>
        %mul3A_220 = arith.mulf %get3A_219, %get3A_166 : vector<16xf32>
        %swap3A_221 = arith.index_cast %scan3A_163 : i32 to index
        %swap3A_222 = arith.constant 80 : index
        %swap3A_223 = tpu.vector_load %arg14[%swap3A_221, %swap3A_222] {strides = array<i32>} : memref<80x128xf32, #tpu.memory_space<vmem>>, vector<1x16xf32>,
        %swap3A_224 = vector.shape_cast %swap3A_223 : vector<1x16xf32> to vector<16xf32>
        %swap3A_225 = vector.shape_cast %mul3A_220 : vector<16xf32> to vector<1x16xf32>
        tpu.vector_store %arg14[%swap3A_221, %swap3A_222], %swap3A_225 {strides = array<i32>} : memref<80x128xf32, #tpu.memory_space<vmem>>, vector<1x16xf32>,
        %get3A_226 = arith.index_cast %scan3A_163 : i32 to index
        %get3A_227 = arith.constant 96 : index
        %get3A_228 = tpu.vector_load %arg14[%get3A_226, %get3A_227] {strides = array<i32>} : memref<80x128xf32, #tpu.memory_space<vmem>>, vector<1x16xf32>,
        %get3A_229 = vector.shape_cast %get3A_228 : vector<1x16xf32> to vector<16xf32>
        %mul3A_230 = arith.mulf %get3A_229, %get3A_166 : vector<16xf32>
        %swap3A_231 = arith.index_cast %scan3A_163 : i32 to index
        %swap3A_232 = arith.constant 96 : index
        %swap3A_233 = tpu.vector_load %arg14[%swap3A_231, %swap3A_232] {strides = array<i32>} : memref<80x128xf32, #tpu.memory_space<vmem>>, vector<1x16xf32>,
        %swap3A_234 = vector.shape_cast %swap3A_233 : vector<1x16xf32> to vector<16xf32>
        %swap3A_235 = vector.shape_cast %mul3A_230 : vector<16xf32> to vector<1x16xf32>
        tpu.vector_store %arg14[%swap3A_231, %swap3A_232], %swap3A_235 {strides = array<i32>} : memref<80x128xf32, #tpu.memory_space<vmem>>, vector<1x16xf32>,
        %get3A_236 = arith.index_cast %scan3A_163 : i32 to index
        %get3A_237 = arith.constant 112 : index
        %get3A_238 = tpu.vector_load %arg14[%get3A_236, %get3A_237] {strides = array<i32>} : memref<80x128xf32, #tpu.memory_space<vmem>>, vector<1x16xf32>,
        %get3A_239 = vector.shape_cast %get3A_238 : vector<1x16xf32> to vector<16xf32>
        %mul3A_240 = arith.mulf %get3A_239, %get3A_166 : vector<16xf32>
        %swap3A_241 = arith.index_cast %scan3A_163 : i32 to index
        %swap3A_242 = arith.constant 112 : index
        %swap3A_243 = tpu.vector_load %arg14[%swap3A_241, %swap3A_242] {strides = array<i32>} : memref<80x128xf32, #tpu.memory_space<vmem>>, vector<1x16xf32>,
        %swap3A_244 = vector.shape_cast %swap3A_243 : vector<1x16xf32> to vector<16xf32>
        %swap3A_245 = vector.shape_cast %mul3A_240 : vector<16xf32> to vector<1x16xf32>
        tpu.vector_store %arg14[%swap3A_241, %swap3A_242], %swap3A_245 {strides = array<i32>} : memref<80x128xf32, #tpu.memory_space<vmem>>, vector<1x16xf32>,
      }
      %scan3A_156 = arith.constant 80 : i32
      "tpu.region"() ({
        %run_scoped3A = tpu.sem_alloc : memref<!tpu.dma_semaphore, #tpu.memory_space<semaphore_mem>>
        %dma_start3A_163 = arith.constant 0 : i32
        %dma_start3A_164 = arith.constant 0 : i32
        %dma_start3A_165 = tpu.memref_slice %arg16[%dma_start3A_163, %dma_start3A_164] : memref<10000x128xf32, #tpu.memory_space<vmem_shared>> -> memref<10000x128xf32, #tpu.memory_space<vmem_shared>>
        tpu.enqueue_indirect_dma source(%arg14 : memref<80x128xf32, #tpu.memory_space<vmem>>) target(%dma_start3A_165 : memref<10000x128xf32, #tpu.memory_space<vmem_shared>>) offsets(%arg8 : memref<80xi32, #tpu.memory_space<vmem>>) semaphore(%run_scoped3A : memref<!tpu.dma_semaphore, #tpu.memory_space<semaphore_mem>>) {add = true}
        %dma_wait3A_166 = arith.constant 0 : i32
        %dma_wait3A_167 = arith.constant 0 : i32
        %dma_wait3A_168 = tpu.memref_slice %arg16[%dma_wait3A_166, %dma_wait3A_167] : memref<10000x128xf32, #tpu.memory_space<vmem_shared>> -> memref<10000x128xf32, #tpu.memory_space<vmem_shared>>
        tpu.wait_indirect_dma semaphore(%run_scoped3A : memref<!tpu.dma_semaphore, #tpu.memory_space<semaphore_mem>>) src(%arg14 : memref<80x128xf32, #tpu.memory_space<vmem>>) dst(%dma_wait3A_168 : memref<10000x128xf32, #tpu.memory_space<vmem_shared>>)
        tpu.yield
      }) : () -> ()
      %add3A_157 = arith.constant 2 : i32
      %add3A_158 = arith.addi %add3A_140, %add3A_157 : i32
      %lt3A_159 = arith.cmpi slt, %add3A_158, %select_n3A : i32
      %convert_element_type3A_160 = arith.extui %lt3A_159 : i1 to i32
      %cond3A_161 = arith.constant 0 : i32
      %cond3A_162 = arith.cmpi ne, %convert_element_type3A_160, %cond3A_161 : i32
      scf.if %cond3A_162 {
        %add3A_163 = arith.constant 2 : i32
        %add3A_164 = arith.addi %add3A_140, %add3A_163 : i32
        %mul3A_165 = arith.constant 80 : i32
        %mul3A_166 = arith.muli %add3A_164, %mul3A_165 : i32
        %add3A_167 = arith.addi %add3A, %mul3A_166 : i32
        %dma_start3A_168 = tpu.memref_slice %arg4[%add3A_167] : memref<320000xi32, #tpu.memory_space<hbm>> -> memref<80xi32, #tpu.memory_space<hbm>>
        %dma_start3A_169 = tpu.memref_slice %arg4[%add3A_167] : memref<320000xi32, #tpu.memory_space<hbm>> -> memref<80xi32, #tpu.memory_space<hbm>>
        tpu.enqueue_dma source(%dma_start3A_169 : memref<80xi32, #tpu.memory_space<hbm>>) target(%arg8 : memref<80xi32, #tpu.memory_space<vmem>>) target_semaphore(%arg18 : memref<!tpu.dma_semaphore, #tpu.memory_space<semaphore_mem>>)
        %mul3A_170 = arith.constant 80 : i32
        %mul3A_171 = arith.muli %add3A_164, %mul3A_170 : i32
        %add3A_172 = arith.addi %add3A, %mul3A_171 : i32
        %dma_start3A_173 = tpu.memref_slice %arg5[%add3A_172] : memref<320000xi32, #tpu.memory_space<hbm>> -> memref<80xi32, #tpu.memory_space<hbm>>
        %dma_start3A_174 = tpu.memref_slice %arg5[%add3A_172] : memref<320000xi32, #tpu.memory_space<hbm>> -> memref<80xi32, #tpu.memory_space<hbm>>
        tpu.enqueue_dma source(%dma_start3A_174 : memref<80xi32, #tpu.memory_space<hbm>>) target(%arg10 : memref<80xi32, #tpu.memory_space<vmem>>) target_semaphore(%arg20 : memref<!tpu.dma_semaphore, #tpu.memory_space<semaphore_mem>>)
        %add3A_175 = arith.constant 2 : i32
        %add3A_176 = arith.addi %add3A_140, %add3A_175 : i32
        %mul3A_177 = arith.constant 80 : i32
        %mul3A_178 = arith.muli %add3A_176, %mul3A_177 : i32
        %add3A_179 = arith.addi %add3A, %mul3A_178 : i32
        %dma_wait3A_180 = tpu.memref_slice %arg4[%add3A_179] : memref<320000xi32, #tpu.memory_space<hbm>> -> memref<80xi32, #tpu.memory_space<hbm>>
        %dma_wait3A_181 = tpu.memref_slice %arg4[%add3A_179] : memref<320000xi32, #tpu.memory_space<hbm>> -> memref<80xi32, #tpu.memory_space<hbm>>
        tpu.wait_dma2 semaphore(%arg18 : memref<!tpu.dma_semaphore, #tpu.memory_space<semaphore_mem>>) src(%dma_wait3A_181 : memref<80xi32, #tpu.memory_space<hbm>>) dst(%arg8 : memref<80xi32, #tpu.memory_space<vmem>>)
        %mul3A_182 = arith.constant 80 : i32
        %mul3A_183 = arith.muli %add3A_176, %mul3A_182 : i32
        %add3A_184 = arith.addi %add3A, %mul3A_183 : i32
        %dma_wait3A_185 = tpu.memref_slice %arg5[%add3A_184] : memref<320000xi32, #tpu.memory_space<hbm>> -> memref<80xi32, #tpu.memory_space<hbm>>
        %dma_wait3A_186 = tpu.memref_slice %arg5[%add3A_184] : memref<320000xi32, #tpu.memory_space<hbm>> -> memref<80xi32, #tpu.memory_space<hbm>>
        tpu.wait_dma2 semaphore(%arg20 : memref<!tpu.dma_semaphore, #tpu.memory_space<semaphore_mem>>) src(%dma_wait3A_186 : memref<80xi32, #tpu.memory_space<hbm>>) dst(%arg10 : memref<80xi32, #tpu.memory_space<vmem>>)
        %add3A_187 = arith.constant 2 : i32
        %add3A_188 = arith.addi %add3A_140, %add3A_187 : i32
        %dma_start3A_189 = arith.constant 0 : i32
        %dma_start3A_190 = arith.constant 0 : i32
        %dma_start3A_191 = tpu.memref_slice %arg2[%dma_start3A_189, %dma_start3A_190] : memref<10000x128xf32, #tpu.memory_space<hbm>> -> memref<10000x128xf32, #tpu.memory_space<hbm>>
        tpu.enqueue_indirect_dma source(%dma_start3A_191 : memref<10000x128xf32, #tpu.memory_space<hbm>>) target(%arg14 : memref<80x128xf32, #tpu.memory_space<vmem>>) offsets(%arg10 : memref<80xi32, #tpu.memory_space<vmem>>) semaphore(%arg22 : memref<!tpu.dma_semaphore, #tpu.memory_space<semaphore_mem>>)
        %mul3A_192 = arith.constant 80 : i32
        %mul3A_193 = arith.muli %add3A_188, %mul3A_192 : i32
        %add3A_194 = arith.addi %add3A, %mul3A_193 : i32
        %dma_start3A_195 = arith.constant 0 : i32
        %dma_start3A_196 = tpu.memref_slice %arg3[%add3A_194, %dma_start3A_195] : memref<320000x16xf32, #tpu.memory_space<hbm>> -> memref<80x16xf32, #tpu.memory_space<hbm>>
        %dma_start3A_197 = arith.constant 0 : i32
        %dma_start3A_198 = tpu.memref_slice %arg3[%add3A_194, %dma_start3A_197] : memref<320000x16xf32, #tpu.memory_space<hbm>> -> memref<80x16xf32, #tpu.memory_space<hbm>>
        tpu.enqueue_dma source(%dma_start3A_198 : memref<80x16xf32, #tpu.memory_space<hbm>>) target(%arg12 : memref<80x16xf32, #tpu.memory_space<vmem>>) target_semaphore(%arg24 : memref<!tpu.dma_semaphore, #tpu.memory_space<semaphore_mem>>)
      } else {
      }
    }
    %while3A_100 = arith.constant 1 : i32
    scf.for %while3A_110 = %while3A_98 to %while3A_94 step %while3A_100  : i32 {
      %mul3A_111 = arith.constant 2 : i32
      %mul3A_112 = arith.muli %while3A_110, %mul3A_111 : i32
      %add3A_113 = arith.constant 0 : i32
      %add3A_114 = arith.addi %mul3A_112, %add3A_113 : i32
      %dma_wait3A_115 = arith.constant 0 : i32
      %dma_wait3A_116 = arith.constant 0 : i32
      %dma_wait3A_117 = tpu.memref_slice %arg2[%dma_wait3A_115, %dma_wait3A_116] : memref<10000x128xf32, #tpu.memory_space<hbm>> -> memref<10000x128xf32, #tpu.memory_space<hbm>>
      tpu.wait_indirect_dma semaphore(%arg21 : memref<!tpu.dma_semaphore, #tpu.memory_space<semaphore_mem>>) src(%dma_wait3A_117 : memref<10000x128xf32, #tpu.memory_space<hbm>>) dst(%arg13 : memref<80x128xf32, #tpu.memory_space<vmem>>)
      %mul3A_118 = arith.constant 80 : i32
      %mul3A_119 = arith.muli %add3A_114, %mul3A_118 : i32
      %add3A_120 = arith.addi %add3A, %mul3A_119 : i32
      %dma_wait3A_121 = arith.constant 0 : i32
      %dma_wait3A_122 = tpu.memref_slice %arg3[%add3A_120, %dma_wait3A_121] : memref<320000x16xf32, #tpu.memory_space<hbm>> -> memref<80x16xf32, #tpu.memory_space<hbm>>
      %dma_wait3A_123 = arith.constant 0 : i32
      %dma_wait3A_124 = tpu.memref_slice %arg3[%add3A_120, %dma_wait3A_123] : memref<320000x16xf32, #tpu.memory_space<hbm>> -> memref<80x16xf32, #tpu.memory_space<hbm>>
      tpu.wait_dma2 semaphore(%arg23 : memref<!tpu.dma_semaphore, #tpu.memory_space<semaphore_mem>>) src(%dma_wait3A_124 : memref<80x16xf32, #tpu.memory_space<hbm>>) dst(%arg11 : memref<80x16xf32, #tpu.memory_space<vmem>>)
      %scan3A_125 = arith.constant 0 : i32
      %scan3A_126 = arith.constant 0 : i32
      %scan3A_127 = arith.constant 80 : i32
      %scan3A_128 = arith.addi %scan3A_126, %scan3A_127 : i32
      %scan3A_129 = arith.constant 1 : i32
      scf.for %scan3A_163 = %scan3A_126 to %scan3A_128 step %scan3A_129  : i32 {
        %get3A = arith.index_cast %scan3A_163 : i32 to index
        %get3A_164 = arith.constant 0 : index
        %get3A_165 = tpu.vector_load %arg11[%get3A, %get3A_164] {strides = array<i32>} : memref<80x16xf32, #tpu.memory_space<vmem>>, vector<1x16xf32>,
        %get3A_166 = vector.shape_cast %get3A_165 : vector<1x16xf32> to vector<16xf32>
        %get3A_167 = arith.index_cast %scan3A_163 : i32 to index
        %get3A_168 = arith.constant 0 : index
        %get3A_169 = tpu.vector_load %arg13[%get3A_167, %get3A_168] {strides = array<i32>} : memref<80x128xf32, #tpu.memory_space<vmem>>, vector<1x16xf32>,
        %get3A_170 = vector.shape_cast %get3A_169 : vector<1x16xf32> to vector<16xf32>
        %mul3A_171 = arith.mulf %get3A_170, %get3A_166 : vector<16xf32>
        %swap3A = arith.index_cast %scan3A_163 : i32 to index
        %swap3A_172 = arith.constant 0 : index
        %swap3A_173 = tpu.vector_load %arg13[%swap3A, %swap3A_172] {strides = array<i32>} : memref<80x128xf32, #tpu.memory_space<vmem>>, vector<1x16xf32>,
        %swap3A_174 = vector.shape_cast %swap3A_173 : vector<1x16xf32> to vector<16xf32>
        %swap3A_175 = vector.shape_cast %mul3A_171 : vector<16xf32> to vector<1x16xf32>
        tpu.vector_store %arg13[%swap3A, %swap3A_172], %swap3A_175 {strides = array<i32>} : memref<80x128xf32, #tpu.memory_space<vmem>>, vector<1x16xf32>,
        %get3A_176 = arith.index_cast %scan3A_163 : i32 to index
        %get3A_177 = arith.constant 16 : index
        %get3A_178 = tpu.vector_load %arg13[%get3A_176, %get3A_177] {strides = array<i32>} : memref<80x128xf32, #tpu.memory_space<vmem>>, vector<1x16xf32>,
        %get3A_179 = vector.shape_cast %get3A_178 : vector<1x16xf32> to vector<16xf32>
        %mul3A_180 = arith.mulf %get3A_179, %get3A_166 : vector<16xf32>
        %swap3A_181 = arith.index_cast %scan3A_163 : i32 to index
        %swap3A_182 = arith.constant 16 : index
        %swap3A_183 = tpu.vector_load %arg13[%swap3A_181, %swap3A_182] {strides = array<i32>} : memref<80x128xf32, #tpu.memory_space<vmem>>, vector<1x16xf32>,
        %swap3A_184 = vector.shape_cast %swap3A_183 : vector<1x16xf32> to vector<16xf32>
        %swap3A_185 = vector.shape_cast %mul3A_180 : vector<16xf32> to vector<1x16xf32>
        tpu.vector_store %arg13[%swap3A_181, %swap3A_182], %swap3A_185 {strides = array<i32>} : memref<80x128xf32, #tpu.memory_space<vmem>>, vector<1x16xf32>,
        %get3A_186 = arith.index_cast %scan3A_163 : i32 to index
        %get3A_187 = arith.constant 32 : index
        %get3A_188 = tpu.vector_load %arg13[%get3A_186, %get3A_187] {strides = array<i32>} : memref<80x128xf32, #tpu.memory_space<vmem>>, vector<1x16xf32>,
        %get3A_189 = vector.shape_cast %get3A_188 : vector<1x16xf32> to vector<16xf32>
        %mul3A_190 = arith.mulf %get3A_189, %get3A_166 : vector<16xf32>
        %swap3A_191 = arith.index_cast %scan3A_163 : i32 to index
        %swap3A_192 = arith.constant 32 : index
        %swap3A_193 = tpu.vector_load %arg13[%swap3A_191, %swap3A_192] {strides = array<i32>} : memref<80x128xf32, #tpu.memory_space<vmem>>, vector<1x16xf32>,
        %swap3A_194 = vector.shape_cast %swap3A_193 : vector<1x16xf32> to vector<16xf32>
        %swap3A_195 = vector.shape_cast %mul3A_190 : vector<16xf32> to vector<1x16xf32>
        tpu.vector_store %arg13[%swap3A_191, %swap3A_192], %swap3A_195 {strides = array<i32>} : memref<80x128xf32, #tpu.memory_space<vmem>>, vector<1x16xf32>,
        %get3A_196 = arith.index_cast %scan3A_163 : i32 to index
        %get3A_197 = arith.constant 48 : index
        %get3A_198 = tpu.vector_load %arg13[%get3A_196, %get3A_197] {strides = array<i32>} : memref<80x128xf32, #tpu.memory_space<vmem>>, vector<1x16xf32>,
        %get3A_199 = vector.shape_cast %get3A_198 : vector<1x16xf32> to vector<16xf32>
        %mul3A_200 = arith.mulf %get3A_199, %get3A_166 : vector<16xf32>
        %swap3A_201 = arith.index_cast %scan3A_163 : i32 to index
        %swap3A_202 = arith.constant 48 : index
        %swap3A_203 = tpu.vector_load %arg13[%swap3A_201, %swap3A_202] {strides = array<i32>} : memref<80x128xf32, #tpu.memory_space<vmem>>, vector<1x16xf32>,
        %swap3A_204 = vector.shape_cast %swap3A_203 : vector<1x16xf32> to vector<16xf32>
        %swap3A_205 = vector.shape_cast %mul3A_200 : vector<16xf32> to vector<1x16xf32>
        tpu.vector_store %arg13[%swap3A_201, %swap3A_202], %swap3A_205 {strides = array<i32>} : memref<80x128xf32, #tpu.memory_space<vmem>>, vector<1x16xf32>,
        %get3A_206 = arith.index_cast %scan3A_163 : i32 to index
        %get3A_207 = arith.constant 64 : index
        %get3A_208 = tpu.vector_load %arg13[%get3A_206, %get3A_207] {strides = array<i32>} : memref<80x128xf32, #tpu.memory_space<vmem>>, vector<1x16xf32>,
        %get3A_209 = vector.shape_cast %get3A_208 : vector<1x16xf32> to vector<16xf32>
        %mul3A_210 = arith.mulf %get3A_209, %get3A_166 : vector<16xf32>
        %swap3A_211 = arith.index_cast %scan3A_163 : i32 to index
        %swap3A_212 = arith.constant 64 : index
        %swap3A_213 = tpu.vector_load %arg13[%swap3A_211, %swap3A_212] {strides = array<i32>} : memref<80x128xf32, #tpu.memory_space<vmem>>, vector<1x16xf32>,
        %swap3A_214 = vector.shape_cast %swap3A_213 : vector<1x16xf32> to vector<16xf32>
        %swap3A_215 = vector.shape_cast %mul3A_210 : vector<16xf32> to vector<1x16xf32>
        tpu.vector_store %arg13[%swap3A_211, %swap3A_212], %swap3A_215 {strides = array<i32>} : memref<80x128xf32, #tpu.memory_space<vmem>>, vector<1x16xf32>,
        %get3A_216 = arith.index_cast %scan3A_163 : i32 to index
        %get3A_217 = arith.constant 80 : index
        %get3A_218 = tpu.vector_load %arg13[%get3A_216, %get3A_217] {strides = array<i32>} : memref<80x128xf32, #tpu.memory_space<vmem>>, vector<1x16xf32>,
        %get3A_219 = vector.shape_cast %get3A_218 : vector<1x16xf32> to vector<16xf32>
        %mul3A_220 = arith.mulf %get3A_219, %get3A_166 : vector<16xf32>
        %swap3A_221 = arith.index_cast %scan3A_163 : i32 to index
        %swap3A_222 = arith.constant 80 : index
        %swap3A_223 = tpu.vector_load %arg13[%swap3A_221, %swap3A_222] {strides = array<i32>} : memref<80x128xf32, #tpu.memory_space<vmem>>, vector<1x16xf32>,
        %swap3A_224 = vector.shape_cast %swap3A_223 : vector<1x16xf32> to vector<16xf32>
        %swap3A_225 = vector.shape_cast %mul3A_220 : vector<16xf32> to vector<1x16xf32>
        tpu.vector_store %arg13[%swap3A_221, %swap3A_222], %swap3A_225 {strides = array<i32>} : memref<80x128xf32, #tpu.memory_space<vmem>>, vector<1x16xf32>,
        %get3A_226 = arith.index_cast %scan3A_163 : i32 to index
        %get3A_227 = arith.constant 96 : index
        %get3A_228 = tpu.vector_load %arg13[%get3A_226, %get3A_227] {strides = array<i32>} : memref<80x128xf32, #tpu.memory_space<vmem>>, vector<1x16xf32>,
        %get3A_229 = vector.shape_cast %get3A_228 : vector<1x16xf32> to vector<16xf32>
        %mul3A_230 = arith.mulf %get3A_229, %get3A_166 : vector<16xf32>
        %swap3A_231 = arith.index_cast %scan3A_163 : i32 to index
        %swap3A_232 = arith.constant 96 : index
        %swap3A_233 = tpu.vector_load %arg13[%swap3A_231, %swap3A_232] {strides = array<i32>} : memref<80x128xf32, #tpu.memory_space<vmem>>, vector<1x16xf32>,
        %swap3A_234 = vector.shape_cast %swap3A_233 : vector<1x16xf32> to vector<16xf32>
        %swap3A_235 = vector.shape_cast %mul3A_230 : vector<16xf32> to vector<1x16xf32>
        tpu.vector_store %arg13[%swap3A_231, %swap3A_232], %swap3A_235 {strides = array<i32>} : memref<80x128xf32, #tpu.memory_space<vmem>>, vector<1x16xf32>,
        %get3A_236 = arith.index_cast %scan3A_163 : i32 to index
        %get3A_237 = arith.constant 112 : index
        %get3A_238 = tpu.vector_load %arg13[%get3A_236, %get3A_237] {strides = array<i32>} : memref<80x128xf32, #tpu.memory_space<vmem>>, vector<1x16xf32>,
        %get3A_239 = vector.shape_cast %get3A_238 : vector<1x16xf32> to vector<16xf32>
        %mul3A_240 = arith.mulf %get3A_239, %get3A_166 : vector<16xf32>
        %swap3A_241 = arith.index_cast %scan3A_163 : i32 to index
        %swap3A_242 = arith.constant 112 : index
        %swap3A_243 = tpu.vector_load %arg13[%swap3A_241, %swap3A_242] {strides = array<i32>} : memref<80x128xf32, #tpu.memory_space<vmem>>, vector<1x16xf32>,
        %swap3A_244 = vector.shape_cast %swap3A_243 : vector<1x16xf32> to vector<16xf32>
        %swap3A_245 = vector.shape_cast %mul3A_240 : vector<16xf32> to vector<1x16xf32>
        tpu.vector_store %arg13[%swap3A_241, %swap3A_242], %swap3A_245 {strides = array<i32>} : memref<80x128xf32, #tpu.memory_space<vmem>>, vector<1x16xf32>,
      }
      %scan3A_130 = arith.constant 80 : i32
      "tpu.region"() ({
        %run_scoped3A = tpu.sem_alloc : memref<!tpu.dma_semaphore, #tpu.memory_space<semaphore_mem>>
        %dma_start3A_163 = arith.constant 0 : i32
        %dma_start3A_164 = arith.constant 0 : i32
        %dma_start3A_165 = tpu.memref_slice %arg16[%dma_start3A_163, %dma_start3A_164] : memref<10000x128xf32, #tpu.memory_space<vmem_shared>> -> memref<10000x128xf32, #tpu.memory_space<vmem_shared>>
        tpu.enqueue_indirect_dma source(%arg13 : memref<80x128xf32, #tpu.memory_space<vmem>>) target(%dma_start3A_165 : memref<10000x128xf32, #tpu.memory_space<vmem_shared>>) offsets(%arg7 : memref<80xi32, #tpu.memory_space<vmem>>) semaphore(%run_scoped3A : memref<!tpu.dma_semaphore, #tpu.memory_space<semaphore_mem>>) {add = true}
        %dma_wait3A_166 = arith.constant 0 : i32
        %dma_wait3A_167 = arith.constant 0 : i32
        %dma_wait3A_168 = tpu.memref_slice %arg16[%dma_wait3A_166, %dma_wait3A_167] : memref<10000x128xf32, #tpu.memory_space<vmem_shared>> -> memref<10000x128xf32, #tpu.memory_space<vmem_shared>>
        tpu.wait_indirect_dma semaphore(%run_scoped3A : memref<!tpu.dma_semaphore, #tpu.memory_space<semaphore_mem>>) src(%arg13 : memref<80x128xf32, #tpu.memory_space<vmem>>) dst(%dma_wait3A_168 : memref<10000x128xf32, #tpu.memory_space<vmem_shared>>)
        tpu.yield
      }) : () -> ()
      %add3A_131 = arith.constant 2 : i32
      %add3A_132 = arith.addi %add3A_114, %add3A_131 : i32
      %lt3A_133 = arith.cmpi slt, %add3A_132, %select_n3A : i32
      %convert_element_type3A_134 = arith.extui %lt3A_133 : i1 to i32
      %cond3A_135 = arith.constant 0 : i32
      %cond3A_136 = arith.cmpi ne, %convert_element_type3A_134, %cond3A_135 : i32
      scf.if %cond3A_136 {
        %add3A_163 = arith.constant 2 : i32
        %add3A_164 = arith.addi %add3A_114, %add3A_163 : i32
        %mul3A_165 = arith.constant 80 : i32
        %mul3A_166 = arith.muli %add3A_164, %mul3A_165 : i32
        %add3A_167 = arith.addi %add3A, %mul3A_166 : i32
        %dma_start3A_168 = tpu.memref_slice %arg4[%add3A_167] : memref<320000xi32, #tpu.memory_space<hbm>> -> memref<80xi32, #tpu.memory_space<hbm>>
        %dma_start3A_169 = tpu.memref_slice %arg4[%add3A_167] : memref<320000xi32, #tpu.memory_space<hbm>> -> memref<80xi32, #tpu.memory_space<hbm>>
        tpu.enqueue_dma source(%dma_start3A_169 : memref<80xi32, #tpu.memory_space<hbm>>) target(%arg7 : memref<80xi32, #tpu.memory_space<vmem>>) target_semaphore(%arg17 : memref<!tpu.dma_semaphore, #tpu.memory_space<semaphore_mem>>)
        %mul3A_170 = arith.constant 80 : i32
        %mul3A_171 = arith.muli %add3A_164, %mul3A_170 : i32
        %add3A_172 = arith.addi %add3A, %mul3A_171 : i32
        %dma_start3A_173 = tpu.memref_slice %arg5[%add3A_172] : memref<320000xi32, #tpu.memory_space<hbm>> -> memref<80xi32, #tpu.memory_space<hbm>>
        %dma_start3A_174 = tpu.memref_slice %arg5[%add3A_172] : memref<320000xi32, #tpu.memory_space<hbm>> -> memref<80xi32, #tpu.memory_space<hbm>>
        tpu.enqueue_dma source(%dma_start3A_174 : memref<80xi32, #tpu.memory_space<hbm>>) target(%arg9 : memref<80xi32, #tpu.memory_space<vmem>>) target_semaphore(%arg19 : memref<!tpu.dma_semaphore, #tpu.memory_space<semaphore_mem>>)
        %add3A_175 = arith.constant 2 : i32
        %add3A_176 = arith.addi %add3A_114, %add3A_175 : i32
        %mul3A_177 = arith.constant 80 : i32
        %mul3A_178 = arith.muli %add3A_176, %mul3A_177 : i32
        %add3A_179 = arith.addi %add3A, %mul3A_178 : i32
        %dma_wait3A_180 = tpu.memref_slice %arg4[%add3A_179] : memref<320000xi32, #tpu.memory_space<hbm>> -> memref<80xi32, #tpu.memory_space<hbm>>
        %dma_wait3A_181 = tpu.memref_slice %arg4[%add3A_179] : memref<320000xi32, #tpu.memory_space<hbm>> -> memref<80xi32, #tpu.memory_space<hbm>>
        tpu.wait_dma2 semaphore(%arg17 : memref<!tpu.dma_semaphore, #tpu.memory_space<semaphore_mem>>) src(%dma_wait3A_181 : memref<80xi32, #tpu.memory_space<hbm>>) dst(%arg7 : memref<80xi32, #tpu.memory_space<vmem>>)
        %mul3A_182 = arith.constant 80 : i32
        %mul3A_183 = arith.muli %add3A_176, %mul3A_182 : i32
        %add3A_184 = arith.addi %add3A, %mul3A_183 : i32
        %dma_wait3A_185 = tpu.memref_slice %arg5[%add3A_184] : memref<320000xi32, #tpu.memory_space<hbm>> -> memref<80xi32, #tpu.memory_space<hbm>>
        %dma_wait3A_186 = tpu.memref_slice %arg5[%add3A_184] : memref<320000xi32, #tpu.memory_space<hbm>> -> memref<80xi32, #tpu.memory_space<hbm>>
        tpu.wait_dma2 semaphore(%arg19 : memref<!tpu.dma_semaphore, #tpu.memory_space<semaphore_mem>>) src(%dma_wait3A_186 : memref<80xi32, #tpu.memory_space<hbm>>) dst(%arg9 : memref<80xi32, #tpu.memory_space<vmem>>)
        %add3A_187 = arith.constant 2 : i32
        %add3A_188 = arith.addi %add3A_114, %add3A_187 : i32
        %dma_start3A_189 = arith.constant 0 : i32
        %dma_start3A_190 = arith.constant 0 : i32
        %dma_start3A_191 = tpu.memref_slice %arg2[%dma_start3A_189, %dma_start3A_190] : memref<10000x128xf32, #tpu.memory_space<hbm>> -> memref<10000x128xf32, #tpu.memory_space<hbm>>
        tpu.enqueue_indirect_dma source(%dma_start3A_191 : memref<10000x128xf32, #tpu.memory_space<hbm>>) target(%arg13 : memref<80x128xf32, #tpu.memory_space<vmem>>) offsets(%arg9 : memref<80xi32, #tpu.memory_space<vmem>>) semaphore(%arg21 : memref<!tpu.dma_semaphore, #tpu.memory_space<semaphore_mem>>)
        %mul3A_192 = arith.constant 80 : i32
        %mul3A_193 = arith.muli %add3A_188, %mul3A_192 : i32
        %add3A_194 = arith.addi %add3A, %mul3A_193 : i32
        %dma_start3A_195 = arith.constant 0 : i32
        %dma_start3A_196 = tpu.memref_slice %arg3[%add3A_194, %dma_start3A_195] : memref<320000x16xf32, #tpu.memory_space<hbm>> -> memref<80x16xf32, #tpu.memory_space<hbm>>
        %dma_start3A_197 = arith.constant 0 : i32
        %dma_start3A_198 = tpu.memref_slice %arg3[%add3A_194, %dma_start3A_197] : memref<320000x16xf32, #tpu.memory_space<hbm>> -> memref<80x16xf32, #tpu.memory_space<hbm>>
        tpu.enqueue_dma source(%dma_start3A_198 : memref<80x16xf32, #tpu.memory_space<hbm>>) target(%arg11 : memref<80x16xf32, #tpu.memory_space<vmem>>) target_semaphore(%arg23 : memref<!tpu.dma_semaphore, #tpu.memory_space<semaphore_mem>>)
      } else {
      }
      %mul3A_137 = arith.constant 2 : i32
      %mul3A_138 = arith.muli %while3A_110, %mul3A_137 : i32
      %add3A_139 = arith.constant 1 : i32
      %add3A_140 = arith.addi %mul3A_138, %add3A_139 : i32
      %dma_wait3A_141 = arith.constant 0 : i32
      %dma_wait3A_142 = arith.constant 0 : i32
      %dma_wait3A_143 = tpu.memref_slice %arg2[%dma_wait3A_141, %dma_wait3A_142] : memref<10000x128xf32, #tpu.memory_space<hbm>> -> memref<10000x128xf32, #tpu.memory_space<hbm>>
      tpu.wait_indirect_dma semaphore(%arg22 : memref<!tpu.dma_semaphore, #tpu.memory_space<semaphore_mem>>) src(%dma_wait3A_143 : memref<10000x128xf32, #tpu.memory_space<hbm>>) dst(%arg14 : memref<80x128xf32, #tpu.memory_space<vmem>>)
      %mul3A_144 = arith.constant 80 : i32
      %mul3A_145 = arith.muli %add3A_140, %mul3A_144 : i32
      %add3A_146 = arith.addi %add3A, %mul3A_145 : i32
      %dma_wait3A_147 = arith.constant 0 : i32
      %dma_wait3A_148 = tpu.memref_slice %arg3[%add3A_146, %dma_wait3A_147] : memref<320000x16xf32, #tpu.memory_space<hbm>> -> memref<80x16xf32, #tpu.memory_space<hbm>>
      %dma_wait3A_149 = arith.constant 0 : i32
      %dma_wait3A_150 = tpu.memref_slice %arg3[%add3A_146, %dma_wait3A_149] : memref<320000x16xf32, #tpu.memory_space<hbm>> -> memref<80x16xf32, #tpu.memory_space<hbm>>
      tpu.wait_dma2 semaphore(%arg24 : memref<!tpu.dma_semaphore, #tpu.memory_space<semaphore_mem>>) src(%dma_wait3A_150 : memref<80x16xf32, #tpu.memory_space<hbm>>) dst(%arg12 : memref<80x16xf32, #tpu.memory_space<vmem>>)
      %scan3A_151 = arith.constant 0 : i32
      %scan3A_152 = arith.constant 0 : i32
      %scan3A_153 = arith.constant 80 : i32
      %scan3A_154 = arith.addi %scan3A_152, %scan3A_153 : i32
      %scan3A_155 = arith.constant 1 : i32
      scf.for %scan3A_163 = %scan3A_152 to %scan3A_154 step %scan3A_155  : i32 {
        %get3A = arith.index_cast %scan3A_163 : i32 to index
        %get3A_164 = arith.constant 0 : index
        %get3A_165 = tpu.vector_load %arg12[%get3A, %get3A_164] {strides = array<i32>} : memref<80x16xf32, #tpu.memory_space<vmem>>, vector<1x16xf32>,
        %get3A_166 = vector.shape_cast %get3A_165 : vector<1x16xf32> to vector<16xf32>
        %get3A_167 = arith.index_cast %scan3A_163 : i32 to index
        %get3A_168 = arith.constant 0 : index
        %get3A_169 = tpu.vector_load %arg14[%get3A_167, %get3A_168] {strides = array<i32>} : memref<80x128xf32, #tpu.memory_space<vmem>>, vector<1x16xf32>,
        %get3A_170 = vector.shape_cast %get3A_169 : vector<1x16xf32> to vector<16xf32>
        %mul3A_171 = arith.mulf %get3A_170, %get3A_166 : vector<16xf32>
        %swap3A = arith.index_cast %scan3A_163 : i32 to index
        %swap3A_172 = arith.constant 0 : index
        %swap3A_173 = tpu.vector_load %arg14[%swap3A, %swap3A_172] {strides = array<i32>} : memref<80x128xf32, #tpu.memory_space<vmem>>, vector<1x16xf32>,
        %swap3A_174 = vector.shape_cast %swap3A_173 : vector<1x16xf32> to vector<16xf32>
        %swap3A_175 = vector.shape_cast %mul3A_171 : vector<16xf32> to vector<1x16xf32>
        tpu.vector_store %arg14[%swap3A, %swap3A_172], %swap3A_175 {strides = array<i32>} : memref<80x128xf32, #tpu.memory_space<vmem>>, vector<1x16xf32>,
        %get3A_176 = arith.index_cast %scan3A_163 : i32 to index
        %get3A_177 = arith.constant 16 : index
        %get3A_178 = tpu.vector_load %arg14[%get3A_176, %get3A_177] {strides = array<i32>} : memref<80x128xf32, #tpu.memory_space<vmem>>, vector<1x16xf32>,
        %get3A_179 = vector.shape_cast %get3A_178 : vector<1x16xf32> to vector<16xf32>
        %mul3A_180 = arith.mulf %get3A_179, %get3A_166 : vector<16xf32>
        %swap3A_181 = arith.index_cast %scan3A_163 : i32 to index
        %swap3A_182 = arith.constant 16 : index
        %swap3A_183 = tpu.vector_load %arg14[%swap3A_181, %swap3A_182] {strides = array<i32>} : memref<80x128xf32, #tpu.memory_space<vmem>>, vector<1x16xf32>,
        %swap3A_184 = vector.shape_cast %swap3A_183 : vector<1x16xf32> to vector<16xf32>
        %swap3A_185 = vector.shape_cast %mul3A_180 : vector<16xf32> to vector<1x16xf32>
        tpu.vector_store %arg14[%swap3A_181, %swap3A_182], %swap3A_185 {strides = array<i32>} : memref<80x128xf32, #tpu.memory_space<vmem>>, vector<1x16xf32>,
        %get3A_186 = arith.index_cast %scan3A_163 : i32 to index
        %get3A_187 = arith.constant 32 : index
        %get3A_188 = tpu.vector_load %arg14[%get3A_186, %get3A_187] {strides = array<i32>} : memref<80x128xf32, #tpu.memory_space<vmem>>, vector<1x16xf32>,
        %get3A_189 = vector.shape_cast %get3A_188 : vector<1x16xf32> to vector<16xf32>
        %mul3A_190 = arith.mulf %get3A_189, %get3A_166 : vector<16xf32>
        %swap3A_191 = arith.index_cast %scan3A_163 : i32 to index
        %swap3A_192 = arith.constant 32 : index
        %swap3A_193 = tpu.vector_load %arg14[%swap3A_191, %swap3A_192] {strides = array<i32>} : memref<80x128xf32, #tpu.memory_space<vmem>>, vector<1x16xf32>,
        %swap3A_194 = vector.shape_cast %swap3A_193 : vector<1x16xf32> to vector<16xf32>
        %swap3A_195 = vector.shape_cast %mul3A_190 : vector<16xf32> to vector<1x16xf32>
        tpu.vector_store %arg14[%swap3A_191, %swap3A_192], %swap3A_195 {strides = array<i32>} : memref<80x128xf32, #tpu.memory_space<vmem>>, vector<1x16xf32>,
        %get3A_196 = arith.index_cast %scan3A_163 : i32 to index
        %get3A_197 = arith.constant 48 : index
        %get3A_198 = tpu.vector_load %arg14[%get3A_196, %get3A_197] {strides = array<i32>} : memref<80x128xf32, #tpu.memory_space<vmem>>, vector<1x16xf32>,
        %get3A_199 = vector.shape_cast %get3A_198 : vector<1x16xf32> to vector<16xf32>
        %mul3A_200 = arith.mulf %get3A_199, %get3A_166 : vector<16xf32>
        %swap3A_201 = arith.index_cast %scan3A_163 : i32 to index
        %swap3A_202 = arith.constant 48 : index
        %swap3A_203 = tpu.vector_load %arg14[%swap3A_201, %swap3A_202] {strides = array<i32>} : memref<80x128xf32, #tpu.memory_space<vmem>>, vector<1x16xf32>,
        %swap3A_204 = vector.shape_cast %swap3A_203 : vector<1x16xf32> to vector<16xf32>
        %swap3A_205 = vector.shape_cast %mul3A_200 : vector<16xf32> to vector<1x16xf32>
        tpu.vector_store %arg14[%swap3A_201, %swap3A_202], %swap3A_205 {strides = array<i32>} : memref<80x128xf32, #tpu.memory_space<vmem>>, vector<1x16xf32>,
        %get3A_206 = arith.index_cast %scan3A_163 : i32 to index
        %get3A_207 = arith.constant 64 : index
        %get3A_208 = tpu.vector_load %arg14[%get3A_206, %get3A_207] {strides = array<i32>} : memref<80x128xf32, #tpu.memory_space<vmem>>, vector<1x16xf32>,
        %get3A_209 = vector.shape_cast %get3A_208 : vector<1x16xf32> to vector<16xf32>
        %mul3A_210 = arith.mulf %get3A_209, %get3A_166 : vector<16xf32>
        %swap3A_211 = arith.index_cast %scan3A_163 : i32 to index
        %swap3A_212 = arith.constant 64 : index
        %swap3A_213 = tpu.vector_load %arg14[%swap3A_211, %swap3A_212] {strides = array<i32>} : memref<80x128xf32, #tpu.memory_space<vmem>>, vector<1x16xf32>,
        %swap3A_214 = vector.shape_cast %swap3A_213 : vector<1x16xf32> to vector<16xf32>
        %swap3A_215 = vector.shape_cast %mul3A_210 : vector<16xf32> to vector<1x16xf32>
        tpu.vector_store %arg14[%swap3A_211, %swap3A_212], %swap3A_215 {strides = array<i32>} : memref<80x128xf32, #tpu.memory_space<vmem>>, vector<1x16xf32>,
        %get3A_216 = arith.index_cast %scan3A_163 : i32 to index
        %get3A_217 = arith.constant 80 : index
        %get3A_218 = tpu.vector_load %arg14[%get3A_216, %get3A_217] {strides = array<i32>} : memref<80x128xf32, #tpu.memory_space<vmem>>, vector<1x16xf32>,
        %get3A_219 = vector.shape_cast %get3A_218 : vector<1x16xf32> to vector<16xf32>
        %mul3A_220 = arith.mulf %get3A_219, %get3A_166 : vector<16xf32>
        %swap3A_221 = arith.index_cast %scan3A_163 : i32 to index
        %swap3A_222 = arith.constant 80 : index
        %swap3A_223 = tpu.vector_load %arg14[%swap3A_221, %swap3A_222] {strides = array<i32>} : memref<80x128xf32, #tpu.memory_space<vmem>>, vector<1x16xf32>,
        %swap3A_224 = vector.shape_cast %swap3A_223 : vector<1x16xf32> to vector<16xf32>
        %swap3A_225 = vector.shape_cast %mul3A_220 : vector<16xf32> to vector<1x16xf32>
        tpu.vector_store %arg14[%swap3A_221, %swap3A_222], %swap3A_225 {strides = array<i32>} : memref<80x128xf32, #tpu.memory_space<vmem>>, vector<1x16xf32>,
        %get3A_226 = arith.index_cast %scan3A_163 : i32 to index
        %get3A_227 = arith.constant 96 : index
        %get3A_228 = tpu.vector_load %arg14[%get3A_226, %get3A_227] {strides = array<i32>} : memref<80x128xf32, #tpu.memory_space<vmem>>, vector<1x16xf32>,
        %get3A_229 = vector.shape_cast %get3A_228 : vector<1x16xf32> to vector<16xf32>
        %mul3A_230 = arith.mulf %get3A_229, %get3A_166 : vector<16xf32>
        %swap3A_231 = arith.index_cast %scan3A_163 : i32 to index
        %swap3A_232 = arith.constant 96 : index
        %swap3A_233 = tpu.vector_load %arg14[%swap3A_231, %swap3A_232] {strides = array<i32>} : memref<80x128xf32, #tpu.memory_space<vmem>>, vector<1x16xf32>,
        %swap3A_234 = vector.shape_cast %swap3A_233 : vector<1x16xf32> to vector<16xf32>
        %swap3A_235 = vector.shape_cast %mul3A_230 : vector<16xf32> to vector<1x16xf32>
        tpu.vector_store %arg14[%swap3A_231, %swap3A_232], %swap3A_235 {strides = array<i32>} : memref<80x128xf32, #tpu.memory_space<vmem>>, vector<1x16xf32>,
        %get3A_236 = arith.index_cast %scan3A_163 : i32 to index
        %get3A_237 = arith.constant 112 : index
        %get3A_238 = tpu.vector_load %arg14[%get3A_236, %get3A_237] {strides = array<i32>} : memref<80x128xf32, #tpu.memory_space<vmem>>, vector<1x16xf32>,
        %get3A_239 = vector.shape_cast %get3A_238 : vector<1x16xf32> to vector<16xf32>
        %mul3A_240 = arith.mulf %get3A_239, %get3A_166 : vector<16xf32>
        %swap3A_241 = arith.index_cast %scan3A_163 : i32 to index
        %swap3A_242 = arith.constant 112 : index
        %swap3A_243 = tpu.vector_load %arg14[%swap3A_241, %swap3A_242] {strides = array<i32>} : memref<80x128xf32, #tpu.memory_space<vmem>>, vector<1x16xf32>,
        %swap3A_244 = vector.shape_cast %swap3A_243 : vector<1x16xf32> to vector<16xf32>
        %swap3A_245 = vector.shape_cast %mul3A_240 : vector<16xf32> to vector<1x16xf32>
        tpu.vector_store %arg14[%swap3A_241, %swap3A_242], %swap3A_245 {strides = array<i32>} : memref<80x128xf32, #tpu.memory_space<vmem>>, vector<1x16xf32>,
      }
      %scan3A_156 = arith.constant 80 : i32
      "tpu.region"() ({
        %run_scoped3A = tpu.sem_alloc : memref<!tpu.dma_semaphore, #tpu.memory_space<semaphore_mem>>
        %dma_start3A_163 = arith.constant 0 : i32
        %dma_start3A_164 = arith.constant 0 : i32
        %dma_start3A_165 = tpu.memref_slice %arg16[%dma_start3A_163, %dma_start3A_164] : memref<10000x128xf32, #tpu.memory_space<vmem_shared>> -> memref<10000x128xf32, #tpu.memory_space<vmem_shared>>
        tpu.enqueue_indirect_dma source(%arg14 : memref<80x128xf32, #tpu.memory_space<vmem>>) target(%dma_start3A_165 : memref<10000x128xf32, #tpu.memory_space<vmem_shared>>) offsets(%arg8 : memref<80xi32, #tpu.memory_space<vmem>>) semaphore(%run_scoped3A : memref<!tpu.dma_semaphore, #tpu.memory_space<semaphore_mem>>) {add = true}
        %dma_wait3A_166 = arith.constant 0 : i32
        %dma_wait3A_167 = arith.constant 0 : i32
        %dma_wait3A_168 = tpu.memref_slice %arg16[%dma_wait3A_166, %dma_wait3A_167] : memref<10000x128xf32, #tpu.memory_space<vmem_shared>> -> memref<10000x128xf32, #tpu.memory_space<vmem_shared>>
        tpu.wait_indirect_dma semaphore(%run_scoped3A : memref<!tpu.dma_semaphore, #tpu.memory_space<semaphore_mem>>) src(%arg14 : memref<80x128xf32, #tpu.memory_space<vmem>>) dst(%dma_wait3A_168 : memref<10000x128xf32, #tpu.memory_space<vmem_shared>>)
        tpu.yield
      }) : () -> ()
      %add3A_157 = arith.constant 2 : i32
      %add3A_158 = arith.addi %add3A_140, %add3A_157 : i32
      %lt3A_159 = arith.cmpi slt, %add3A_158, %select_n3A : i32
      %convert_element_type3A_160 = arith.extui %lt3A_159 : i1 to i32
      %cond3A_161 = arith.constant 0 : i32
      %cond3A_162 = arith.cmpi ne, %convert_element_type3A_160, %cond3A_161 : i32
      scf.if %cond3A_162 {
        %add3A_163 = arith.constant 2 : i32
        %add3A_164 = arith.addi %add3A_140, %add3A_163 : i32
        %mul3A_165 = arith.constant 80 : i32
        %mul3A_166 = arith.muli %add3A_164, %mul3A_165 : i32
        %add3A_167 = arith.addi %add3A, %mul3A_166 : i32
        %dma_start3A_168 = tpu.memref_slice %arg4[%add3A_167] : memref<320000xi32, #tpu.memory_space<hbm>> -> memref<80xi32, #tpu.memory_space<hbm>>
        %dma_start3A_169 = tpu.memref_slice %arg4[%add3A_167] : memref<320000xi32, #tpu.memory_space<hbm>> -> memref<80xi32, #tpu.memory_space<hbm>>
        tpu.enqueue_dma source(%dma_start3A_169 : memref<80xi32, #tpu.memory_space<hbm>>) target(%arg8 : memref<80xi32, #tpu.memory_space<vmem>>) target_semaphore(%arg18 : memref<!tpu.dma_semaphore, #tpu.memory_space<semaphore_mem>>)
        %mul3A_170 = arith.constant 80 : i32
        %mul3A_171 = arith.muli %add3A_164, %mul3A_170 : i32
        %add3A_172 = arith.addi %add3A, %mul3A_171 : i32
        %dma_start3A_173 = tpu.memref_slice %arg5[%add3A_172] : memref<320000xi32, #tpu.memory_space<hbm>> -> memref<80xi32, #tpu.memory_space<hbm>>
        %dma_start3A_174 = tpu.memref_slice %arg5[%add3A_172] : memref<320000xi32, #tpu.memory_space<hbm>> -> memref<80xi32, #tpu.memory_space<hbm>>
        tpu.enqueue_dma source(%dma_start3A_174 : memref<80xi32, #tpu.memory_space<hbm>>) target(%arg10 : memref<80xi32, #tpu.memory_space<vmem>>) target_semaphore(%arg20 : memref<!tpu.dma_semaphore, #tpu.memory_space<semaphore_mem>>)
        %add3A_175 = arith.constant 2 : i32
        %add3A_176 = arith.addi %add3A_140, %add3A_175 : i32
        %mul3A_177 = arith.constant 80 : i32
        %mul3A_178 = arith.muli %add3A_176, %mul3A_177 : i32
        %add3A_179 = arith.addi %add3A, %mul3A_178 : i32
        %dma_wait3A_180 = tpu.memref_slice %arg4[%add3A_179] : memref<320000xi32, #tpu.memory_space<hbm>> -> memref<80xi32, #tpu.memory_space<hbm>>
        %dma_wait3A_181 = tpu.memref_slice %arg4[%add3A_179] : memref<320000xi32, #tpu.memory_space<hbm>> -> memref<80xi32, #tpu.memory_space<hbm>>
        tpu.wait_dma2 semaphore(%arg18 : memref<!tpu.dma_semaphore, #tpu.memory_space<semaphore_mem>>) src(%dma_wait3A_181 : memref<80xi32, #tpu.memory_space<hbm>>) dst(%arg8 : memref<80xi32, #tpu.memory_space<vmem>>)
        %mul3A_182 = arith.constant 80 : i32
        %mul3A_183 = arith.muli %add3A_176, %mul3A_182 : i32
        %add3A_184 = arith.addi %add3A, %mul3A_183 : i32
        %dma_wait3A_185 = tpu.memref_slice %arg5[%add3A_184] : memref<320000xi32, #tpu.memory_space<hbm>> -> memref<80xi32, #tpu.memory_space<hbm>>
        %dma_wait3A_186 = tpu.memref_slice %arg5[%add3A_184] : memref<320000xi32, #tpu.memory_space<hbm>> -> memref<80xi32, #tpu.memory_space<hbm>>
        tpu.wait_dma2 semaphore(%arg20 : memref<!tpu.dma_semaphore, #tpu.memory_space<semaphore_mem>>) src(%dma_wait3A_186 : memref<80xi32, #tpu.memory_space<hbm>>) dst(%arg10 : memref<80xi32, #tpu.memory_space<vmem>>)
        %add3A_187 = arith.constant 2 : i32
        %add3A_188 = arith.addi %add3A_140, %add3A_187 : i32
        %dma_start3A_189 = arith.constant 0 : i32
        %dma_start3A_190 = arith.constant 0 : i32
        %dma_start3A_191 = tpu.memref_slice %arg2[%dma_start3A_189, %dma_start3A_190] : memref<10000x128xf32, #tpu.memory_space<hbm>> -> memref<10000x128xf32, #tpu.memory_space<hbm>>
        tpu.enqueue_indirect_dma source(%dma_start3A_191 : memref<10000x128xf32, #tpu.memory_space<hbm>>) target(%arg14 : memref<80x128xf32, #tpu.memory_space<vmem>>) offsets(%arg10 : memref<80xi32, #tpu.memory_space<vmem>>) semaphore(%arg22 : memref<!tpu.dma_semaphore, #tpu.memory_space<semaphore_mem>>)
        %mul3A_192 = arith.constant 80 : i32
        %mul3A_193 = arith.muli %add3A_188, %mul3A_192 : i32
        %add3A_194 = arith.addi %add3A, %mul3A_193 : i32
        %dma_start3A_195 = arith.constant 0 : i32
        %dma_start3A_196 = tpu.memref_slice %arg3[%add3A_194, %dma_start3A_195] : memref<320000x16xf32, #tpu.memory_space<hbm>> -> memref<80x16xf32, #tpu.memory_space<hbm>>
        %dma_start3A_197 = arith.constant 0 : i32
        %dma_start3A_198 = tpu.memref_slice %arg3[%add3A_194, %dma_start3A_197] : memref<320000x16xf32, #tpu.memory_space<hbm>> -> memref<80x16xf32, #tpu.memory_space<hbm>>
        tpu.enqueue_dma source(%dma_start3A_198 : memref<80x16xf32, #tpu.memory_space<hbm>>) target(%arg12 : memref<80x16xf32, #tpu.memory_space<vmem>>) target_semaphore(%arg24 : memref<!tpu.dma_semaphore, #tpu.memory_space<semaphore_mem>>)
      } else {
      }
    }
    %barrier3A_101 = arith.constant 0 : index
    tpu.barrier barrier_id(%barrier3A_101)
    %mul3A_102 = arith.constant 10000 : i32
    %mul3A_103 = arith.muli %arg0, %mul3A_102 : i32
    %add3A_104 = arith.addi %mul3A_103, %mul3A_5 : i32
    "tpu.region"() ({
      %run_scoped3A = tpu.sem_alloc : memref<!tpu.dma_semaphore, #tpu.memory_space<semaphore_mem>>
      %dma_start3A_110 = arith.constant 0 : i32
      %dma_start3A_111 = tpu.memref_slice %arg6[%add3A_104, %dma_start3A_110] : memref<20000x128xf32, #tpu.memory_space<hbm>> -> memref<624x128xf32, #tpu.memory_space<hbm>>
      %dma_start3A_112 = arith.constant 0 : i32
      %dma_start3A_113 = tpu.memref_slice %arg16[%mul3A_5, %dma_start3A_112] : memref<10000x128xf32, #tpu.memory_space<vmem_shared>> -> memref<624x128xf32, #tpu.memory_space<vmem_shared>>
      tpu.enqueue_dma source(%dma_start3A_113 : memref<624x128xf32, #tpu.memory_space<vmem_shared>>) target(%dma_start3A_111 : memref<624x128xf32, #tpu.memory_space<hbm>>) target_semaphore(%run_scoped3A : memref<!tpu.dma_semaphore, #tpu.memory_space<semaphore_mem>>)
      %dma_wait3A_114 = arith.constant 0 : i32
      %dma_wait3A_115 = tpu.memref_slice %arg6[%add3A_104, %dma_wait3A_114] : memref<20000x128xf32, #tpu.memory_space<hbm>> -> memref<624x128xf32, #tpu.memory_space<hbm>>
      %dma_wait3A_116 = arith.constant 0 : i32
      %dma_wait3A_117 = tpu.memref_slice %arg16[%mul3A_5, %dma_wait3A_116] : memref<10000x128xf32, #tpu.memory_space<vmem_shared>> -> memref<624x128xf32, #tpu.memory_space<vmem_shared>>
      tpu.wait_dma2 semaphore(%run_scoped3A : memref<!tpu.dma_semaphore, #tpu.memory_space<semaphore_mem>>) src(%dma_wait3A_117 : memref<624x128xf32, #tpu.memory_space<vmem_shared>>) dst(%dma_wait3A_115 : memref<624x128xf32, #tpu.memory_space<hbm>>)
      tpu.yield
    }) : () -> ()
    %eq3A_105 = arith.constant 15 : i32
    %eq3A_106 = arith.cmpi eq, %arg1, %eq3A_105 : i32
    %convert_element_type3A_107 = arith.extui %eq3A_106 : i1 to i32
    %cond3A_108 = arith.constant 0 : i32
    %cond3A_109 = arith.cmpi ne, %convert_element_type3A_107, %cond3A_108 : i32
    scf.if %cond3A_109 {
      %mul3A_110 = arith.constant 10000 : i32
      %mul3A_111 = arith.muli %arg0, %mul3A_110 : i32
      %add3A_112 = arith.constant 9984 : i32
      %add3A_113 = arith.addi %mul3A_111, %add3A_112 : i32
      "tpu.region"() ({
        %run_scoped3A = tpu.sem_alloc : memref<!tpu.dma_semaphore, #tpu.memory_space<semaphore_mem>>
        %dma_start3A_114 = arith.constant 0 : i32
        %dma_start3A_115 = tpu.memref_slice %arg6[%add3A_113, %dma_start3A_114] : memref<20000x128xf32, #tpu.memory_space<hbm>> -> memref<16x128xf32, #tpu.memory_space<hbm>>
        %dma_start3A_116 = arith.constant 9984 : i32
        %dma_start3A_117 = arith.constant 0 : i32
        %dma_start3A_118 = tpu.memref_slice %arg16[%dma_start3A_116, %dma_start3A_117] : memref<10000x128xf32, #tpu.memory_space<vmem_shared>> -> memref<16x128xf32, #tpu.memory_space<vmem_shared>>
        tpu.enqueue_dma source(%dma_start3A_118 : memref<16x128xf32, #tpu.memory_space<vmem_shared>>) target(%dma_start3A_115 : memref<16x128xf32, #tpu.memory_space<hbm>>) target_semaphore(%run_scoped3A : memref<!tpu.dma_semaphore, #tpu.memory_space<semaphore_mem>>)
        %dma_wait3A_119 = arith.constant 0 : i32
        %dma_wait3A_120 = tpu.memref_slice %arg6[%add3A_113, %dma_wait3A_119] : memref<20000x128xf32, #tpu.memory_space<hbm>> -> memref<16x128xf32, #tpu.memory_space<hbm>>
        %dma_wait3A_121 = arith.constant 9984 : i32
        %dma_wait3A_122 = arith.constant 0 : i32
        %dma_wait3A_123 = tpu.memref_slice %arg16[%dma_wait3A_121, %dma_wait3A_122] : memref<10000x128xf32, #tpu.memory_space<vmem_shared>> -> memref<16x128xf32, #tpu.memory_space<vmem_shared>>
        tpu.wait_dma2 semaphore(%run_scoped3A : memref<!tpu.dma_semaphore, #tpu.memory_space<semaphore_mem>>) src(%dma_wait3A_123 : memref<16x128xf32, #tpu.memory_space<vmem_shared>>) dst(%dma_wait3A_120 : memref<16x128xf32, #tpu.memory_space<hbm>>)
        tpu.yield
      }) : () -> ()
    } else {
    }
    return
  }
}

module attributes {stable_mosaic.version = 14 : i64} {
  func.func @body(%arg0: i32, %arg1: memref<2000x128xf32, #tpu.memory_space<vmem>>, %arg2: memref<128x128xf32, #tpu.memory_space<vmem>>, %arg3: memref<1x128xf32, #tpu.memory_space<vmem>>, %arg4: memref<128x128xf32, #tpu.memory_space<vmem>>, %arg5: memref<1x128xf32, #tpu.memory_space<vmem>>, %arg6: memref<128x128xf32, #tpu.memory_space<vmem>>, %arg7: memref<1x128xf32, #tpu.memory_space<vmem>>, %arg8: memref<128x128xf32, #tpu.memory_space<vmem>>, %arg9: memref<1x128xf32, #tpu.memory_space<vmem>>, %arg10: memref<128x384xf32, #tpu.memory_space<vmem>>, %arg11: memref<2000x128xf32, #tpu.memory_space<vmem>>, %arg12: memref<2000x128xf32, #tpu.memory_space<vmem>>, %arg13: memref<2000x64xf32, #tpu.memory_space<vmem>>, %arg14: memref<2000x64xf32, #tpu.memory_space<vmem>>, %arg15: memref<2000x128xf32, #tpu.memory_space<vmem>>) attributes {dimension_semantics = [#tpu.dimension_semantics<arbitrary>], iteration_bounds = array<i64: 5>, scalar_prefetch = 0 : i64, scratch_operands = 0 : i64, tpu.core_type = #tpu.core_type<tc>, window_params = [{transform_indices = @transform_0, window_bounds = array<i64: 2000, 128>}, {pipeline_mode = #tpu.pipeline_mode<synchronous>, transform_indices = @transform_1, window_bounds = array<i64: 128, 128>}, {pipeline_mode = #tpu.pipeline_mode<synchronous>, transform_indices = @transform_2, window_bounds = array<i64: 1, 128>}, {pipeline_mode = #tpu.pipeline_mode<synchronous>, transform_indices = @transform_3, window_bounds = array<i64: 128, 128>}, {pipeline_mode = #tpu.pipeline_mode<synchronous>, transform_indices = @transform_4, window_bounds = array<i64: 1, 128>}, {pipeline_mode = #tpu.pipeline_mode<synchronous>, transform_indices = @transform_5, window_bounds = array<i64: 128, 128>}, {pipeline_mode = #tpu.pipeline_mode<synchronous>, transform_indices = @transform_6, window_bounds = array<i64: 1, 128>}, {pipeline_mode = #tpu.pipeline_mode<synchronous>, transform_indices = @transform_7, window_bounds = array<i64: 128, 128>}, {pipeline_mode = #tpu.pipeline_mode<synchronous>, transform_indices = @transform_8, window_bounds = array<i64: 1, 128>}, {pipeline_mode = #tpu.pipeline_mode<synchronous>, transform_indices = @transform_9, window_bounds = array<i64: 128, 384>}, {transform_indices = @transform_10, window_bounds = array<i64: 2000, 128>}, {transform_indices = @transform_11, window_bounds = array<i64: 2000, 128>}, {transform_indices = @transform_12, window_bounds = array<i64: 2000, 64>}, {transform_indices = @transform_13, window_bounds = array<i64: 2000, 64>}, {transform_indices = @transform_14, window_bounds = array<i64: 2000, 128>}]} {
    %get3A = arith.constant 0 : index
    %get3A_0 = arith.constant 0 : index
    %get3A_1 = vector.load %arg1[%get3A, %get3A_0] : memref<2000x128xf32, #tpu.memory_space<vmem>>, vector<2000x128xf32>
    %get3A_2 = arith.constant 0 : index
    %get3A_3 = arith.constant 0 : index
    %get3A_4 = vector.load %arg10[%get3A_2, %get3A_3] : memref<128x384xf32, #tpu.memory_space<vmem>>, vector<128x384xf32>
    %get3A_5 = arith.constant 0 : index
    %get3A_6 = arith.constant 0 : index
    %get3A_7 = vector.load %arg2[%get3A_5, %get3A_6] : memref<128x128xf32, #tpu.memory_space<vmem>>, vector<128x128xf32>
    %dot_general3A = arith.constant dense<0.000000e+00> : vector<2000x128xf32>
    %dot_general3A_8 = tpu.matmul %get3A_1, %get3A_7, %dot_general3A {dimension_numbers = #tpu.dot_dimension_numbers<[1], [1], [0], [0], [0, 0, 1, 0], [], []>, transpose_lhs_hint = false} : vector<2000x128xf32>, vector<128x128xf32>, vector<2000x128xf32> -> vector<2000x128xf32>
    %get3A_9 = arith.constant 0 : index
    %get3A_10 = arith.constant 0 : index
    %get3A_11 = vector.load %arg3[%get3A_9, %get3A_10] : memref<1x128xf32, #tpu.memory_space<vmem>>, vector<1x128xf32>
    %add3A = vector.broadcast %get3A_11 : vector<1x128xf32> to vector<2000x128xf32>
    %add3A_12 = arith.addf %dot_general3A_8, %add3A : vector<2000x128xf32>
    %swap3A = arith.constant 0 : index
    %swap3A_13 = arith.constant 0 : index
    %swap3A_14 = vector.load %arg11[%swap3A, %swap3A_13] : memref<2000x128xf32, #tpu.memory_space<vmem>>, vector<2000x128xf32>
    tpu.vector_store %arg11[%swap3A, %swap3A_13], %add3A_12 {strides = array<i32>} : memref<2000x128xf32, #tpu.memory_space<vmem>>, vector<2000x128xf32>,
    %get3A_15 = arith.constant 0 : index
    %get3A_16 = arith.constant 0 : index
    %get3A_17 = vector.load %arg8[%get3A_15, %get3A_16] : memref<128x128xf32, #tpu.memory_space<vmem>>, vector<128x128xf32>
    %dot_general3A_18 = arith.constant dense<0.000000e+00> : vector<2000x128xf32>
    %dot_general3A_19 = tpu.matmul %get3A_1, %get3A_17, %dot_general3A_18 {dimension_numbers = #tpu.dot_dimension_numbers<[1], [1], [0], [0], [0, 0, 1, 0], [], []>, transpose_lhs_hint = false} : vector<2000x128xf32>, vector<128x128xf32>, vector<2000x128xf32> -> vector<2000x128xf32>
    %get3A_20 = arith.constant 0 : index
    %get3A_21 = arith.constant 0 : index
    %get3A_22 = vector.load %arg9[%get3A_20, %get3A_21] : memref<1x128xf32, #tpu.memory_space<vmem>>, vector<1x128xf32>
    %add3A_23 = vector.broadcast %get3A_22 : vector<1x128xf32> to vector<2000x128xf32>
    %add3A_24 = arith.addf %dot_general3A_19, %add3A_23 : vector<2000x128xf32>
    %swap3A_25 = arith.constant 0 : index
    %swap3A_26 = arith.constant 0 : index
    %swap3A_27 = vector.load %arg12[%swap3A_25, %swap3A_26] : memref<2000x128xf32, #tpu.memory_space<vmem>>, vector<2000x128xf32>
    tpu.vector_store %arg12[%swap3A_25, %swap3A_26], %add3A_24 {strides = array<i32>} : memref<2000x128xf32, #tpu.memory_space<vmem>>, vector<2000x128xf32>,
    %get3A_28 = arith.constant 0 : index
    %get3A_29 = arith.constant 0 : index
    %get3A_30 = vector.load %arg4[%get3A_28, %get3A_29] : memref<128x128xf32, #tpu.memory_space<vmem>>, vector<128x128xf32>
    %dot_general3A_31 = arith.constant dense<0.000000e+00> : vector<2000x128xf32>
    %dot_general3A_32 = tpu.matmul %get3A_1, %get3A_30, %dot_general3A_31 {dimension_numbers = #tpu.dot_dimension_numbers<[1], [1], [0], [0], [0, 0, 1, 0], [], []>, transpose_lhs_hint = false} : vector<2000x128xf32>, vector<128x128xf32>, vector<2000x128xf32> -> vector<2000x128xf32>
    %get3A_33 = arith.constant 0 : index
    %get3A_34 = arith.constant 0 : index
    %get3A_35 = vector.load %arg5[%get3A_33, %get3A_34] : memref<1x128xf32, #tpu.memory_space<vmem>>, vector<1x128xf32>
    %add3A_36 = vector.broadcast %get3A_35 : vector<1x128xf32> to vector<2000x128xf32>
    %add3A_37 = arith.addf %dot_general3A_32, %add3A_36 : vector<2000x128xf32>
    %slice3A = vector.extract_strided_slice %get3A_4 {offsets = [0, 0], sizes = [128, 128], strides = [1, 1]} : vector<128x384xf32> to vector<128x128xf32>
    %dot_general3A_38 = arith.constant dense<0.000000e+00> : vector<2000x128xf32>
    %dot_general3A_39 = tpu.matmul %add3A_37, %slice3A, %dot_general3A_38 {dimension_numbers = #tpu.dot_dimension_numbers<[1], [1], [0], [0], [0, 0, 1, 0], [], []>, transpose_lhs_hint = false} : vector<2000x128xf32>, vector<128x128xf32>, vector<2000x128xf32> -> vector<2000x128xf32>
    %slice3A_40 = vector.extract_strided_slice %dot_general3A_39 {offsets = [0, 0], sizes = [2000, 64], strides = [1, 1]} : vector<2000x128xf32> to vector<2000x64xf32>
    %swap3A_41 = arith.constant 0 : index
    %swap3A_42 = arith.constant 0 : index
    %swap3A_43 = vector.load %arg13[%swap3A_41, %swap3A_42] : memref<2000x64xf32, #tpu.memory_space<vmem>>, vector<2000x64xf32>
    tpu.vector_store %arg13[%swap3A_41, %swap3A_42], %slice3A_40 {strides = array<i32>} : memref<2000x64xf32, #tpu.memory_space<vmem>>, vector<2000x64xf32>,
    %slice3A_44 = vector.extract_strided_slice %dot_general3A_39 {offsets = [0, 64], sizes = [2000, 64], strides = [1, 1]} : vector<2000x128xf32> to vector<2000x64xf32>
    %swap3A_45 = arith.constant 0 : index
    %swap3A_46 = arith.constant 0 : index
    %swap3A_47 = vector.load %arg14[%swap3A_45, %swap3A_46] : memref<2000x64xf32, #tpu.memory_space<vmem>>, vector<2000x64xf32>
    tpu.vector_store %arg14[%swap3A_45, %swap3A_46], %slice3A_44 {strides = array<i32>} : memref<2000x64xf32, #tpu.memory_space<vmem>>, vector<2000x64xf32>,
    %get3A_48 = arith.constant 0 : index
    %get3A_49 = arith.constant 0 : index
    %get3A_50 = vector.load %arg6[%get3A_48, %get3A_49] : memref<128x128xf32, #tpu.memory_space<vmem>>, vector<128x128xf32>
    %dot_general3A_51 = arith.constant dense<0.000000e+00> : vector<2000x128xf32>
    %dot_general3A_52 = tpu.matmul %get3A_1, %get3A_50, %dot_general3A_51 {dimension_numbers = #tpu.dot_dimension_numbers<[1], [1], [0], [0], [0, 0, 1, 0], [], []>, transpose_lhs_hint = false} : vector<2000x128xf32>, vector<128x128xf32>, vector<2000x128xf32> -> vector<2000x128xf32>
    %get3A_53 = arith.constant 0 : index
    %get3A_54 = arith.constant 0 : index
    %get3A_55 = vector.load %arg7[%get3A_53, %get3A_54] : memref<1x128xf32, #tpu.memory_space<vmem>>, vector<1x128xf32>
    %add3A_56 = vector.broadcast %get3A_55 : vector<1x128xf32> to vector<2000x128xf32>
    %add3A_57 = arith.addf %dot_general3A_52, %add3A_56 : vector<2000x128xf32>
    %slice3A_58 = vector.extract_strided_slice %get3A_4 {offsets = [0, 128], sizes = [128, 128], strides = [1, 1]} : vector<128x384xf32> to vector<128x128xf32>
    %dot_general3A_59 = arith.constant dense<0.000000e+00> : vector<2000x128xf32>
    %dot_general3A_60 = tpu.matmul %add3A_57, %slice3A_58, %dot_general3A_59 {dimension_numbers = #tpu.dot_dimension_numbers<[1], [1], [0], [0], [0, 0, 1, 0], [], []>, transpose_lhs_hint = false} : vector<2000x128xf32>, vector<128x128xf32>, vector<2000x128xf32> -> vector<2000x128xf32>
    %swap3A_61 = arith.constant 0 : index
    %swap3A_62 = arith.constant 0 : index
    %swap3A_63 = vector.load %arg15[%swap3A_61, %swap3A_62] : memref<2000x128xf32, #tpu.memory_space<vmem>>, vector<2000x128xf32>
    tpu.vector_store %arg15[%swap3A_61, %swap3A_62], %dot_general3A_60 {strides = array<i32>} : memref<2000x128xf32, #tpu.memory_space<vmem>>, vector<2000x128xf32>,
    return
  }
  func.func @transform_0(%arg0: i32) -> (i32, i32) {
    %c0_i32 = arith.constant 0 : i32
    %c0_i32_0 = arith.constant 0 : i32
    return %arg0, %c0_i32 : i32, i32
  }
  func.func @transform_1(%arg0: i32) -> (i32, i32) {
    %c0_i32 = arith.constant 0 : i32
    %c0_i32_0 = arith.constant 0 : i32
    %c0_i32_1 = arith.constant 0 : i32
    return %c0_i32, %c0_i32_0 : i32, i32
  }
  func.func @transform_2(%arg0: i32) -> (i32, i32) {
    %c0_i32 = arith.constant 0 : i32
    %c0_i32_0 = arith.constant 0 : i32
    %c0_i32_1 = arith.constant 0 : i32
    return %c0_i32, %c0_i32_0 : i32, i32
  }
  func.func @transform_3(%arg0: i32) -> (i32, i32) {
    %c0_i32 = arith.constant 0 : i32
    %c0_i32_0 = arith.constant 0 : i32
    %c0_i32_1 = arith.constant 0 : i32
    return %c0_i32, %c0_i32_0 : i32, i32
  }
  func.func @transform_4(%arg0: i32) -> (i32, i32) {
    %c0_i32 = arith.constant 0 : i32
    %c0_i32_0 = arith.constant 0 : i32
    %c0_i32_1 = arith.constant 0 : i32
    return %c0_i32, %c0_i32_0 : i32, i32
  }
  func.func @transform_5(%arg0: i32) -> (i32, i32) {
    %c0_i32 = arith.constant 0 : i32
    %c0_i32_0 = arith.constant 0 : i32
    %c0_i32_1 = arith.constant 0 : i32
    return %c0_i32, %c0_i32_0 : i32, i32
  }
  func.func @transform_6(%arg0: i32) -> (i32, i32) {
    %c0_i32 = arith.constant 0 : i32
    %c0_i32_0 = arith.constant 0 : i32
    %c0_i32_1 = arith.constant 0 : i32
    return %c0_i32, %c0_i32_0 : i32, i32
  }
  func.func @transform_7(%arg0: i32) -> (i32, i32) {
    %c0_i32 = arith.constant 0 : i32
    %c0_i32_0 = arith.constant 0 : i32
    %c0_i32_1 = arith.constant 0 : i32
    return %c0_i32, %c0_i32_0 : i32, i32
  }
  func.func @transform_8(%arg0: i32) -> (i32, i32) {
    %c0_i32 = arith.constant 0 : i32
    %c0_i32_0 = arith.constant 0 : i32
    %c0_i32_1 = arith.constant 0 : i32
    return %c0_i32, %c0_i32_0 : i32, i32
  }
  func.func @transform_9(%arg0: i32) -> (i32, i32) {
    %c0_i32 = arith.constant 0 : i32
    %c0_i32_0 = arith.constant 0 : i32
    %c0_i32_1 = arith.constant 0 : i32
    return %c0_i32, %c0_i32_0 : i32, i32
  }
  func.func @transform_10(%arg0: i32) -> (i32, i32) {
    %c0_i32 = arith.constant 0 : i32
    %c0_i32_0 = arith.constant 0 : i32
    return %arg0, %c0_i32 : i32, i32
  }
  func.func @transform_11(%arg0: i32) -> (i32, i32) {
    %c0_i32 = arith.constant 0 : i32
    %c0_i32_0 = arith.constant 0 : i32
    return %arg0, %c0_i32 : i32, i32
  }
  func.func @transform_12(%arg0: i32) -> (i32, i32) {
    %c0_i32 = arith.constant 0 : i32
    %c0_i32_0 = arith.constant 0 : i32
    return %arg0, %c0_i32 : i32, i32
  }
  func.func @transform_13(%arg0: i32) -> (i32, i32) {
    %c0_i32 = arith.constant 0 : i32
    %c0_i32_0 = arith.constant 0 : i32
    return %arg0, %c0_i32 : i32, i32
  }
  func.func @transform_14(%arg0: i32) -> (i32, i32) {
    %c0_i32 = arith.constant 0 : i32
    %c0_i32_0 = arith.constant 0 : i32
    return %arg0, %c0_i32 : i32, i32
  }
}

module attributes {stable_mosaic.version = 14 : i64} {
  func.func @body(%arg0: i32, %arg1: memref<4000x64xf32, #tpu.memory_space<vmem>>, %arg2: memref<4000x64xf32, #tpu.memory_space<vmem>>, %arg3: memref<4000x16xf32, #tpu.memory_space<vmem>>, %arg4: memref<128x16xf32, #tpu.memory_space<vmem>>, %arg5: memref<1x128xf32, #tpu.memory_space<vmem>>, %arg6: memref<128x384xf32, #tpu.memory_space<vmem>>, %arg7: memref<1x128xf32, #tpu.memory_space<vmem>>, %arg8: memref<8x128xf32, #tpu.memory_space<vmem>>, %arg9: memref<1x8xf32, #tpu.memory_space<vmem>>, %arg10: memref<4000x1xf32, #tpu.memory_space<vmem>>, %arg11: memref<1x2xf32, #tpu.memory_space<vmem>>, %arg12: memref<1x1xf32, #tpu.memory_space<vmem>>, %arg13: memref<1x1xf32, #tpu.memory_space<vmem>>) attributes {dimension_semantics = [#tpu.dimension_semantics<arbitrary>], iteration_bounds = array<i64: 80>, scalar_prefetch = 0 : i64, scratch_operands = 2 : i64, tpu.core_type = #tpu.core_type<tc>, window_params = [{transform_indices = @transform_0, window_bounds = array<i64: 4000, 64>}, {transform_indices = @transform_1, window_bounds = array<i64: 4000, 64>}, {transform_indices = @transform_2, window_bounds = array<i64: 4000, 16>}, {pipeline_mode = #tpu.pipeline_mode<synchronous>, transform_indices = @transform_3, window_bounds = array<i64: 128, 16>}, {pipeline_mode = #tpu.pipeline_mode<synchronous>, transform_indices = @transform_4, window_bounds = array<i64: 1, 128>}, {pipeline_mode = #tpu.pipeline_mode<synchronous>, transform_indices = @transform_5, window_bounds = array<i64: 128, 384>}, {pipeline_mode = #tpu.pipeline_mode<synchronous>, transform_indices = @transform_6, window_bounds = array<i64: 1, 128>}, {pipeline_mode = #tpu.pipeline_mode<synchronous>, transform_indices = @transform_7, window_bounds = array<i64: 8, 128>}, {pipeline_mode = #tpu.pipeline_mode<synchronous>, transform_indices = @transform_8, window_bounds = array<i64: 1, 8>}, {transform_indices = @transform_9, window_bounds = array<i64: 4000, 1>}, {pipeline_mode = #tpu.pipeline_mode<synchronous>, transform_indices = @transform_10, window_bounds = array<i64: 1, 2>}]} {
    %get3A = arith.constant 0 : index
    %get3A_0 = arith.constant 0 : index
    %get3A_1 = vector.load %arg6[%get3A, %get3A_0] : memref<128x384xf32, #tpu.memory_space<vmem>>, vector<128x384xf32>
    %slice3A = vector.extract_strided_slice %get3A_1 {offsets = [0, 256], sizes = [128, 128], strides = [1, 1]} : vector<128x384xf32> to vector<128x128xf32>
    %get3A_2 = arith.constant 0 : index
    %get3A_3 = arith.constant 0 : index
    %get3A_4 = vector.load %arg4[%get3A_2, %get3A_3] : memref<128x16xf32, #tpu.memory_space<vmem>>, vector<128x16xf32>
    %dot_general3A = arith.constant dense<0.000000e+00> : vector<128x16xf32>
    %dot_general3A_5 = tpu.matmul %slice3A, %get3A_4, %dot_general3A {dimension_numbers = #tpu.dot_dimension_numbers<[1], [0], [0], [1], [0, 0, 1, 1], [], []>, transpose_lhs_hint = false} : vector<128x128xf32>, vector<128x16xf32>, vector<128x16xf32> -> vector<128x16xf32>
    %get3A_6 = arith.constant 0 : index
    %get3A_7 = arith.constant 0 : index
    %get3A_8 = vector.load %arg5[%get3A_6, %get3A_7] : memref<1x128xf32, #tpu.memory_space<vmem>>, vector<1x128xf32>
    %dot_general3A_9 = arith.constant dense<0.000000e+00> : vector<1x128xf32>
    %dot_general3A_10 = tpu.matmul %get3A_8, %slice3A, %dot_general3A_9 {dimension_numbers = #tpu.dot_dimension_numbers<[1], [1], [0], [0], [0, 0, 1, 0], [], []>, transpose_lhs_hint = false} : vector<1x128xf32>, vector<128x128xf32>, vector<1x128xf32> -> vector<1x128xf32>
    %get3A_11 = arith.constant 0 : index
    %get3A_12 = arith.constant 0 : index
    %get3A_13 = vector.load %arg1[%get3A_11, %get3A_12] : memref<4000x64xf32, #tpu.memory_space<vmem>>, vector<4000x64xf32>
    %get3A_14 = arith.constant 0 : index
    %get3A_15 = arith.constant 0 : index
    %get3A_16 = vector.load %arg2[%get3A_14, %get3A_15] : memref<4000x64xf32, #tpu.memory_space<vmem>>, vector<4000x64xf32>
    %concatenate3A = tpu.concatenate %get3A_13, %get3A_16 in 1 : vector<4000x64xf32>, vector<4000x64xf32> -> vector<4000x128xf32>
    %get3A_17 = arith.constant 0 : index
    %get3A_18 = arith.constant 0 : index
    %get3A_19 = vector.load %arg3[%get3A_17, %get3A_18] : memref<4000x16xf32, #tpu.memory_space<vmem>>, vector<4000x16xf32>
    %dot_general3A_20 = arith.constant dense<0.000000e+00> : vector<4000x128xf32>
    %dot_general3A_21 = tpu.matmul %get3A_19, %dot_general3A_5, %dot_general3A_20 {dimension_numbers = #tpu.dot_dimension_numbers<[1], [1], [0], [0], [0, 0, 1, 0], [], []>, transpose_lhs_hint = false} : vector<4000x16xf32>, vector<128x16xf32>, vector<4000x128xf32> -> vector<4000x128xf32>
    %add3A = arith.addf %concatenate3A, %dot_general3A_21 : vector<4000x128xf32>
    %add3A_22 = vector.broadcast %dot_general3A_10 : vector<1x128xf32> to vector<4000x128xf32>
    %add3A_23 = arith.addf %add3A, %add3A_22 : vector<4000x128xf32>
    %get3A_24 = arith.constant 0 : index
    %get3A_25 = arith.constant 0 : index
    %get3A_26 = vector.load %arg7[%get3A_24, %get3A_25] : memref<1x128xf32, #tpu.memory_space<vmem>>, vector<1x128xf32>
    %add3A_27 = vector.broadcast %get3A_26 : vector<1x128xf32> to vector<4000x128xf32>
    %add3A_28 = arith.addf %add3A_23, %add3A_27 : vector<4000x128xf32>
    %mul3A = arith.constant 2.000000e-01 : f32
    %mul3A_29 = vector.broadcast %mul3A : f32 to vector<4000x128xf32>
    %mul3A_30 = arith.mulf %mul3A_29, %add3A_28 : vector<4000x128xf32>
    %max3A = arith.maximumf %add3A_28, %mul3A_30 : vector<4000x128xf32>
    %get3A_31 = arith.constant 0 : index
    %get3A_32 = arith.constant 0 : index
    %get3A_33 = vector.load %arg8[%get3A_31, %get3A_32] : memref<8x128xf32, #tpu.memory_space<vmem>>, vector<8x128xf32>
    %dot_general3A_34 = arith.constant dense<0.000000e+00> : vector<4000x8xf32>
    %dot_general3A_35 = tpu.matmul %max3A, %get3A_33, %dot_general3A_34 {dimension_numbers = #tpu.dot_dimension_numbers<[1], [1], [0], [0], [0, 0, 1, 0], [], []>, transpose_lhs_hint = false} : vector<4000x128xf32>, vector<8x128xf32>, vector<4000x8xf32> -> vector<4000x8xf32>
    %get3A_36 = arith.constant 0 : index
    %get3A_37 = arith.constant 0 : index
    %get3A_38 = vector.load %arg9[%get3A_36, %get3A_37] : memref<1x8xf32, #tpu.memory_space<vmem>>, vector<1x8xf32>
    %add3A_39 = vector.broadcast %get3A_38 : vector<1x8xf32> to vector<4000x8xf32>
    %add3A_40 = arith.addf %dot_general3A_35, %add3A_39 : vector<4000x8xf32>
    %mul3A_41 = arith.constant 2.000000e-01 : f32
    %mul3A_42 = vector.broadcast %mul3A_41 : f32 to vector<4000x8xf32>
    %mul3A_43 = arith.mulf %mul3A_42, %add3A_40 : vector<4000x8xf32>
    %max3A_44 = arith.maximumf %add3A_40, %mul3A_43 : vector<4000x8xf32>
    %reduce_sum3A = arith.constant dense<0.000000e+00> : vector<4000xf32>
    %reduce_sum3A_45 = vector.multi_reduction <add>, %max3A_44, %reduce_sum3A [1] : vector<4000x8xf32> to vector<4000xf32>
    %broadcast_in_dim3A = vector.shape_cast %reduce_sum3A_45 : vector<4000xf32> to vector<4000x1xf32>
    %div3A = arith.constant 8.000000e+00 : f32
    %div3A_46 = vector.broadcast %div3A : f32 to vector<4000x1xf32>
    %div3A_47 = arith.divf %broadcast_in_dim3A, %div3A_46 : vector<4000x1xf32>
    %swap3A = arith.constant 0 : index
    %swap3A_48 = arith.constant 0 : index
    %swap3A_49 = vector.load %arg10[%swap3A, %swap3A_48] : memref<4000x1xf32, #tpu.memory_space<vmem>>, vector<4000x1xf32>
    tpu.vector_store %arg10[%swap3A, %swap3A_48], %div3A_47 {strides = array<i32>} : memref<4000x1xf32, #tpu.memory_space<vmem>>, vector<4000x1xf32>,
    %reduce_max3A = vector.shape_cast %div3A_47 : vector<4000x1xf32> to vector<1x4000x1xf32>
    %reduce_max3A_50 = arith.constant dense<0xFF800000> : vector<1xf32>
    %reduce_max3A_51 = vector.multi_reduction <maximumf>, %reduce_max3A, %reduce_max3A_50 [1, 2] : vector<1x4000x1xf32> to vector<1xf32>
    %reduce_max3A_52 = vector.shape_cast %reduce_max3A_51 : vector<1xf32> to vector<1x1x1xf32>
    %reduce_max3A_53 = vector.extract %reduce_max3A_52[0, 0, 0] : f32 from vector<1x1x1xf32>
    %broadcast_in_dim3A_54 = vector.broadcast %reduce_max3A_53 : f32 to vector<1x1xf32>
    %eq3A = arith.constant 0 : i32
    %eq3A_55 = arith.cmpi eq, %arg0, %eq3A : i32
    %convert_element_type3A = arith.extui %eq3A_55 : i1 to i32
    %cond3A = arith.constant 0 : i32
    %cond3A_56 = arith.cmpi ne, %convert_element_type3A, %cond3A : i32
    scf.if %cond3A_56 {
      %swap3A_66 = arith.constant 0 : index
      %swap3A_67 = arith.constant 0 : index
      %swap3A_68 = vector.load %arg12[%swap3A_66, %swap3A_67] : memref<1x1xf32, #tpu.memory_space<vmem>>, vector<1x1xf32>
      tpu.vector_store %arg12[%swap3A_66, %swap3A_67], %broadcast_in_dim3A_54 {strides = array<i32>} : memref<1x1xf32, #tpu.memory_space<vmem>>, vector<1x1xf32>,
      %sub3A = vector.broadcast %broadcast_in_dim3A_54 : vector<1x1xf32> to vector<4000x1xf32>
      %sub3A_69 = arith.subf %div3A_47, %sub3A : vector<4000x1xf32>
      %exp3A = math.exp %sub3A_69 : vector<4000x1xf32>
      %reduce_sum3A_70 = vector.shape_cast %exp3A : vector<4000x1xf32> to vector<1x4000x1xf32>
      %reduce_sum3A_71 = arith.constant dense<0.000000e+00> : vector<1xf32>
      %reduce_sum3A_72 = vector.multi_reduction <add>, %reduce_sum3A_70, %reduce_sum3A_71 [1, 2] : vector<1x4000x1xf32> to vector<1xf32>
      %reduce_sum3A_73 = vector.shape_cast %reduce_sum3A_72 : vector<1xf32> to vector<1x1x1xf32>
      %reduce_sum3A_74 = vector.extract %reduce_sum3A_73[0, 0, 0] : f32 from vector<1x1x1xf32>
      %broadcast_in_dim3A_75 = vector.broadcast %reduce_sum3A_74 : f32 to vector<1x1xf32>
      %swap3A_76 = arith.constant 0 : index
      %swap3A_77 = arith.constant 0 : index
      %swap3A_78 = vector.load %arg13[%swap3A_76, %swap3A_77] : memref<1x1xf32, #tpu.memory_space<vmem>>, vector<1x1xf32>
      tpu.vector_store %arg13[%swap3A_76, %swap3A_77], %broadcast_in_dim3A_75 {strides = array<i32>} : memref<1x1xf32, #tpu.memory_space<vmem>>, vector<1x1xf32>,
    } else {
    }
    %gt3A = arith.constant 0 : i32
    %gt3A_57 = arith.cmpi sgt, %arg0, %gt3A : i32
    %convert_element_type3A_58 = arith.extui %gt3A_57 : i1 to i32
    %cond3A_59 = arith.constant 0 : i32
    %cond3A_60 = arith.cmpi ne, %convert_element_type3A_58, %cond3A_59 : i32
    scf.if %cond3A_60 {
      %get3A_66 = arith.constant 0 : index
      %get3A_67 = arith.constant 0 : index
      %get3A_68 = vector.load %arg12[%get3A_66, %get3A_67] : memref<1x1xf32, #tpu.memory_space<vmem>>, vector<1x1xf32>
      %max3A_69 = arith.maximumf %get3A_68, %broadcast_in_dim3A_54 : vector<1x1xf32>
      %get3A_70 = arith.constant 0 : index
      %get3A_71 = arith.constant 0 : index
      %get3A_72 = vector.load %arg13[%get3A_70, %get3A_71] : memref<1x1xf32, #tpu.memory_space<vmem>>, vector<1x1xf32>
      %sub3A = arith.subf %get3A_68, %max3A_69 : vector<1x1xf32>
      %exp3A = math.exp %sub3A : vector<1x1xf32>
      %mul3A_73 = arith.mulf %get3A_72, %exp3A : vector<1x1xf32>
      %sub3A_74 = vector.broadcast %max3A_69 : vector<1x1xf32> to vector<4000x1xf32>
      %sub3A_75 = arith.subf %div3A_47, %sub3A_74 : vector<4000x1xf32>
      %exp3A_76 = math.exp %sub3A_75 : vector<4000x1xf32>
      %reduce_sum3A_77 = vector.shape_cast %exp3A_76 : vector<4000x1xf32> to vector<1x4000x1xf32>
      %reduce_sum3A_78 = arith.constant dense<0.000000e+00> : vector<1xf32>
      %reduce_sum3A_79 = vector.multi_reduction <add>, %reduce_sum3A_77, %reduce_sum3A_78 [1, 2] : vector<1x4000x1xf32> to vector<1xf32>
      %reduce_sum3A_80 = vector.shape_cast %reduce_sum3A_79 : vector<1xf32> to vector<1x1x1xf32>
      %reduce_sum3A_81 = vector.extract %reduce_sum3A_80[0, 0, 0] : f32 from vector<1x1x1xf32>
      %broadcast_in_dim3A_82 = vector.broadcast %reduce_sum3A_81 : f32 to vector<1x1xf32>
      %add3A_83 = arith.addf %mul3A_73, %broadcast_in_dim3A_82 : vector<1x1xf32>
      %swap3A_84 = arith.constant 0 : index
      %swap3A_85 = arith.constant 0 : index
      %swap3A_86 = vector.load %arg13[%swap3A_84, %swap3A_85] : memref<1x1xf32, #tpu.memory_space<vmem>>, vector<1x1xf32>
      tpu.vector_store %arg13[%swap3A_84, %swap3A_85], %add3A_83 {strides = array<i32>} : memref<1x1xf32, #tpu.memory_space<vmem>>, vector<1x1xf32>,
      %swap3A_87 = arith.constant 0 : index
      %swap3A_88 = arith.constant 0 : index
      %swap3A_89 = vector.load %arg12[%swap3A_87, %swap3A_88] : memref<1x1xf32, #tpu.memory_space<vmem>>, vector<1x1xf32>
      tpu.vector_store %arg12[%swap3A_87, %swap3A_88], %max3A_69 {strides = array<i32>} : memref<1x1xf32, #tpu.memory_space<vmem>>, vector<1x1xf32>,
    } else {
    }
    %eq3A_61 = arith.constant 79 : i32
    %eq3A_62 = arith.cmpi eq, %arg0, %eq3A_61 : i32
    %convert_element_type3A_63 = arith.extui %eq3A_62 : i1 to i32
    %cond3A_64 = arith.constant 0 : i32
    %cond3A_65 = arith.cmpi ne, %convert_element_type3A_63, %cond3A_64 : i32
    scf.if %cond3A_65 {
      %get3A_66 = arith.constant 0 : index
      %get3A_67 = arith.constant 0 : index
      %get3A_68 = vector.load %arg12[%get3A_66, %get3A_67] : memref<1x1xf32, #tpu.memory_space<vmem>>, vector<1x1xf32>
      %get3A_69 = arith.constant 0 : index
      %get3A_70 = arith.constant 0 : index
      %get3A_71 = vector.load %arg13[%get3A_69, %get3A_70] : memref<1x1xf32, #tpu.memory_space<vmem>>, vector<1x1xf32>
      %concatenate3A_72 = tpu.concatenate %get3A_68, %get3A_71 in 1 : vector<1x1xf32>, vector<1x1xf32> -> vector<1x2xf32>
      %swap3A_73 = arith.constant 0 : index
      %swap3A_74 = arith.constant 0 : index
      %swap3A_75 = vector.load %arg11[%swap3A_73, %swap3A_74] : memref<1x2xf32, #tpu.memory_space<vmem>>, vector<1x2xf32>
      tpu.vector_store %arg11[%swap3A_73, %swap3A_74], %concatenate3A_72 {strides = array<i32>} : memref<1x2xf32, #tpu.memory_space<vmem>>, vector<1x2xf32>,
    } else {
    }
    return
  }
  func.func @transform_0(%arg0: i32) -> (i32, i32) {
    %c0_i32 = arith.constant 0 : i32
    %c0_i32_0 = arith.constant 0 : i32
    return %arg0, %c0_i32 : i32, i32
  }
  func.func @transform_1(%arg0: i32) -> (i32, i32) {
    %add3A = arith.constant 80 : i32
    %add3A_0 = arith.addi %arg0, %add3A : i32
    %c0_i32 = arith.constant 0 : i32
    %c0_i32_1 = arith.constant 0 : i32
    return %add3A_0, %c0_i32 : i32, i32
  }
  func.func @transform_2(%arg0: i32) -> (i32, i32) {
    %c0_i32 = arith.constant 0 : i32
    %c0_i32_0 = arith.constant 0 : i32
    return %arg0, %c0_i32 : i32, i32
  }
  func.func @transform_3(%arg0: i32) -> (i32, i32) {
    %c0_i32 = arith.constant 0 : i32
    %c0_i32_0 = arith.constant 0 : i32
    %c0_i32_1 = arith.constant 0 : i32
    return %c0_i32, %c0_i32_0 : i32, i32
  }
  func.func @transform_4(%arg0: i32) -> (i32, i32) {
    %c0_i32 = arith.constant 0 : i32
    %c0_i32_0 = arith.constant 0 : i32
    %c0_i32_1 = arith.constant 0 : i32
    return %c0_i32, %c0_i32_0 : i32, i32
  }
  func.func @transform_5(%arg0: i32) -> (i32, i32) {
    %c0_i32 = arith.constant 0 : i32
    %c0_i32_0 = arith.constant 0 : i32
    %c0_i32_1 = arith.constant 0 : i32
    return %c0_i32, %c0_i32_0 : i32, i32
  }
  func.func @transform_6(%arg0: i32) -> (i32, i32) {
    %c0_i32 = arith.constant 0 : i32
    %c0_i32_0 = arith.constant 0 : i32
    %c0_i32_1 = arith.constant 0 : i32
    return %c0_i32, %c0_i32_0 : i32, i32
  }
  func.func @transform_7(%arg0: i32) -> (i32, i32) {
    %c0_i32 = arith.constant 0 : i32
    %c0_i32_0 = arith.constant 0 : i32
    %c0_i32_1 = arith.constant 0 : i32
    return %c0_i32, %c0_i32_0 : i32, i32
  }
  func.func @transform_8(%arg0: i32) -> (i32, i32) {
    %c0_i32 = arith.constant 0 : i32
    %c0_i32_0 = arith.constant 0 : i32
    %c0_i32_1 = arith.constant 0 : i32
    return %c0_i32, %c0_i32_0 : i32, i32
  }
  func.func @transform_9(%arg0: i32) -> (i32, i32) {
    %c0_i32 = arith.constant 0 : i32
    %c0_i32_0 = arith.constant 0 : i32
    return %arg0, %c0_i32 : i32, i32
  }
  func.func @transform_10(%arg0: i32) -> (i32, i32) {
    %c0_i32 = arith.constant 0 : i32
    %c0_i32_0 = arith.constant 0 : i32
    %c0_i32_1 = arith.constant 0 : i32
    return %c0_i32, %c0_i32_0 : i32, i32
  }
}

module attributes {stable_mosaic.version = 14 : i64} {
  func.func @body(%arg0: i32, %arg1: memref<4000x1xf32, #tpu.memory_space<vmem>>, %arg2: memref<1x2xf32, #tpu.memory_space<vmem>>, %arg3: memref<4000x16xf32, #tpu.memory_space<vmem>>) attributes {dimension_semantics = [#tpu.dimension_semantics<arbitrary>], iteration_bounds = array<i64: 80>, scalar_prefetch = 0 : i64, scratch_operands = 0 : i64, tpu.core_type = #tpu.core_type<tc>, window_params = [{transform_indices = @transform_0, window_bounds = array<i64: 4000, 1>}, {pipeline_mode = #tpu.pipeline_mode<synchronous>, transform_indices = @transform_1, window_bounds = array<i64: 1, 2>}, {transform_indices = @transform_2, window_bounds = array<i64: 4000, 16>}]} {
    %get3A = arith.constant 0 : index
    %get3A_0 = arith.constant 0 : index
    %get3A_1 = vector.load %arg2[%get3A, %get3A_0] : memref<1x2xf32, #tpu.memory_space<vmem>>, vector<1x1xf32>
    %get3A_2 = arith.constant 0 : index
    %get3A_3 = arith.constant 1 : index
    %get3A_4 = vector.load %arg2[%get3A_2, %get3A_3] : memref<1x2xf32, #tpu.memory_space<vmem>>, vector<1x1xf32>
    %get3A_5 = arith.constant 0 : index
    %get3A_6 = arith.constant 0 : index
    %get3A_7 = vector.load %arg1[%get3A_5, %get3A_6] : memref<4000x1xf32, #tpu.memory_space<vmem>>, vector<4000x1xf32>
    %sub3A = vector.broadcast %get3A_1 : vector<1x1xf32> to vector<4000x1xf32>
    %sub3A_8 = arith.subf %get3A_7, %sub3A : vector<4000x1xf32>
    %exp3A = math.exp %sub3A_8 : vector<4000x1xf32>
    %div3A = vector.broadcast %get3A_4 : vector<1x1xf32> to vector<4000x1xf32>
    %div3A_9 = arith.divf %exp3A, %div3A : vector<4000x1xf32>
    %broadcast_in_dim3A = vector.shape_cast %div3A_9 : vector<4000x1xf32> to vector<4000x1xf32>
    %broadcast_in_dim3A_10 = vector.broadcast %broadcast_in_dim3A : vector<4000x1xf32> to vector<4000x16xf32>
    %swap3A = arith.constant 0 : index
    %swap3A_11 = arith.constant 0 : index
    %swap3A_12 = vector.load %arg3[%swap3A, %swap3A_11] : memref<4000x16xf32, #tpu.memory_space<vmem>>, vector<4000x16xf32>
    tpu.vector_store %arg3[%swap3A, %swap3A_11], %broadcast_in_dim3A_10 {strides = array<i32>} : memref<4000x16xf32, #tpu.memory_space<vmem>>, vector<4000x16xf32>,
    return
  }
  func.func @transform_0(%arg0: i32) -> (i32, i32) {
    %c0_i32 = arith.constant 0 : i32
    %c0_i32_0 = arith.constant 0 : i32
    return %arg0, %c0_i32 : i32, i32
  }
  func.func @transform_1(%arg0: i32) -> (i32, i32) {
    %c0_i32 = arith.constant 0 : i32
    %c0_i32_0 = arith.constant 0 : i32
    %c0_i32_1 = arith.constant 0 : i32
    return %c0_i32, %c0_i32_0 : i32, i32
  }
  func.func @transform_2(%arg0: i32) -> (i32, i32) {
    %c0_i32 = arith.constant 0 : i32
    %c0_i32_0 = arith.constant 0 : i32
    return %arg0, %c0_i32 : i32, i32
  }
}

module attributes {stable_mosaic.version = 14 : i64} {
  func.func @body(%arg0: i32, %arg1: memref<2000x128xf32, #tpu.memory_space<vmem>>, %arg2: memref<2000x128xf32, #tpu.memory_space<vmem>>, %arg3: memref<2000x128xf32, #tpu.memory_space<vmem>>, %arg4: memref<1x128xf32, #tpu.memory_space<vmem>>, %arg5: memref<1x128xf32, #tpu.memory_space<vmem>>, %arg6: memref<2000x128xf32, #tpu.memory_space<vmem>>) attributes {dimension_semantics = [#tpu.dimension_semantics<arbitrary>], iteration_bounds = array<i64: 5>, scalar_prefetch = 0 : i64, scratch_operands = 0 : i64, tpu.core_type = #tpu.core_type<tc>, window_params = [{transform_indices = @transform_0, window_bounds = array<i64: 2000, 128>}, {transform_indices = @transform_1, window_bounds = array<i64: 2000, 128>}, {transform_indices = @transform_2, window_bounds = array<i64: 2000, 128>}, {pipeline_mode = #tpu.pipeline_mode<synchronous>, transform_indices = @transform_3, window_bounds = array<i64: 1, 128>}, {pipeline_mode = #tpu.pipeline_mode<synchronous>, transform_indices = @transform_4, window_bounds = array<i64: 1, 128>}, {transform_indices = @transform_5, window_bounds = array<i64: 2000, 128>}]} {
    %get3A = arith.constant 0 : index
    %get3A_0 = arith.constant 0 : index
    %get3A_1 = vector.load %arg1[%get3A, %get3A_0] : memref<2000x128xf32, #tpu.memory_space<vmem>>, vector<2000x128xf32>
    %get3A_2 = arith.constant 0 : index
    %get3A_3 = arith.constant 0 : index
    %get3A_4 = vector.load %arg2[%get3A_2, %get3A_3] : memref<2000x128xf32, #tpu.memory_space<vmem>>, vector<2000x128xf32>
    %add3A = arith.addf %get3A_1, %get3A_4 : vector<2000x128xf32>
    %get3A_5 = arith.constant 0 : index
    %get3A_6 = arith.constant 0 : index
    %get3A_7 = vector.load %arg3[%get3A_5, %get3A_6] : memref<2000x128xf32, #tpu.memory_space<vmem>>, vector<2000x128xf32>
    %add3A_8 = arith.addf %add3A, %get3A_7 : vector<2000x128xf32>
    %reduce_sum3A = arith.constant dense<0.000000e+00> : vector<2000xf32>
    %reduce_sum3A_9 = vector.multi_reduction <add>, %add3A_8, %reduce_sum3A [1] : vector<2000x128xf32> to vector<2000xf32>
    %broadcast_in_dim3A = vector.shape_cast %reduce_sum3A_9 : vector<2000xf32> to vector<2000x1xf32>
    %div3A = arith.constant 1.280000e+02 : f32
    %div3A_10 = vector.broadcast %div3A : f32 to vector<2000x1xf32>
    %div3A_11 = arith.divf %broadcast_in_dim3A, %div3A_10 : vector<2000x1xf32>
    %sub3A = vector.broadcast %div3A_11 : vector<2000x1xf32> to vector<2000x128xf32>
    %sub3A_12 = arith.subf %add3A_8, %sub3A : vector<2000x128xf32>
    %mul3A = arith.mulf %sub3A_12, %sub3A_12 : vector<2000x128xf32>
    %reduce_sum3A_13 = arith.constant dense<0.000000e+00> : vector<2000xf32>
    %reduce_sum3A_14 = vector.multi_reduction <add>, %mul3A, %reduce_sum3A_13 [1] : vector<2000x128xf32> to vector<2000xf32>
    %broadcast_in_dim3A_15 = vector.shape_cast %reduce_sum3A_14 : vector<2000xf32> to vector<2000x1xf32>
    %div3A_16 = arith.constant 1.280000e+02 : f32
    %div3A_17 = vector.broadcast %div3A_16 : f32 to vector<2000x1xf32>
    %div3A_18 = arith.divf %broadcast_in_dim3A_15, %div3A_17 : vector<2000x1xf32>
    %add3A_19 = arith.constant 9.99999974E-6 : f32
    %add3A_20 = vector.broadcast %add3A_19 : f32 to vector<2000x1xf32>
    %add3A_21 = arith.addf %div3A_18, %add3A_20 : vector<2000x1xf32>
    %rsqrt3A = math.rsqrt %add3A_21 : vector<2000x1xf32>
    %mul3A_22 = vector.broadcast %rsqrt3A : vector<2000x1xf32> to vector<2000x128xf32>
    %mul3A_23 = arith.mulf %sub3A_12, %mul3A_22 : vector<2000x128xf32>
    %get3A_24 = arith.constant 0 : index
    %get3A_25 = arith.constant 0 : index
    %get3A_26 = vector.load %arg4[%get3A_24, %get3A_25] : memref<1x128xf32, #tpu.memory_space<vmem>>, vector<1x128xf32>
    %mul3A_27 = vector.broadcast %get3A_26 : vector<1x128xf32> to vector<2000x128xf32>
    %mul3A_28 = arith.mulf %mul3A_23, %mul3A_27 : vector<2000x128xf32>
    %get3A_29 = arith.constant 0 : index
    %get3A_30 = arith.constant 0 : index
    %get3A_31 = vector.load %arg5[%get3A_29, %get3A_30] : memref<1x128xf32, #tpu.memory_space<vmem>>, vector<1x128xf32>
    %add3A_32 = vector.broadcast %get3A_31 : vector<1x128xf32> to vector<2000x128xf32>
    %add3A_33 = arith.addf %mul3A_28, %add3A_32 : vector<2000x128xf32>
    %swap3A = arith.constant 0 : index
    %swap3A_34 = arith.constant 0 : index
    %swap3A_35 = vector.load %arg6[%swap3A, %swap3A_34] : memref<2000x128xf32, #tpu.memory_space<vmem>>, vector<2000x128xf32>
    tpu.vector_store %arg6[%swap3A, %swap3A_34], %add3A_33 {strides = array<i32>} : memref<2000x128xf32, #tpu.memory_space<vmem>>, vector<2000x128xf32>,
    return
  }
  func.func @transform_0(%arg0: i32) -> (i32, i32) {
    %c0_i32 = arith.constant 0 : i32
    %c0_i32_0 = arith.constant 0 : i32
    return %arg0, %c0_i32 : i32, i32
  }
  func.func @transform_1(%arg0: i32) -> (i32, i32) {
    %c0_i32 = arith.constant 0 : i32
    %c0_i32_0 = arith.constant 0 : i32
    return %arg0, %c0_i32 : i32, i32
  }
  func.func @transform_2(%arg0: i32) -> (i32, i32) {
    %add3A = arith.constant 5 : i32
    %add3A_0 = arith.addi %arg0, %add3A : i32
    %c0_i32 = arith.constant 0 : i32
    %c0_i32_1 = arith.constant 0 : i32
    return %add3A_0, %c0_i32 : i32, i32
  }
  func.func @transform_3(%arg0: i32) -> (i32, i32) {
    %c0_i32 = arith.constant 0 : i32
    %c0_i32_0 = arith.constant 0 : i32
    %c0_i32_1 = arith.constant 0 : i32
    return %c0_i32, %c0_i32_0 : i32, i32
  }
  func.func @transform_4(%arg0: i32) -> (i32, i32) {
    %c0_i32 = arith.constant 0 : i32
    %c0_i32_0 = arith.constant 0 : i32
    %c0_i32_1 = arith.constant 0 : i32
    return %c0_i32, %c0_i32_0 : i32, i32
  }
  func.func @transform_5(%arg0: i32) -> (i32, i32) {
    %c0_i32 = arith.constant 0 : i32
    %c0_i32_0 = arith.constant 0 : i32
    return %arg0, %c0_i32 : i32, i32
  }
}

</mosaic_0001>

<sc_bundles>
// kernel: kernel.11.cloned.1.call-start
scs
__scs_entry_jumppad:
0x0: {  	(pc) =	sbr.rel $0x88, $3  }
0x1: {  	(tag) =	ssettag $0x0;
	lr =	simm.s32 $0x1  }
0x2: {  	[smem:$0x3F8E] =	sst lr;
	_ =	strace $0xD0000000  }
0x3: {  	_ = 	snop  }
0x4: {  	_ = 	snop  }
0x5: {  	_ = 	snop  }
0x6: {  	_ = 	snop  }
0x7: {  	_ = 	snop  }
__scs_overlays_trampoline_lowered:
0x8: {  	[smem:$0x3F9D] =	sst s0  }
0x9: {  	[smem:$0x3F9E] =	sst s1  }
0xa: {  	[smem:$0x3F9F] =	sst s2  }
0xb: {  	[smem:$0x3FA0] =	sst s3  }
0xc: {  	[smem:$0x3FA1] =	sst s4  }
0xd: {  	[smem:$0x3FA2] =	sst s5  }
0xe: {  	[smem:$0x3FA3] =	sst s6  }
0xf: {  	[smem:$0x3FA4] =	sst s7  }
0x10: {  	[smem:$0x3FA5] =	sst s8  }
0x11: {  	[smem:$0x3FA6] =	sst s9;
	s0 =	simm.s32 @!p0 $0x0  }
0x12: {  	s1 =	sld [smem:$0x3F8C];
	s0 =	simm.s32 @p0 $0x1  }
0x13: {  	[smem:$0x3FA7] =	sst s0;
	s0 =	simm.s32 @!p1 $0x0  }
0x14: {  	s2 =	sld [smem:$0x3F8B];
	s0 =	simm.s32 @p1 $0x1  }
0x15: {  	[smem:$0x3FA8] =	sst s0;
	s0 =	simm.s32 @!p2 $0x0  }
0x16: {  	s3 =	sld [smem:$0x3FDB];
	s0 =	simm.s32 @p2 $0x1  }
0x17: {  	s4 =	simm.s32 $0x1BF5;
	[smem:$0x3FAA] =	sst s0  }
0x18: {  	s0 =	sld [smem:$0x3F8D];
	_ =	swait.ge [sflag:s4], $0x0  }
0x19: {  	s7 =	sld [smem:$0x3F8E]  }
0x1a: {  	s8 =	sadd.s32 $0xFFFFE003, lr  }
0x1b: {  	s9 =	sadd.s32 $0xFFFFFEF7, lr;
	s5 =	simm.s32 $0xFFFFFFFF;
	p2 =	slt.u32 s8, $0xFFFFF086  }
0x1c: {  	p1 =	slt.u32 s9, $0xF7A;
	s5 =	simm.s32 @!p2 $0x0  }
0x1d: {  	s5 =	simm.s32 @p1 $0x1;
	p0 =	seq.s32 s7, s2  }
0x1e: {  	s7 =	smul.u32 @!p0 $0xF7A, s2;
	p2 =	seq.s32 @!p0 s5, $0x0  }
0x1f: {  	s9 =	smul.u32 $0xF7A, s1;
	s8 =	simm.s32 @!p0 $0x1BF5;
	p2 =	por !p2, p0  }
0x20: {  	[sflag:s8] =	ssyncset.s32 @!p0 $0xFFFFF086;
	s6 =	sadd.s32 @!p0 s3, s7;
	s7 =	simm.s32 @!p0 $0x108  }
0x21: {  	s3 =	sadd.s32 s3, s9;
	s6 =	sadd.s32 @!p0 $0x88, s6;
	s7 =	simm.s32 @p2 $0x1082  }
0x22: {  	[simem:s7], [sflag:s8] =	dma.local @!p0 [hbm:s6], $0xF7A  }
0x23: {  	s9 =	sor.u32 $0xD0000000, s2;
	s6 =	simm.s32 $0x108;
	_ =	swait.ge @!p0 [sflag:s8], $0x0  }
0x24: {  	s3 =	sadd.s32 $0x88, s3;
	s6 =	simm.s32 @!p1 $0x1082;
	[sflag:s4] =	ssyncset.s32 $0xFFFFF086  }
0x25: {  	[simem:s6], [sflag:s4] =	dma.local [hbm:s3], $0xF7A  }
0x26: {  	[smem:$0x3F8E] =	sst s1;
	(tag) =	ssettag s2;
	_ =	strace s9  }
0x27: {  	s1 =	sld [smem:$0x3F9E]  }
0x28: {  	s2 =	sld [smem:$0x3F9F]  }
0x29: {  	s4 =	sld [smem:$0x3FA1]  }
0x2a: {  	p0 =	seq.s32 s5, $0x0;
	s5 =	sld [smem:$0x3FA2]  }
0x2b: {  	s6 =	sld [smem:$0x3FA3]  }
0x2c: {  	s7 =	sld [smem:$0x3FA4]  }
0x2d: {  	s3 =	simm.s32 $0x108;
	s8 =	sld [smem:$0x3FA5]  }
0x2e: {  	s3 =	simm.s32 @!p0 $0x1082;
	s9 =	sld [smem:$0x3FA6]  }
0x2f: {  	lr =	sadd.s32 s0, s3;
	s0 =	sld [smem:$0x3F9D]  }
0x30: {  	s3 =	sld [smem:$0x3FA0]  }
0x31: {  	[smem:$0x3FA9] =	sst s10  }
0x32: {  	s10 =	sld [smem:$0x3FA7];
	_ =	sdelay $0x3  }
0x33: {  	p0 =	seq.s32 s10, $0x1;
	s10 =	sld [smem:$0x3FA9];
	_ =	sdelay $0x3  }
0x34: {  	[smem:$0x3FA9] =	sst s10  }
0x35: {  	s10 =	sld [smem:$0x3FA8];
	_ =	sdelay $0x3  }
0x36: {  	p1 =	seq.s32 s10, $0x1;
	s10 =	sld [smem:$0x3FA9];
	_ =	sdelay $0x3  }
0x37: {  	[smem:$0x3FA9] =	sst s10  }
0x38: {  	s10 =	sld [smem:$0x3FAA]  }
0x39: {  	_ = 	snop;
	(pc) =	sbr.ind lr, $3  }
0x3a: {  	_ = 	snop  }
0x3b: {  	_ = 	snop  }
0x3c: {  	p2 =	seq.s32 s10, $0x1;
	s10 =	sld [smem:$0x3FA9]  }
0x3d: {  	_ =	shalt  }
0x3e: {  	_ =	shalt  }
0x3f: {  	_ =	shalt  }
0x40: {  	_ =	shalt  }
0x41: {  	_ =	shalt  }
0x42: {  	_ =	shalt  }
0x43: {  	_ =	shalt  }
0x44: {  	_ =	shalt  }
0x45: {  	_ =	shalt  }
0x46: {  	_ =	shalt  }
0x47: {  	_ =	shalt  }
0x48: {  	_ =	shalt  }
0x49: {  	_ =	shalt  }
0x4a: {  	_ =	shalt  }
0x4b: {  	_ =	shalt  }
0x4c: {  	_ =	shalt  }
0x4d: {  	_ =	shalt  }
0x4e: {  	_ =	shalt  }
0x4f: {  	_ =	shalt  }
0x50: {  	_ =	shalt  }
0x51: {  	_ =	shalt  }
0x52: {  	_ =	shalt  }
0x53: {  	_ =	shalt  }
0x54: {  	_ =	shalt  }
0x55: {  	_ =	shalt  }
0x56: {  	_ =	shalt  }
0x57: {  	_ =	shalt  }
0x58: {  	_ =	shalt  }
0x59: {  	_ =	shalt  }
0x5a: {  	_ =	shalt  }
0x5b: {  	_ =	shalt  }
0x5c: {  	_ =	shalt  }
0x5d: {  	_ =	shalt  }
0x5e: {  	_ =	shalt  }
0x5f: {  	_ =	shalt  }
0x60: {  	_ =	shalt  }
0x61: {  	_ =	shalt  }
0x62: {  	_ =	shalt  }
0x63: {  	_ =	shalt  }
0x64: {  	_ =	shalt  }
0x65: {  	_ =	shalt  }
0x66: {  	_ =	shalt  }
0x67: {  	_ =	shalt  }
0x68: {  	_ =	shalt  }
0x69: {  	_ =	shalt  }
0x6a: {  	_ =	shalt  }
0x6b: {  	_ =	shalt  }
0x6c: {  	_ =	shalt  }
0x6d: {  	_ =	shalt  }
0x6e: {  	_ =	shalt  }
0x6f: {  	_ =	shalt  }
0x70: {  	_ =	shalt  }
0x71: {  	_ =	shalt  }
0x72: {  	_ =	shalt  }
0x73: {  	_ =	shalt  }
0x74: {  	_ =	shalt  }
0x75: {  	_ =	shalt  }
0x76: {  	_ =	shalt  }
0x77: {  	_ =	shalt  }
0x78: {  	_ =	shalt  }
0x79: {  	_ =	shalt  }
0x7a: {  	_ =	shalt  }
0x7b: {  	_ =	shalt  }
0x7c: {  	_ =	shalt  }
0x7d: {  	_ =	shalt  }
0x7e: {  	_ =	shalt  }
0x7f: {  	_ =	shalt  }
0x80: {  	_ =	shalt  }
0x81: {  	_ =	shalt  }
0x82: {  	_ =	shalt  }
0x83: {  	_ =	shalt  }
0x84: {  	_ =	shalt  }
0x85: {  	_ =	shalt  }
0x86: {  	_ =	shalt  }
0x87: {  	_ =	shalt  }
.Lfunc_end0:
.L_simem_size_0:
called_computation.1_lowered:
.L_overlay_start_0:
0x88: {  	s2 =	sld [smem:$0x3FD9]  }
0x89: {  	s3 =	sld [smem:$0x3FFE];
	_ =	sdelay $0x1  }
0x8a: {  	s1 =	srdreg.scid  }
0x8b: {  	s0 =	sand.u32 $0x1, s1  }
0x8c: {  	s16 =	sshll.u32 s0, $0xA;
	s2 =	sadd.s32 s3, s2  }
0x8d: {  	s2 =	sadd.s32 s2, s16  }
0x8e: {  	[smem:$0x3FB5] =	sst s2  }
0x8f: {  	_ = 	snop  }
0x90: {  	(tm) =	ssettm $0x1  }
0x91: {  	s17 =	sld [smem:$0x3FFB];
	_ =	sdelay $0x3  }
0x92: {  	_ =	strace s17  }
0x93: {  	s2 =	sld [smem:$0x3FFC];
	_ =	sdelay $0x3  }
0x94: {  	_ =	strace s2  }
0x95: {  	s2 =	sld [smem:$0x3FFD];
	_ =	sdelay $0x3  }
0x96: {  	_ =	strace s2  }
0x97: {  	_ =	strace $0x8FFFFFFF  }
0x98: {  	s18 =	sld [smem:$0x3FDB];
	_ =	sdelay $0x1  }
0x99: {  	s19 =	simm.s32 $_scs_section_size  }
0x9a: {  	s4 =	simm.s32 $_size__tile_overlayer_lowered;
	s5 =	simm.s32 $_tile_overlayer_lowered  }
0x9b: {  	s22 =	simm.s32 $0x1BFF;
	s21 =	sshll.u32 s5, $0x1;
	s2 =	sadd.s32 s19, s18  }
0x9c: {  	s6 =	simm.s32 $0x0;
	s20 =	sshll.u32 s4, $0x1;
	s4 =	sadd.s32 s21, s2  }
0x9d: {  	[timem:s6], [sflag:s22] =	dma.local [hbm:s4], s20  }
0x9e: {  	_ =	swait.ge [sflag:s22], s20  }
0x9f: {  	s3 =	ssub.s32 $0x0, s20;
	[sflag:s22] =	ssyncset.done $0x0  }
0xa0: {  	[sflag:s22] =	ssyncadd.s32 s3;
	_ =	sdelay $0x1  }
0xa1: {  	s23 =	simm.s32 $0x1B8B  }
0xa2: {  	_ =	swait.ge [sflag:s23], $0x1  }
0xa3: {  	[sflag:s23] =	ssyncset.done $0x0  }
0xa4: {  	s25 =	simm.s32 $0x1B8E;
	s24 =	sld [smem:$0x3FFE];
	[sflag:s23] =	ssyncadd.s32 $0xFFFFFFFF  }
0xa5: {  	s26 =	simm.s32 $execute0_lowered;
	[smem:$0x3FD2] =	sst s25  }
0xa6: {  	s4 =	sshll.u32 s26, $0x1;
	_ =	strace $0x80000049;
	[dreg:$0x1] =	wrdreg $0xFFFFFFFF  }
0xa7: {  	s28 =	simm.s32 $_size_execute0_lowered;
	s2 =	sadd.s32 s2, s4;
	[dreg:$0x0] =	wrdreg $0x0  }
0xa8: {  	s4 =	sshll.u32 s28, $0x1;
	[dreg:$0x2] =	wrdreg s2  }
0xa9: {  	[dreg:$0x3] =	wrdreg s4  }
0xaa: {  	[dreg:$0x4] =	wrdreg $0xC0  }
0xab: {  	_ =	task [dreg:s6], $0x5FFFF  }
0xac: {  	[dreg:$0x1] =	wrdreg $0xFFFFFFFF  }
0xad: {  	[dreg:$0x0] =	wrdreg $0x60  }
0xae: {  	[dreg:$0x2] =	wrdreg s24  }
0xaf: {  	[dreg:$0x3] =	wrdreg $0xA6000  }
0xb0: {  	[dreg:$0x4] =	wrdreg $0x9  }
0xb1: {  	_ =	task.clear_ibuf [dreg:s6], $0x5FFFF;
	_ =	strace $0x90000049  }
0xb2: {  	s29 =	simm.s32 $0x9;
	_ =	strace $0x8000004B  }
0xb3: {  	_ =	swait.ge [sflag:s29], $0x1  }
0xb4: {  	[sflag:s29] =	ssyncadd.s32 $0xFFFFFFFF  }
0xb5: {  	_ =	strace $0x9000004B  }
0xb6: {  	_ =	sfence  }
0xb7: {  	s30 =	sld [smem:$0x0];
	_ =	sdelay $0x2  }
0xb8: {  	s31 =	sshll.u32 s1, $0xD;
	s1 =	sshrl.u32 s1, $0x2  }
0xb9: {  	s3 =	sand.u32 $0x4000, s31;
	s1 =	sadd.s32 s1, s30  }
0xba: {  	s0 =	sor.u32 s3, s0;
	s1 =	sshll.u32 s1, $0x11  }
0xbb: {  	s0 =	sor.u32 s1, s0  }
0xbc: {  	s0 =	sadd.s32 $0x8F2B, s0  }
0xbd: {  	[sflag:s0] =	ssyncadd.remote.s32 $0x1  }
0xbe: {  	_ =	sfence.sel $0xFFFF  }
0xbf: {  	[dreg:$0x0] =	wrdreg $0xFFFFFFFF;
	(pc) =	sbr.abs _section_cstart, $3  }
0xc0: {  	[dreg:$0x1] =	wrdreg $0xFFFFFFFF  }
0xc1: {  	_ =	task.clear_ibuf [dreg:s6], $0x2FFFF;
	_ =	strace $0x9FFFFFFF  }
0xc2: {  	(tm) =	ssettm $0x7FFFFFFF  }
0xc3: {  	_ =	shalt  }
tec
execute0_lowered:
.L_overlay_start_1:
0x0: {  	(tag) =	ssettag $0x1  }
0x1: {  	s0 =	rddreg [dreg:$0x0]  }
0x2: {  	s1 =	rddreg [dreg:$0x1];
	s3 =	simm.s32 $0x0;
	s2 =	srdreg.scid  }
0x3: {  	s17 =	stileid.u32;
	s28 =	simm.s32 $0x5200;
	s30 =	simm.s32 $0x80  }
0x4: {  	s29 =	simm.s32 $0x4;
	[smem:$0x7FF] =	sst s3;
	s8 =	smul.u32 $0x4E000, s17  }
0x5: {  	s4 =	sadd.s32 $0x36200, s0;
	s5 =	sadd.s32 $0x84600, s0;
	s6 =	sadd.s32 $0x3200, s0  }
0x6: {  	s10 =	smul.u32 $0x2760, s17;
	s7 =	sadd.s32 $0xD000, s0;
	s0 =	sadd.s32 $0x566600, s0  }
0x7: {  	s2 =	sand.u32 $0x1, s2;
	s13 =	smul.u32 $0x2700, s17;
	s15 =	sadd.s32 $0x138400, s1  }
0x8: {  	p0 =	sne.s32 s17, $0xF;
	_ =	strace $0x8000004A;
	s11 =	smul.u32 $0x27100, s2  }
0x9: {  	s9 =	ssub.s32 $0x2, s2;
	[dreg:$0x3] =	wrdreg s15;
	s2 =	smul.u32 $0x138800, s2  }
0xa: {  	s15 =	simm.s32 $0x0;
	s12 =	sshrl.u32 s9, $0x1;
	s18 =	sshrl.u32 s8, $0x2  }
0xb: {  	s12 =	ssub.s32 s9, s12;
	s8 =	sadd.s32 s10, s11;
	s9 =	sadd.s32 s18, s1  }
0xc: {  	s10 =	sadd.s32 $0x138000, s1;
	s2 =	sshrl.u32 s2, $0x3;
	s11 =	sadd.s32 s13, s11  }
0xd: {  	s13 =	simm.s32 $0x6;
	s14 =	sshrl.u32 s8, $0x3;
	s20 =	sshll.u32 s8, $0x4  }
0xe: {  	s16 =	sadd.s32 $0x50, s8;
	s2 =	sadd.s32 s0, s2;
	s0 =	sadd.s32 s0, s11  }
0xf: {  	s31 =	smax.u32 s12, $0x1;
	s11 =	simm.s32 $0x5;
	[dreg:$0xa] =	wrdreg s0  }
0x10: {  	s12 =	simm.s32 $0x7;
	s19 =	sadd.s32 s6, s14;
	[dreg:$0xc] =	wrdreg s31  }
0x11: {  	s14 =	sadd.s32 s7, s14;
	s21 =	sadd.s32 s5, s20;
	[dreg:$0x4] =	wrdreg s19  }
0x12: {  	s22 =	sshrl.u32 s16, $0x3;
	s24 =	sshll.u32 s16, $0x4;
	[dreg:$0x5] =	wrdreg s14  }
0x13: {  	s26 =	sadd.s32 $0x27000, s2;
	s0 =	simm.s32 $0x2;
	[dreg:$0x6] =	wrdreg s21  }
0x14: {  	s2 =	simm.s32 $0x7A00;
	s23 =	sadd.s32 s6, s22;
	[dreg:$0xb] =	wrdreg s26  }
0x15: {  	s14 =	sadd.s32 s7, s22;
	s25 =	sadd.s32 s5, s24;
	[dreg:$0x7] =	wrdreg s23  }
0x16: {  	s21 =	simm.s32 $0xA200;
	s22 =	simm.s32 $0x9;
	[dreg:$0x8] =	wrdreg s14  }
0x17: {  	v0 =	vimm.f32 $0.0e+00;
	s26 =	simm.s32 $0x50;
	[dreg:$0x9] =	wrdreg s25;
	s14 =	simm.s32 $0x8  }
.LBB2_1:
0x18: {  	[tilespmem:$0xA200] =	vst v0  }
0x19: {  	[tilespmem:$0xA210] =	vst v0  }
0x1a: {  	[tilespmem:$0xA220] =	vst v0  }
0x1b: {  	[tilespmem:$0xA230] =	vst v0  }
0x1c: {  	[tilespmem:$0xA240] =	vst v0  }
0x1d: {  	[tilespmem:$0xA250] =	vst v0  }
0x1e: {  	[tilespmem:$0xA260] =	vst v0  }
0x1f: {  	[tilespmem:$0xA270] =	vst v0  }
0x20: {  	[tilespmem:$0xA280] =	vst v0  }
0x21: {  	[tilespmem:$0xA290] =	vst v0  }
0x22: {  	[tilespmem:$0xA2A0] =	vst v0  }
0x23: {  	[tilespmem:$0xA2B0] =	vst v0  }
0x24: {  	[tilespmem:$0xA2C0] =	vst v0  }
0x25: {  	[tilespmem:$0xA2D0] =	vst v0  }
0x26: {  	[tilespmem:$0xA2E0] =	vst v0  }
0x27: {  	[tilespmem:$0xA2F0] =	vst v0  }
0x28: {  	[tilespmem:$0xA300] =	vst v0  }
0x29: {  	[tilespmem:$0xA310] =	vst v0  }
0x2a: {  	[tilespmem:$0xA320] =	vst v0  }
0x2b: {  	[tilespmem:$0xA330] =	vst v0  }
0x2c: {  	[tilespmem:$0xA340] =	vst v0  }
0x2d: {  	[tilespmem:$0xA350] =	vst v0  }
0x2e: {  	[tilespmem:$0xA360] =	vst v0  }
0x2f: {  	[tilespmem:$0xA370] =	vst v0  }
0x30: {  	[tilespmem:$0xA380] =	vst v0  }
0x31: {  	[tilespmem:$0xA390] =	vst v0  }
0x32: {  	[tilespmem:$0xA3A0] =	vst v0  }
0x33: {  	[tilespmem:$0xA3B0] =	vst v0  }
0x34: {  	[tilespmem:$0xA3C0] =	vst v0  }
0x35: {  	[tilespmem:$0xA3D0] =	vst v0  }
0x36: {  	[tilespmem:$0xA3E0] =	vst v0  }
0x37: {  	[tilespmem:$0xA3F0] =	vst v0  }
0x38: {  	[tilespmem:$0xA400] =	vst v0  }
0x39: {  	[tilespmem:$0xA410] =	vst v0  }
0x3a: {  	[tilespmem:$0xA420] =	vst v0  }
0x3b: {  	[tilespmem:$0xA430] =	vst v0  }
0x3c: {  	[tilespmem:$0xA440] =	vst v0  }
0x3d: {  	[tilespmem:$0xA450] =	vst v0  }
0x3e: {  	[tilespmem:$0xA460] =	vst v0  }
0x3f: {  	[tilespmem:$0xA470] =	vst v0  }
0x40: {  	[tilespmem:$0xA480] =	vst v0  }
0x41: {  	[tilespmem:$0xA490] =	vst v0  }
0x42: {  	[tilespmem:$0xA4A0] =	vst v0  }
0x43: {  	[tilespmem:$0xA4B0] =	vst v0  }
0x44: {  	[tilespmem:$0xA4C0] =	vst v0  }
0x45: {  	[tilespmem:$0xA4D0] =	vst v0  }
0x46: {  	[tilespmem:$0xA4E0] =	vst v0  }
0x47: {  	[tilespmem:$0xA4F0] =	vst v0  }
0x48: {  	[tilespmem:$0xA500] =	vst v0  }
0x49: {  	[tilespmem:$0xA510] =	vst v0  }
0x4a: {  	[tilespmem:$0xA520] =	vst v0  }
0x4b: {  	[tilespmem:$0xA530] =	vst v0  }
0x4c: {  	[tilespmem:$0xA540] =	vst v0  }
0x4d: {  	[tilespmem:$0xA550] =	vst v0  }
0x4e: {  	[tilespmem:$0xA560] =	vst v0  }
0x4f: {  	[tilespmem:$0xA570] =	vst v0  }
0x50: {  	[tilespmem:$0xA580] =	vst v0  }
0x51: {  	[tilespmem:$0xA590] =	vst v0  }
0x52: {  	[tilespmem:$0xA5A0] =	vst v0  }
0x53: {  	[tilespmem:$0xA5B0] =	vst v0  }
0x54: {  	[tilespmem:$0xA5C0] =	vst v0  }
0x55: {  	[tilespmem:$0xA5D0] =	vst v0  }
0x56: {  	[tilespmem:$0xA5E0] =	vst v0  }
0x57: {  	[tilespmem:$0xA5F0] =	vst v0;
	s16 =	sadd.s32 $0x0, s9  }
0x58: {  	[spmem:s16] =	stream.linear.scatter [tilespmem:s21], [sflag:$0x9], $0x400, $0x38;
	[tilespmem:$0x1DE80] =	vst v63  }
0x59: {  	s16 =	simm.s32 $0x1000;
	_ =	swait.ge [sflag:s22], $0x400  }
.LBB2_2:
0x5a: {  	s17 =	sshra.s32 s16, $0x2;
	[sflag:s22] =	ssyncset.done $0x0;
	p1 =	sne.s32 s16, $0x4D000  }
.Ltmp0:
0x5b: {  	s17 =	sadd.s32 s17, s9;
	[sflag:s22] =	ssyncadd.s32 $0xFFFFFC00;
	(pc) =	sbr.rel @p1 .LBB2_2-.Ltmp0, $3  }
0x5c: {  	[spmem:s17] =	stream.linear.scatter [tilespmem:s21], [sflag:$0x9], $0x400, $0x38;
	[tilespmem:$0x1DE80] =	vst v63  }
0x5d: {  	s16 =	sadd.s32 $0x1000, s16;
	_ =	sdelay $0x1  }
0x5e: {  	_ =	swait.ge [sflag:s22], $0x400  }
0x5f: {  	[sflag:s22] =	ssyncset.done $0x0  }
0x60: {  	s16 =	simm.s32 @!p0 $0xA200;
	s17 =	simm.s32 @!p0 $0x9;
	[sflag:s22] =	ssyncadd.s32 $0xFFFFFC00  }
0x61: {  	[spmem:s10] =	stream.linear.scatter @!p0 [tilespmem:s16], [sflag:$0x9], $0x400, $0x38;
	[tilespmem:$0x1DE80] =	vst v63  }
0x62: {  	_ =	swait.ge @!p0 [sflag:s17], $0x400  }
0x63: {  	[sflag:s17] =	ssyncset.done @!p0 $0x0  }
0x64: {  	s18 =	rddreg [dreg:$0x3];
	[sflag:s17] =	ssyncadd.s32 @!p0 $0xFFFFFC00  }
0x65: {  	[spmem:s18] =	stream.linear.scatter @!p0 [tilespmem:s16], [sflag:$0x9], $0x400, $0x38;
	[tilespmem:$0x1DE80] =	vst v63  }
0x66: {  	_ =	swait.ge @!p0 [sflag:s17], $0x400  }
0x67: {  	[sflag:s17] =	ssyncset.done @!p0 $0x0  }
0x68: {  	[sflag:s17] =	ssyncadd.s32 @!p0 $0xFFFFFC00  }
0x69: {  	[bflag:$0x0] =	sbarrier.arrive $0xFFFF  }
0x6a: {  	s16 =	simm.s32 $0x0;
	s20 =	rddreg [dreg:$0x4]  }
0x6b: {  	[tilespmem:s16], [sflag:$0x1] =	stream.linear.gather [hbm4b:s20+s16], $0x50, $0x38;
	[tilespmem:$0x1DE80] =	vst v63  }
0x6c: {  	s24 =	simm.s32 $0x100;
	s25 =	simm.s32 $0x1;
	s23 =	rddreg [dreg:$0x5]  }
0x6d: {  	[tilespmem:s24], [sflag:$0x3] =	stream.linear.gather [hbm4b:s23+s16], $0x50, $0x38;
	[tilespmem:$0x1DE80] =	vst v63  }
0x6e: {  	_ =	swait.ge [sflag:s25], $0x50  }
0x6f: {  	[sflag:s25] =	ssyncset.done $0x0  }
0x70: {  	s31 =	simm.s32 $0x3;
	[sflag:s25] =	ssyncadd.s32 $0xFFFFFFB0  }
0x71: {  	_ =	swait.ge [sflag:s31], $0x50  }
0x72: {  	[sflag:s31] =	ssyncset.done $0x0  }
0x73: {  	[sflag:s31] =	ssyncadd.s32 $0xFFFFFFB0  }
0x74: {  	[tilespmem:s28], [sflag:$0x5] =	stream.indirect.gather [hbm4b:s4+s26], $0x80, s24, s26, $0xb8;
	[tilespmem:$0x1DE80] =	vst v63  }
0x75: {  	s20 =	simm.s32 $0x200;
	s19 =	rddreg [dreg:$0x6]  }
0x76: {  	[tilespmem:s20], [sflag:$0x7] =	stream.linear.gather [hbm4b:s19+s16], $0x2800, $0x38;
	[tilespmem:$0x1DE80] =	vst v63  }
0x77: {  	s23 =	rddreg [dreg:$0x7]  }
0x78: {  	[tilespmem:s30], [sflag:$0x2] =	stream.linear.gather [hbm4b:s23+s16], $0x50, $0x38;
	[tilespmem:$0x1DE80] =	vst v63  }
0x79: {  	s25 =	simm.s32 $0x180;
	s24 =	rddreg [dreg:$0x8]  }
0x7a: {  	[tilespmem:s25], [sflag:$0x4] =	stream.linear.gather [hbm4b:s24+s16], $0x50, $0x38;
	[tilespmem:$0x1DE80] =	vst v63  }
0x7b: {  	_ =	swait.ge [sflag:s0], $0x50  }
0x7c: {  	[sflag:s0] =	ssyncset.done $0x0  }
0x7d: {  	[sflag:s0] =	ssyncadd.s32 $0xFFFFFFB0  }
0x7e: {  	_ =	swait.ge [sflag:s29], $0x50  }
0x7f: {  	s17 =	simm.s32 @!p0 $0x6E;
	[sflag:s29] =	ssyncset.done $0x0  }
0x80: {  	s17 =	simm.s32 @p0 $0x7E;
	[sflag:s29] =	ssyncadd.s32 $0xFFFFFFB0  }
0x81: {  	[tilespmem:s2], [sflag:$0x6] =	stream.indirect.gather [hbm4b:s4+s26], $0x80, s25, s26, $0xb8;
	[tilespmem:$0x1DE80] =	vst v63  }
0x82: {  	s19 =	simm.s32 $0x2A00;
	s23 =	sshrl.u32 s17, $0x1;
	s31 =	rddreg [dreg:$0x9]  }
0x83: {  	[tilespmem:s19], [sflag:$0x8] =	stream.linear.gather [hbm4b:s31+s16], $0x2800, $0x38;
	[tilespmem:$0x1DE80] =	vst v63  }
.LBB2_4:
0x84: {  	_ =	swait.ge [sflag:s11], $0x2800  }
0x85: {  	[sflag:s11] =	ssyncset.done $0x0  }
0x86: {  	[sflag:s11] =	ssyncadd.s32 $0xFFFFD800  }
0x87: {  	_ =	swait.ge [sflag:s12], $0x2800  }
0x88: {  	[sflag:s12] =	ssyncset.done $0x0  }
0x89: {  	s19 =	simm.s32 $0x0;
	[sflag:s12] =	ssyncadd.s32 $0xFFFFD800  }
0x8a: {  	v1 =	vld [tilespmem:s19+$0x200]  }
0x8b: {  	v5 =	vld [tilespmem:s19+$0x5200]  }
0x8c: {  	v7 =	vld [tilespmem:s19+$0x5210]  }
0x8d: {  	v6 =	vld [tilespmem:s19+$0x5220]  }
0x8e: {  	v4 =	vld [tilespmem:s19+$0x5230]  }
0x8f: {  	v2 =	vld [tilespmem:s19+$0x5240]  }
0x90: {  	v3 =	vld [tilespmem:s19+$0x5250];
	v8 =	vmul.f32 v5, v1  }
0x91: {  	s18 =	simm.s32 $0x200;
	v7 =	vmul.f32 v7, v1;
	v5 =	vld [tilespmem:s19+$0x5260]  }
.LBB2_5:
0x92: {  	s20 =	sshra.s32 s18, $0x2;
	p1 =	sne.s32 s18, $0x9E00;
	[tilespmem:s19+$0x5200] =	vst v8;
	v6 =	vmul.f32 v6, v1;
	v8 =	vld [tilespmem:s19+$0x5270]  }
0x93: {  	v9 =	vld [tilespmem:s20+$0x200];
	[tilespmem:s19+$0x5210] =	vst v7;
	v4 =	vmul.f32 v4, v1  }
0x94: {  	v7 =	vld [tilespmem:s20+$0x5200];
	[tilespmem:s19+$0x5220] =	vst v6;
	v2 =	vmul.f32 v2, v1  }
0x95: {  	v10 =	vld [tilespmem:s20+$0x5210];
	[tilespmem:s19+$0x5230] =	vst v4;
	v3 =	vmul.f32 v3, v1  }
.Ltmp1:
0x96: {  	v6 =	vld [tilespmem:s20+$0x5220];
	[tilespmem:s19+$0x5240] =	vst v2;
	v5 =	vmul.f32 v5, v1;
	(pc) =	sbr.rel @p1 .LBB2_5-.Ltmp1, $4  }
0x97: {  	v4 =	vld [tilespmem:s20+$0x5230];
	[tilespmem:s19+$0x5250] =	vst v3;
	v11 =	vmul.f32 v8, v1  }
0x98: {  	v2 =	vld [tilespmem:s20+$0x5240];
	[tilespmem:s19+$0x5260] =	vst v5;
	v1 =	vmov v9  }
0x99: {  	v8 =	vmul.f32 v7, v1;
	v3 =	vld [tilespmem:s20+$0x5250];
	[tilespmem:s19+$0x5270] =	vst v11;
	s19 =	smov.u32 s20  }
0x9a: {  	s18 =	sadd.s32 $0x200, s18;
	v7 =	vmul.f32 v10, v1;
	v5 =	vld [tilespmem:s19+$0x5260]  }
0x9b: {  	[tilespmem:s19+$0x5200] =	vst v8;
	v6 =	vmul.f32 v6, v1;
	v8 =	vld [tilespmem:s19+$0x5270]  }
0x9c: {  	[tilespmem:s19+$0x5210] =	vst v7;
	v4 =	vmul.f32 v4, v1  }
0x9d: {  	[tilespmem:s19+$0x5220] =	vst v6;
	v2 =	vmul.f32 v2, v1  }
0x9e: {  	[tilespmem:s19+$0x5230] =	vst v4;
	v3 =	vmul.f32 v3, v1  }
0x9f: {  	s18 =	sshll.u32 s16, $0x1;
	[tilespmem:s19+$0x5240] =	vst v2;
	v2 =	vmul.f32 v5, v1  }
0xa0: {  	s20 =	sadd.s32 $0x2, s18;
	[tilespmem:s19+$0x5250] =	vst v3;
	v1 =	vmul.f32 v8, v1  }
0xa1: {  	p1 =	sge.u32 s20, s17;
	[tilespmem:s19+$0x5260] =	vst v2  }
0xa2: {  	[tilespmem:s19+$0x5270] =	vst v1;
	s19 =	smul.u32 @!p1 $0x50, s20  }
0xa3: {  	[spmem:s1] =	stream.indirect.scatter.add.f32 [tilespmem:s28], [sflag:$0x9], $0x80, s3, s26, $0xb8;
	[tilespmem:$0x1DE80] =	vst v63  }
0xa4: {  	_ =	swait.ge [sflag:s22], $0x2800;
	s19 =	sadd.s32 @!p1 s8, s19  }
0xa5: {  	[sflag:s22] =	ssyncset.done $0x0;
	s20 =	sshrl.u32 @!p1 s19, $0x3  }
0xa6: {  	s24 =	simm.s32 @!p1 $0x0;
	[sflag:s22] =	ssyncadd.s32 $0xFFFFD800;
	s31 =	sadd.s32 @!p1 s6, s20  }
0xa7: {  	[tilespmem:s24], [sflag:$0x1] =	stream.linear.gather @!p1 [hbm4b:s31+s24], $0x50, $0x38;
	[tilespmem:$0x1DE80] =	vst v63  }
0xa8: {  	s20 =	sadd.s32 @!p1 s7, s20;
	s31 =	simm.s32 @!p1 $0x100  }
0xa9: {  	[tilespmem:s31], [sflag:$0x3] =	stream.linear.gather @!p1 [hbm4b:s20+s24], $0x50, $0x38;
	[tilespmem:$0x1DE80] =	vst v63  }
0xaa: {  	s20 =	simm.s32 @!p1 $0x1  }
0xab: {  	_ =	swait.ge @!p1 [sflag:s20], $0x50  }
0xac: {  	[sflag:s20] =	ssyncset.done @!p1 $0x0  }
0xad: {  	[sflag:s20] =	ssyncadd.s32 @!p1 $0xFFFFFFB0;
	s20 =	simm.s32 @!p1 $0x3  }
0xae: {  	_ =	swait.ge @!p1 [sflag:s20], $0x50  }
0xaf: {  	s25 =	simm.s32 @!p1 $0x5200;
	[sflag:s20] =	ssyncset.done @!p1 $0x0  }
0xb0: {  	s19 =	sshll.u32 @!p1 s19, $0x4;
	[sflag:s20] =	ssyncadd.s32 @!p1 $0xFFFFFFB0;
	s20 =	simm.s32 @!p1 $0x50  }
0xb1: {  	[tilespmem:s25], [sflag:$0x5] =	stream.indirect.gather @!p1 [hbm4b:s4+s20], $0x80, s31, s20, $0xb8;
	[tilespmem:$0x1DE80] =	vst v63  }
0xb2: {  	s19 =	sadd.s32 @!p1 s5, s19;
	s20 =	simm.s32 @!p1 $0x200  }
0xb3: {  	[tilespmem:s20], [sflag:$0x7] =	stream.linear.gather @!p1 [hbm4b:s19+s24], $0x2800, $0x38;
	[tilespmem:$0x1DE80] =	vst v63  }
0xb4: {  	_ =	swait.ge [sflag:s13], $0x2800  }
0xb5: {  	[sflag:s13] =	ssyncset.done $0x0  }
0xb6: {  	[sflag:s13] =	ssyncadd.s32 $0xFFFFD800  }
0xb7: {  	_ =	swait.ge [sflag:s14], $0x2800  }
0xb8: {  	[sflag:s14] =	ssyncset.done $0x0  }
0xb9: {  	s19 =	simm.s32 $0x0;
	[sflag:s14] =	ssyncadd.s32 $0xFFFFD800  }
0xba: {  	v1 =	vld [tilespmem:s19+$0x2A00]  }
0xbb: {  	v5 =	vld [tilespmem:s19+$0x7A00]  }
0xbc: {  	v7 =	vld [tilespmem:s19+$0x7A10]  }
0xbd: {  	v6 =	vld [tilespmem:s19+$0x7A20]  }
0xbe: {  	v4 =	vld [tilespmem:s19+$0x7A30]  }
0xbf: {  	v2 =	vld [tilespmem:s19+$0x7A40]  }
0xc0: {  	v3 =	vld [tilespmem:s19+$0x7A50];
	v8 =	vmul.f32 v5, v1  }
0xc1: {  	s20 =	simm.s32 $0x200;
	v7 =	vmul.f32 v7, v1;
	v5 =	vld [tilespmem:s19+$0x7A60]  }
.LBB2_7:
0xc2: {  	s24 =	sshra.s32 s20, $0x2;
	p1 =	sne.s32 s20, $0x9E00;
	[tilespmem:s19+$0x7A00] =	vst v8;
	v6 =	vmul.f32 v6, v1;
	v8 =	vld [tilespmem:s19+$0x7A70]  }
0xc3: {  	v9 =	vld [tilespmem:s24+$0x2A00];
	[tilespmem:s19+$0x7A10] =	vst v7;
	v4 =	vmul.f32 v4, v1  }
0xc4: {  	v7 =	vld [tilespmem:s24+$0x7A00];
	[tilespmem:s19+$0x7A20] =	vst v6;
	v2 =	vmul.f32 v2, v1  }
0xc5: {  	v10 =	vld [tilespmem:s24+$0x7A10];
	[tilespmem:s19+$0x7A30] =	vst v4;
	v3 =	vmul.f32 v3, v1  }
.Ltmp2:
0xc6: {  	v6 =	vld [tilespmem:s24+$0x7A20];
	[tilespmem:s19+$0x7A40] =	vst v2;
	v5 =	vmul.f32 v5, v1;
	(pc) =	sbr.rel @p1 .LBB2_7-.Ltmp2, $4  }
0xc7: {  	v4 =	vld [tilespmem:s24+$0x7A30];
	[tilespmem:s19+$0x7A50] =	vst v3;
	v11 =	vmul.f32 v8, v1  }
0xc8: {  	v2 =	vld [tilespmem:s24+$0x7A40];
	[tilespmem:s19+$0x7A60] =	vst v5;
	v1 =	vmov v9  }
0xc9: {  	v8 =	vmul.f32 v7, v1;
	v3 =	vld [tilespmem:s24+$0x7A50];
	[tilespmem:s19+$0x7A70] =	vst v11;
	s19 =	smov.u32 s24  }
0xca: {  	s20 =	sadd.s32 $0x200, s20;
	v7 =	vmul.f32 v10, v1;
	v5 =	vld [tilespmem:s19+$0x7A60]  }
0xcb: {  	[tilespmem:s19+$0x7A00] =	vst v8;
	v6 =	vmul.f32 v6, v1;
	v63 =	vld [tilespmem:s19+$0x7A70]  }
0xcc: {  	[tilespmem:s19+$0x7A10] =	vst v7;
	v4 =	vmul.f32 v4, v1  }
0xcd: {  	[tilespmem:s19+$0x7A20] =	vst v6;
	v2 =	vmul.f32 v2, v1  }
0xce: {  	[tilespmem:s19+$0x7A30] =	vst v4;
	v3 =	vmul.f32 v3, v1  }
0xcf: {  	[tilespmem:s19+$0x7A40] =	vst v2;
	v2 =	vmul.f32 v5, v1  }
0xd0: {  	s18 =	sadd.s32 $0x3, s18;
	[tilespmem:s19+$0x7A50] =	vst v3;
	v1 =	vmul.f32 v63, v1  }
0xd1: {  	p1 =	sge.u32 s18, s17;
	[tilespmem:s19+$0x7A60] =	vst v2  }
0xd2: {  	s18 =	smul.u32 @!p1 $0x50, s18;
	[tilespmem:s19+$0x7A70] =	vst v1  }
0xd3: {  	[spmem:s1] =	stream.indirect.scatter.add.f32 [tilespmem:s2], [sflag:$0x9], $0x80, s30, s26, $0xb8;
	[tilespmem:$0x1DE80] =	vst v63  }
0xd4: {  	s18 =	sadd.s32 @!p1 s8, s18;
	_ =	swait.ge [sflag:s22], $0x2800  }
0xd5: {  	s24 =	simm.s32 @!p1 $0x0;
	s19 =	sshrl.u32 @!p1 s18, $0x3;
	[sflag:s22] =	ssyncset.done $0x0  }
0xd6: {  	s25 =	simm.s32 @!p1 $0x80;
	s20 =	sadd.s32 @!p1 s6, s19;
	[sflag:s22] =	ssyncadd.s32 $0xFFFFD800  }
0xd7: {  	[tilespmem:s25], [sflag:$0x2] =	stream.linear.gather @!p1 [hbm4b:s20+s24], $0x50, $0x38;
	[tilespmem:$0x1DE80] =	vst v63  }
0xd8: {  	s19 =	sadd.s32 @!p1 s7, s19;
	s20 =	simm.s32 @!p1 $0x180  }
0xd9: {  	[tilespmem:s20], [sflag:$0x4] =	stream.linear.gather @!p1 [hbm4b:s19+s24], $0x50, $0x38;
	[tilespmem:$0x1DE80] =	vst v63  }
0xda: {  	s19 =	simm.s32 @!p1 $0x2  }
0xdb: {  	_ =	swait.ge @!p1 [sflag:s19], $0x50  }
0xdc: {  	[sflag:s19] =	ssyncset.done @!p1 $0x0  }
0xdd: {  	[sflag:s19] =	ssyncadd.s32 @!p1 $0xFFFFFFB0;
	s19 =	simm.s32 @!p1 $0x4  }
0xde: {  	_ =	swait.ge @!p1 [sflag:s19], $0x50  }
0xdf: {  	s18 =	sshll.u32 @!p1 s18, $0x4;
	[sflag:s19] =	ssyncset.done @!p1 $0x0  }
0xe0: {  	s25 =	simm.s32 @!p1 $0x7A00;
	[sflag:s19] =	ssyncadd.s32 @!p1 $0xFFFFFFB0;
	s19 =	simm.s32 @!p1 $0x50  }
0xe1: {  	[tilespmem:s25], [sflag:$0x6] =	stream.indirect.gather @!p1 [hbm4b:s4+s19], $0x80, s20, s19, $0xb8;
	[tilespmem:$0x1DE80] =	vst v63  }
0xe2: {  	s16 =	sadd.s32 $0x1, s16;
	s18 =	sadd.s32 @!p1 s5, s18;
	s19 =	simm.s32 @!p1 $0x2A00  }
0xe3: {  	[tilespmem:s19], [sflag:$0x8] =	stream.linear.gather @!p1 [hbm4b:s18+s24], $0x2800, $0x38;
	[tilespmem:$0x1DE80] =	vst v63  }
0xe4: {  	p1 =	sne.s32 s16, s23  }
.Ltmp3:
0xe5: {  	_ = 	snop;
	(pc) =	sbr.rel @p1 .LBB2_4-.Ltmp3, $1  }
0xe6: {  	_ =	sdelay $0x3  }
0xe7: {  	s16 =	stileid.u32  }
0xe8: {  	[bflag:$0x0] =	sbarrier.arrive $0xFFFF;
	s16 =	sshll.u32 s16, $0x6  }
0xe9: {  	s17 =	sshrl.u32 s9, $0x3;
	s18 =	rddreg [dreg:$0xa];
	s16 =	sor.u32 $0x1C09, s16  }
0xea: {  	[hbm:s18], [sflag:s16] =	dma.local [spmem:s17], $0x2700  }
0xeb: {  	_ =	swait.ge [sflag:s22], $0x2700  }
0xec: {  	[sflag:s22] =	ssyncset.done $0x0  }
0xed: {  	s17 =	sshrl.u32 @!p0 s10, $0x3;
	s18 =	rddreg [dreg:$0xb];
	[sflag:s22] =	ssyncadd.s32 $0xFFFFD900  }
0xee: {  	[hbm:s18], [sflag:s16] =	dma.local @!p0 [spmem:s17], $0x100  }
0xef: {  	s16 =	simm.s32 @!p0 $0x9  }
0xf0: {  	_ =	swait.ge @!p0 [sflag:s16], $0x100  }
0xf1: {  	s15 =	sadd.s32 $0x1, s15;
	s31 =	rddreg [dreg:$0xc]  }
0xf2: {  	p1 =	sne.s32 s15, s31  }
.Ltmp4:
0xf3: {  	_ = 	snop;
	(pc) =	sbr.rel @p1 .LBB2_1-.Ltmp4, $3  }
0xf4: {  	_ =	sdelay $0x1  }
0xf5: {  	[sflag:s16] =	ssyncset.done @!p0 $0x0  }
0xf6: {  	[sflag:s16] =	ssyncadd.s32 @!p0 $0xFFFFFF00  }
0xf7: {  	_ =	sfence.sel $0x180000  }
0xf8: {  	[bflag:$0x0] =	sbarrier.arrive $0xFFFF  }
0xf9: {  	_ =	strace $0x9000004A  }
0xfa: {  	s0 =	stileid.u32;
	[bflag:$0x2] =	sbarrier.arrive $0xFFFF  }
0xfb: {  	p0 =	sne.s32 s0, $0x0;
	s0 =	rddreg [dreg:$0x2]  }
0xfc: {  	s0 =	sadd.s32 @!p0 $0x100000, s0  }
0xfd: {  	[sflag:s0] =	ssyncadd.tile.s32 @!p0 $0x1;
	_ =	shalt  }
.Lfunc_end2:
_tile_overlayer_lowered:
.L_overlay_start_2:
0xfe: {  	(tag) =	ssettag $0x2  }
0xff: {  	s0 =	rddreg [dreg:$0x0];
	s2 =	stileid.u32  }
0x100: {  	s1 =	rddreg [dreg:$0x1];
	p0 =	sne.s32 s2, $0x0  }
0x101: {  	s3 =	rddreg [dreg:$0x2];
	[bflag:$0x3] =	sbarrier.arrive $0xFFFF;
	s2 =	simm.s32 @!p0 $0x1C09  }
0x102: {  	[timem:s3], [sflag:s2] =	dma.local @!p0 [hbm:s0], s1  }
0x103: {  	s0 =	simm.s32 @!p0 $0x9  }
0x104: {  	_ =	swait.ge @!p0 [sflag:s0], s1  }
0x105: {  	s1 =	ssub.s32 @!p0 $0x0, s1;
	[sflag:s0] =	ssyncset.done @!p0 $0x0  }
0x106: {  	[sflag:s0] =	ssyncadd.s32 @!p0 s1  }
0x107: {  	[bflag:$0x3] =	sbarrier.arrive $0xFFFF  }
0x108: {  	_ =	shalt  }

// kernel: kernel.8.cloned.1.call-start
scs
__scs_entry_jumppad:
0x0: {  	(pc) =	sbr.rel $0x88, $3  }
0x1: {  	(tag) =	ssettag $0x0;
	lr =	simm.s32 $0x1  }
0x2: {  	[smem:$0x3F8E] =	sst lr;
	_ =	strace $0xD0000000  }
0x3: {  	_ = 	snop  }
0x4: {  	_ = 	snop  }
0x5: {  	_ = 	snop  }
0x6: {  	_ = 	snop  }
0x7: {  	_ = 	snop  }
__scs_overlays_trampoline_lowered:
0x8: {  	[smem:$0x3F9D] =	sst s0  }
0x9: {  	[smem:$0x3F9E] =	sst s1  }
0xa: {  	[smem:$0x3F9F] =	sst s2  }
0xb: {  	[smem:$0x3FA0] =	sst s3  }
0xc: {  	[smem:$0x3FA1] =	sst s4  }
0xd: {  	[smem:$0x3FA2] =	sst s5  }
0xe: {  	[smem:$0x3FA3] =	sst s6  }
0xf: {  	[smem:$0x3FA4] =	sst s7  }
0x10: {  	[smem:$0x3FA5] =	sst s8  }
0x11: {  	[smem:$0x3FA6] =	sst s9;
	s0 =	simm.s32 @!p0 $0x0  }
0x12: {  	s1 =	sld [smem:$0x3F8C];
	s0 =	simm.s32 @p0 $0x1  }
0x13: {  	[smem:$0x3FA7] =	sst s0;
	s0 =	simm.s32 @!p1 $0x0  }
0x14: {  	s2 =	sld [smem:$0x3F8B];
	s0 =	simm.s32 @p1 $0x1  }
0x15: {  	[smem:$0x3FA8] =	sst s0;
	s0 =	simm.s32 @!p2 $0x0  }
0x16: {  	s3 =	sld [smem:$0x3FDB];
	s0 =	simm.s32 @p2 $0x1  }
0x17: {  	s4 =	simm.s32 $0x1BF5;
	[smem:$0x3FAA] =	sst s0  }
0x18: {  	s0 =	sld [smem:$0x3F8D];
	_ =	swait.ge [sflag:s4], $0x0  }
0x19: {  	s7 =	sld [smem:$0x3F8E]  }
0x1a: {  	s8 =	sadd.s32 $0xFFFFE003, lr  }
0x1b: {  	s9 =	sadd.s32 $0xFFFFFEF7, lr;
	s5 =	simm.s32 $0xFFFFFFFF;
	p2 =	slt.u32 s8, $0xFFFFF086  }
0x1c: {  	p1 =	slt.u32 s9, $0xF7A;
	s5 =	simm.s32 @!p2 $0x0  }
0x1d: {  	s5 =	simm.s32 @p1 $0x1;
	p0 =	seq.s32 s7, s2  }
0x1e: {  	s7 =	smul.u32 @!p0 $0xF7A, s2;
	p2 =	seq.s32 @!p0 s5, $0x0  }
0x1f: {  	s9 =	smul.u32 $0xF7A, s1;
	s8 =	simm.s32 @!p0 $0x1BF5;
	p2 =	por !p2, p0  }
0x20: {  	[sflag:s8] =	ssyncset.s32 @!p0 $0xFFFFF086;
	s6 =	sadd.s32 @!p0 s3, s7;
	s7 =	simm.s32 @!p0 $0x108  }
0x21: {  	s3 =	sadd.s32 s3, s9;
	s6 =	sadd.s32 @!p0 $0x88, s6;
	s7 =	simm.s32 @p2 $0x1082  }
0x22: {  	[simem:s7], [sflag:s8] =	dma.local @!p0 [hbm:s6], $0xF7A  }
0x23: {  	s9 =	sor.u32 $0xD0000000, s2;
	s6 =	simm.s32 $0x108;
	_ =	swait.ge @!p0 [sflag:s8], $0x0  }
0x24: {  	s3 =	sadd.s32 $0x88, s3;
	s6 =	simm.s32 @!p1 $0x1082;
	[sflag:s4] =	ssyncset.s32 $0xFFFFF086  }
0x25: {  	[simem:s6], [sflag:s4] =	dma.local [hbm:s3], $0xF7A  }
0x26: {  	[smem:$0x3F8E] =	sst s1;
	(tag) =	ssettag s2;
	_ =	strace s9  }
0x27: {  	s1 =	sld [smem:$0x3F9E]  }
0x28: {  	s2 =	sld [smem:$0x3F9F]  }
0x29: {  	s4 =	sld [smem:$0x3FA1]  }
0x2a: {  	p0 =	seq.s32 s5, $0x0;
	s5 =	sld [smem:$0x3FA2]  }
0x2b: {  	s6 =	sld [smem:$0x3FA3]  }
0x2c: {  	s7 =	sld [smem:$0x3FA4]  }
0x2d: {  	s3 =	simm.s32 $0x108;
	s8 =	sld [smem:$0x3FA5]  }
0x2e: {  	s3 =	simm.s32 @!p0 $0x1082;
	s9 =	sld [smem:$0x3FA6]  }
0x2f: {  	lr =	sadd.s32 s0, s3;
	s0 =	sld [smem:$0x3F9D]  }
0x30: {  	s3 =	sld [smem:$0x3FA0]  }
0x31: {  	[smem:$0x3FA9] =	sst s10  }
0x32: {  	s10 =	sld [smem:$0x3FA7];
	_ =	sdelay $0x3  }
0x33: {  	p0 =	seq.s32 s10, $0x1;
	s10 =	sld [smem:$0x3FA9];
	_ =	sdelay $0x3  }
0x34: {  	[smem:$0x3FA9] =	sst s10  }
0x35: {  	s10 =	sld [smem:$0x3FA8];
	_ =	sdelay $0x3  }
0x36: {  	p1 =	seq.s32 s10, $0x1;
	s10 =	sld [smem:$0x3FA9];
	_ =	sdelay $0x3  }
0x37: {  	[smem:$0x3FA9] =	sst s10  }
0x38: {  	s10 =	sld [smem:$0x3FAA]  }
0x39: {  	_ = 	snop;
	(pc) =	sbr.ind lr, $3  }
0x3a: {  	_ = 	snop  }
0x3b: {  	_ = 	snop  }
0x3c: {  	p2 =	seq.s32 s10, $0x1;
	s10 =	sld [smem:$0x3FA9]  }
0x3d: {  	_ =	shalt  }
0x3e: {  	_ =	shalt  }
0x3f: {  	_ =	shalt  }
0x40: {  	_ =	shalt  }
0x41: {  	_ =	shalt  }
0x42: {  	_ =	shalt  }
0x43: {  	_ =	shalt  }
0x44: {  	_ =	shalt  }
0x45: {  	_ =	shalt  }
0x46: {  	_ =	shalt  }
0x47: {  	_ =	shalt  }
0x48: {  	_ =	shalt  }
0x49: {  	_ =	shalt  }
0x4a: {  	_ =	shalt  }
0x4b: {  	_ =	shalt  }
0x4c: {  	_ =	shalt  }
0x4d: {  	_ =	shalt  }
0x4e: {  	_ =	shalt  }
0x4f: {  	_ =	shalt  }
0x50: {  	_ =	shalt  }
0x51: {  	_ =	shalt  }
0x52: {  	_ =	shalt  }
0x53: {  	_ =	shalt  }
0x54: {  	_ =	shalt  }
0x55: {  	_ =	shalt  }
0x56: {  	_ =	shalt  }
0x57: {  	_ =	shalt  }
0x58: {  	_ =	shalt  }
0x59: {  	_ =	shalt  }
0x5a: {  	_ =	shalt  }
0x5b: {  	_ =	shalt  }
0x5c: {  	_ =	shalt  }
0x5d: {  	_ =	shalt  }
0x5e: {  	_ =	shalt  }
0x5f: {  	_ =	shalt  }
0x60: {  	_ =	shalt  }
0x61: {  	_ =	shalt  }
0x62: {  	_ =	shalt  }
0x63: {  	_ =	shalt  }
0x64: {  	_ =	shalt  }
0x65: {  	_ =	shalt  }
0x66: {  	_ =	shalt  }
0x67: {  	_ =	shalt  }
0x68: {  	_ =	shalt  }
0x69: {  	_ =	shalt  }
0x6a: {  	_ =	shalt  }
0x6b: {  	_ =	shalt  }
0x6c: {  	_ =	shalt  }
0x6d: {  	_ =	shalt  }
0x6e: {  	_ =	shalt  }
0x6f: {  	_ =	shalt  }
0x70: {  	_ =	shalt  }
0x71: {  	_ =	shalt  }
0x72: {  	_ =	shalt  }
0x73: {  	_ =	shalt  }
0x74: {  	_ =	shalt  }
0x75: {  	_ =	shalt  }
0x76: {  	_ =	shalt  }
0x77: {  	_ =	shalt  }
0x78: {  	_ =	shalt  }
0x79: {  	_ =	shalt  }
0x7a: {  	_ =	shalt  }
0x7b: {  	_ =	shalt  }
0x7c: {  	_ =	shalt  }
0x7d: {  	_ =	shalt  }
0x7e: {  	_ =	shalt  }
0x7f: {  	_ =	shalt  }
0x80: {  	_ =	shalt  }
0x81: {  	_ =	shalt  }
0x82: {  	_ =	shalt  }
0x83: {  	_ =	shalt  }
0x84: {  	_ =	shalt  }
0x85: {  	_ =	shalt  }
0x86: {  	_ =	shalt  }
0x87: {  	_ =	shalt  }
.Lfunc_end0:
.L_simem_size_0:
called_computation_lowered:
.L_overlay_start_0:
0x88: {  	s2 =	sld [smem:$0x3FD9]  }
0x89: {  	s3 =	sld [smem:$0x3FFE];
	_ =	sdelay $0x1  }
0x8a: {  	s1 =	srdreg.scid  }
0x8b: {  	s0 =	sand.u32 $0x1, s1  }
0x8c: {  	s17 =	sshll.u32 s0, $0xA;
	s2 =	sadd.s32 s3, s2  }
0x8d: {  	s2 =	sadd.s32 s2, s17  }
0x8e: {  	[smem:$0x3FB5] =	sst s2  }
0x8f: {  	_ = 	snop  }
0x90: {  	s2 =	sld [smem:$0x3FD0];
	(tm) =	ssettm $0x1  }
0x91: {  	s18 =	sld [smem:$0x3FFB];
	_ =	sdelay $0x3  }
0x92: {  	_ =	strace s18  }
0x93: {  	s3 =	sld [smem:$0x3FFC];
	_ =	sdelay $0x3  }
0x94: {  	_ =	strace s3  }
0x95: {  	s3 =	sld [smem:$0x3FFD];
	_ =	sdelay $0x3  }
0x96: {  	_ =	strace s3  }
0x97: {  	_ =	strace $0x8FFFFFFF  }
0x98: {  	s19 =	sld [smem:$0x3FDB];
	_ =	sdelay $0x1  }
0x99: {  	s4 =	simm.s32 $_scs_section_size  }
0x9a: {  	s5 =	simm.s32 $_size__tile_overlayer_lowered;
	s6 =	simm.s32 $_tile_overlayer_lowered  }
0x9b: {  	s22 =	simm.s32 $0x1BFF;
	s21 =	sshll.u32 s6, $0x1;
	s3 =	sadd.s32 s4, s19  }
0x9c: {  	s7 =	simm.s32 $0x0;
	s20 =	sshll.u32 s5, $0x1;
	s5 =	sadd.s32 s21, s3  }
0x9d: {  	[timem:s7], [sflag:s22] =	dma.local [hbm:s5], s20  }
0x9e: {  	_ =	swait.ge [sflag:s22], s20  }
0x9f: {  	s4 =	ssub.s32 $0x0, s20;
	[sflag:s22] =	ssyncset.done $0x0  }
0xa0: {  	[sflag:s22] =	ssyncadd.s32 s4;
	_ =	sdelay $0x1  }
0xa1: {  	s23 =	simm.s32 $0x1B8B  }
0xa2: {  	_ =	swait.ge [sflag:s23], $0x1  }
0xa3: {  	[sflag:s23] =	ssyncset.done $0x0  }
0xa4: {  	s25 =	simm.s32 $0x1B8E;
	s24 =	sld [smem:$0x3FFE];
	[sflag:s23] =	ssyncadd.s32 $0xFFFFFFFF  }
0xa5: {  	s26 =	simm.s32 $execute0_lowered;
	[smem:$0x3FD2] =	sst s25  }
0xa6: {  	s5 =	sshll.u32 s26, $0x1;
	_ =	strace $0x80000046;
	[dreg:$0x1] =	wrdreg $0xFFFFFFFF  }
0xa7: {  	s28 =	simm.s32 $_size_execute0_lowered;
	s3 =	sadd.s32 s3, s5;
	[dreg:$0x0] =	wrdreg $0x0  }
0xa8: {  	s5 =	sshll.u32 s28, $0x1;
	[dreg:$0x2] =	wrdreg s3  }
0xa9: {  	[dreg:$0x3] =	wrdreg s5  }
0xaa: {  	[dreg:$0x4] =	wrdreg $0xC0  }
0xab: {  	_ =	task [dreg:s7], $0x5FFFF  }
0xac: {  	[dreg:$0x1] =	wrdreg $0xFFFFFFFF  }
0xad: {  	[dreg:$0x0] =	wrdreg $0x60  }
0xae: {  	[dreg:$0x2] =	wrdreg s24  }
0xaf: {  	[dreg:$0x3] =	wrdreg s2  }
0xb0: {  	[dreg:$0x4] =	wrdreg $0x9  }
0xb1: {  	_ =	task.clear_ibuf [dreg:s7], $0x5FFFF;
	_ =	strace $0x90000046  }
0xb2: {  	s29 =	simm.s32 $0x9;
	_ =	strace $0x80000048  }
0xb3: {  	_ =	swait.ge [sflag:s29], $0x1  }
0xb4: {  	[sflag:s29] =	ssyncadd.s32 $0xFFFFFFFF  }
0xb5: {  	_ =	strace $0x90000048  }
0xb6: {  	_ =	sfence  }
0xb7: {  	s30 =	sld [smem:$0x0];
	_ =	sdelay $0x2  }
0xb8: {  	s31 =	sshll.u32 s1, $0xD;
	s1 =	sshrl.u32 s1, $0x2  }
0xb9: {  	s3 =	sand.u32 $0x4000, s31;
	s1 =	sadd.s32 s1, s30  }
0xba: {  	s0 =	sor.u32 s3, s0;
	s1 =	sshll.u32 s1, $0x11  }
0xbb: {  	s0 =	sor.u32 s1, s0  }
0xbc: {  	s0 =	sadd.s32 $0x8F2B, s0  }
0xbd: {  	[sflag:s0] =	ssyncadd.remote.s32 $0x1  }
0xbe: {  	_ =	sfence.sel $0xFFFF  }
0xbf: {  	[dreg:$0x0] =	wrdreg $0xFFFFFFFF;
	(pc) =	sbr.abs _section_cstart, $3  }
0xc0: {  	[dreg:$0x1] =	wrdreg $0xFFFFFFFF  }
0xc1: {  	_ =	task.clear_ibuf [dreg:s7], $0x2FFFF;
	_ =	strace $0x9FFFFFFF  }
0xc2: {  	(tm) =	ssettm $0x7FFFFFFF  }
0xc3: {  	_ =	shalt  }
tec
execute0_lowered:
.L_overlay_start_1:
0x0: {  	(tag) =	ssettag $0x1  }
0x1: {  	s0 =	rddreg [dreg:$0x0]  }
0x2: {  	s2 =	rddreg [dreg:$0x1];
	s3 =	simm.s32 $0x0  }
0x3: {  	s1 =	srdreg.scid;
	s6 =	stileid.u32;
	s14 =	simm.s32 $0x1  }
0x4: {  	s15 =	simm.s32 $0x50;
	s19 =	simm.s32 $0x100;
	s20 =	simm.s32 $0x2  }
0x5: {  	s21 =	simm.s32 $0x2A00;
	s22 =	simm.s32 $0x180;
	s23 =	simm.s32 $0x7A00  }
0x6: {  	s24 =	simm.s32 $0x3;
	s25 =	simm.s32 $0xA200;
	s29 =	simm.s32 $0x6  }
0x7: {  	s30 =	simm.s32 $0x0;
	[smem:$0x7FF] =	sst s3;
	s11 =	smul.u32 $0xFA, s6  }
0x8: {  	s1 =	sand.u32 $0x1, s1;
	s4 =	sadd.s32 $0x84600, s0;
	s9 =	smul.u32 $0x1F40, s6  }
0x9: {  	s5 =	sadd.s32 $0x16E00, s0;
	s12 =	smul.u32 $0x4E20, s6;
	s6 =	sadd.s32 $0xAB800, s0  }
0xa: {  	s8 =	smul.u32 $0x4E200, s1;
	s7 =	ssub.s32 $0x2, s1;
	s1 =	sshll.u32 s1, $0x6  }
0xb: {  	_ =	strace $0x80000047;
	s10 =	sshrl.u32 s7, $0x1;
	s31 =	sor.u32 $0x220, s1  }
.Ltmp0:
0xc: {  	s16 =	sor.u32 $0x5220, s1;
	s28 =	sor.u32 $0x2A20, s1;
	(pc) =	sbr.rel .LBB2_1-.Ltmp0, $4  }
0xd: {  	s1 =	sor.u32 $0x7A20, s1;
	s26 =	ssub.s32 s7, s10;
	s7 =	sadd.s32 s5, s9  }
0xe: {  	s8 =	sadd.s32 s12, s8;
	s10 =	sadd.s32 $0x2, s11;
	s11 =	sadd.s32 $0x3, s11  }
0xf: {  	v2 =	vmov s28;
	s28 =	simm.s32 $0x5;
	s9 =	sadd.s32 $0x20, s7;
	s12 =	sadd.s32 $0x50, s8  }
0x10: {  	v0 =	vmov s31;
	v1 =	vmov s16;
	v3 =	vmov s1;
	s13 =	smax.u32 s26, $0x1;
	s26 =	simm.s32 $0xCA00;
	[dreg:$0x3] =	wrdreg s9  }
.LBB2_11:
0x11: {  	s30 =	sadd.s32 $0x1, s30  }
0x12: {  	_ =	swait.ge [sflag:s28], $0x2800;
	p0 =	sne.s32 s30, s13  }
.Ltmp1:
0x13: {  	[sflag:s28] =	ssyncset.done $0x0;
	(pc) =	sbr.rel @!p0 .LBB2_12-.Ltmp1, $4  }
0x14: {  	[sflag:s28] =	ssyncadd.s32 $0xFFFFD800  }
0x15: {  	_ =	swait.ge [sflag:s29], $0x2800  }
0x16: {  	[sflag:s29] =	ssyncset.done $0x0  }
0x17: {  	[sflag:s29] =	ssyncadd.s32 $0xFFFFD800  }
.LBB2_1:
0x18: {  	[tilespmem:s3], [sflag:$0x1] =	stream.linear.gather [hbm4b:s7+s3], $0x100, $0x38;
	[tilespmem:$0xF200] =	vst v63  }
0x19: {  	_ =	swait.ge [sflag:s14], $0x100  }
0x1a: {  	[sflag:s14] =	ssyncset.done $0x0  }
0x1b: {  	s0 =	simm.s32 $0x200;
	[sflag:s14] =	ssyncadd.s32 $0xFFFFFF00  }
0x1c: {  	[tilespmem:s0], [sflag:$0x1] =	stream.indirect.gather [hbm4b:s4+s15], $0x80, s3, s15, $0xb8;
	[tilespmem:$0xF200] =	vst v63  }
0x1d: {  	s17 =	simm.s32 $0x80;
	s1 =	simm.s32 $0x5200  }
0x1e: {  	[tilespmem:s1], [sflag:$0x3] =	stream.indirect.gather [hbm4b:s2+s15], $0x80, s17, s15, $0xb8;
	[tilespmem:$0xF200] =	vst v63  }
0x1f: {  	s18 =	rddreg [dreg:$0x3]  }
0x20: {  	[tilespmem:s19], [sflag:$0x2] =	stream.linear.gather [hbm4b:s18+s3], $0x100, $0x38;
	[tilespmem:$0xF200] =	vst v63  }
0x21: {  	_ =	swait.ge [sflag:s20], $0x100  }
0x22: {  	[sflag:s20] =	ssyncset.done $0x0  }
0x23: {  	[sflag:s20] =	ssyncadd.s32 $0xFFFFFF00  }
0x24: {  	[tilespmem:s21], [sflag:$0x2] =	stream.indirect.gather [hbm4b:s4+s15], $0x80, s19, s15, $0xb8;
	[tilespmem:$0xF200] =	vst v63  }
0x25: {  	s31 =	simm.s32 $0x0  }
0x26: {  	[tilespmem:s23], [sflag:$0x4] =	stream.indirect.gather [hbm4b:s2+s15], $0x80, s22, s15, $0xb8;
	[tilespmem:$0xF200] =	vst v63  }
.LBB2_2:
0x27: {  	p0 =	seq.s32 s31, $0x7C  }
0x28: {  	_ =	swait.ge [sflag:s14], $0x2800;
	p1 =	seq.s32 @!p0 s31, $0x0  }
0x29: {  	[sflag:s14] =	ssyncset.done $0x0;
	p1 =	por p0, !p1  }
.Ltmp2:
0x2a: {  	s0 =	sshll.u32 s31, $0x1;
	[sflag:s14] =	ssyncadd.s32 $0xFFFFD800;
	(pc) =	sbr.rel @!p1 .LBB2_3-.Ltmp2, $4  }
0x2b: {  	s1 =	sadd.s32 @!p0 s0, s10;
	_ =	swait.ge [sflag:s24], $0x2800  }
0x2c: {  	s1 =	sshll.u32 @!p0 s1, $0x5;
	[sflag:s24] =	ssyncset.done $0x0  }
0x2d: {  	s16 =	simm.s32 @!p0 $0x0;
	s1 =	sadd.s32 @!p0 s5, s1;
	[sflag:s24] =	ssyncadd.s32 $0xFFFFD800  }
0x2e: {  	[tilespmem:s16], [sflag:$0x1] =	stream.linear.gather @!p0 [hbm4b:s1+s16], $0x100, $0x38;
	[tilespmem:$0xF200] =	vst v63  }
.Ltmp3:
0x2f: {  	(pc) =	sbr.rel .LBB2_5-.Ltmp3, $4  }
0x30: {  	_ = 	snop  }
0x31: {  	_ =	swait.ge [sflag:s28], $0x2800  }
0x32: {  	[sflag:s28] =	ssyncset.done $0x0  }
0x33: {  	p1 =	por $0x0, $0x0;
	[sflag:s28] =	ssyncadd.s32 $0xFFFFD800  }
.LBB2_3:
0x34: {  	p1 =	por @!p0 $0x1, $0x1  }
.LBB2_5:
0x35: {  	_ =	sdelay $0x2  }
0x36: {  	s16 =	simm.s32 $0x0  }
0x37: {  	v4 =	vld.idx.msk [tilespmem:v0+s16+$0xFFFFFFE0 ss:$0x1], $0xffff  }
0x38: {  	v5 =	vld.idx.msk [tilespmem:v1+s16+$0xFFFFFFE0 ss:$0x1], $0xffff;
	_ =	sdelay $0x4  }
0x39: {  	v4 =	vadd.f32 v5, v4;
	_ =	sdelay $0x1  }
0x3a: {  	[tilespmem:s16+$0xA200] =	vst v4  }
0x3b: {  	v4 =	vld.idx.msk [tilespmem:v0+s16+$0xFFFFFFF0 ss:$0x1], $0xffff  }
0x3c: {  	v5 =	vld.idx.msk [tilespmem:v1+s16+$0xFFFFFFF0 ss:$0x1], $0xffff;
	_ =	sdelay $0x4  }
0x3d: {  	v4 =	vadd.f32 v5, v4;
	_ =	sdelay $0x1  }
0x3e: {  	[tilespmem:s16+$0xA210] =	vst v4  }
0x3f: {  	v4 =	vld.idx.msk [tilespmem:v0+s16+$0x0 ss:$0x1], $0xffff  }
0x40: {  	v5 =	vld.idx.msk [tilespmem:v1+s16+$0x0 ss:$0x1], $0xffff;
	_ =	sdelay $0x4  }
0x41: {  	v4 =	vadd.f32 v5, v4;
	_ =	sdelay $0x1  }
0x42: {  	[tilespmem:s16+$0xA220] =	vst v4  }
0x43: {  	v4 =	vld.idx.msk [tilespmem:v0+s16+$0x10 ss:$0x1], $0xffff  }
0x44: {  	s1 =	simm.s32 $0x200;
	v5 =	vld.idx.msk [tilespmem:v1+s16+$0x10 ss:$0x1], $0xffff  }
.LBB2_6:
0x45: {  	_ =	sdelay $0x1  }
0x46: {  	p2 =	sne.s32 s1, $0x9E00;
	s17 =	smov.u32 s1;
	s1 =	sadd.s32 $0x200, s1  }
0x47: {  	_ = 	snop  }
0x48: {  	v4 =	vadd.f32 v5, v4;
	_ =	sdelay $0x1  }
0x49: {  	[tilespmem:s16+$0xA230] =	vst v4;
	s16 =	sshra.s32 s17, $0x2  }
0x4a: {  	v4 =	vld.idx.msk [tilespmem:v0+s16+$0xFFFFFFE0 ss:$0x1], $0xffff  }
0x4b: {  	v5 =	vld.idx.msk [tilespmem:v1+s16+$0xFFFFFFE0 ss:$0x1], $0xffff;
	_ =	sdelay $0x5  }
0x4c: {  	v4 =	vadd.f32 v5, v4;
	_ =	sdelay $0x1  }
0x4d: {  	[tilespmem:s16+$0xA200] =	vst v4  }
0x4e: {  	v4 =	vld.idx.msk [tilespmem:v0+s16+$0xFFFFFFF0 ss:$0x1], $0xffff  }
0x4f: {  	v5 =	vld.idx.msk [tilespmem:v1+s16+$0xFFFFFFF0 ss:$0x1], $0xffff;
	_ =	sdelay $0x5  }
0x50: {  	v4 =	vadd.f32 v5, v4;
	_ =	sdelay $0x1  }
0x51: {  	[tilespmem:s16+$0xA210] =	vst v4  }
0x52: {  	v4 =	vld.idx.msk [tilespmem:v0+s16+$0x0 ss:$0x1], $0xffff  }
0x53: {  	v5 =	vld.idx.msk [tilespmem:v1+s16+$0x0 ss:$0x1], $0xffff;
	_ =	sdelay $0x5  }
.Ltmp4:
0x54: {  	v4 =	vadd.f32 v5, v4;
	(pc) =	sbr.rel @p2 .LBB2_6-.Ltmp4, $4  }
0x55: {  	_ = 	snop  }
0x56: {  	[tilespmem:s16+$0xA220] =	vst v4  }
0x57: {  	v4 =	vld.idx.msk [tilespmem:v0+s16+$0x10 ss:$0x1], $0xffff  }
0x58: {  	v5 =	vld.idx.msk [tilespmem:v1+s16+$0x10 ss:$0x1], $0xffff  }
0x59: {  	_ =	sdelay $0x1  }
0x5a: {  	s1 =	smul.u32 $0xA0, s31;
	_ =	sdelay $0x1  }
0x5b: {  	s17 =	sadd.s32 s8, s1;
	v4 =	vadd.f32 v5, v4  }
0x5c: {  	s17 =	sshll.u32 s17, $0x4  }
0x5d: {  	s18 =	sadd.s32 s6, s17;
	[tilespmem:s16+$0xA230] =	vst v4;
	s16 =	simm.s32 @p0 $0x2  }
0x5e: {  	[hbm4b:s18+s3] =	stream.linear.scatter [tilespmem:s25], [sflag:$0x5], $0x2800, $0x38;
	[tilespmem:$0xF200] =	vst v63  }
0x5f: {  	_ =	swait.ge @p0 [sflag:s16], $0x2800  }
0x60: {  	[sflag:s16] =	ssyncset.done @p0 $0x0  }
0x61: {  	[sflag:s16] =	ssyncadd.s32 @p0 $0xFFFFD800;
	s16 =	simm.s32 @p0 $0x4  }
0x62: {  	_ =	swait.ge @p0 [sflag:s16], $0x2800  }
0x63: {  	[sflag:s16] =	ssyncset.done @p0 $0x0  }
0x64: {  	[sflag:s16] =	ssyncadd.s32 @p0 $0xFFFFD800;
	s16 =	simm.s32 @!p0 $0x1  }
0x65: {  	_ =	swait.ge @!p0 [sflag:s16], $0x100  }
0x66: {  	s17 =	simm.s32 @!p0 $0x0;
	[sflag:s16] =	ssyncset.done @!p0 $0x0  }
0x67: {  	s18 =	simm.s32 @!p0 $0x200;
	[sflag:s16] =	ssyncadd.s32 @!p0 $0xFFFFFF00;
	s16 =	simm.s32 @!p0 $0x50  }
0x68: {  	[tilespmem:s18], [sflag:$0x1] =	stream.indirect.gather @!p0 [hbm4b:s4+s16], $0x80, s17, s16, $0xb8;
	[tilespmem:$0xF200] =	vst v63  }
0x69: {  	s9 =	simm.s32 @!p0 $0x5200;
	s18 =	simm.s32 @!p0 $0x80  }
0x6a: {  	[tilespmem:s9], [sflag:$0x3] =	stream.indirect.gather @!p0 [hbm4b:s2+s16], $0x80, s18, s16, $0xb8;
	[tilespmem:$0xF200] =	vst v63  }
0x6b: {  	s9 =	simm.s32 @!p0 $0x2  }
0x6c: {  	_ =	swait.ge @!p0 [sflag:s9], $0x2800  }
0x6d: {  	[sflag:s9] =	ssyncset.done @!p0 $0x0  }
0x6e: {  	[sflag:s9] =	ssyncadd.s32 @!p0 $0xFFFFD800;
	s9 =	simm.s32 @!p0 $0x4  }
0x6f: {  	s0 =	sadd.s32 @!p0 s0, s11;
	_ =	swait.ge @!p0 [sflag:s9], $0x2800  }
0x70: {  	s0 =	sshll.u32 @!p0 s0, $0x5;
	[sflag:s9] =	ssyncset.done @!p0 $0x0  }
0x71: {  	s0 =	sadd.s32 @!p0 s5, s0;
	[sflag:s9] =	ssyncadd.s32 @!p0 $0xFFFFD800;
	s9 =	simm.s32 @!p0 $0x100  }
0x72: {  	[tilespmem:s9], [sflag:$0x2] =	stream.linear.gather @!p0 [hbm4b:s0+s17], $0x100, $0x38;
	[tilespmem:$0xF200] =	vst v63  }
0x73: {  	s0 =	simm.s32 @!p1 $0x6  }
0x74: {  	_ =	swait.ge @!p1 [sflag:s0], $0x2800  }
0x75: {  	[sflag:s0] =	ssyncset.done @!p1 $0x0  }
0x76: {  	[sflag:s0] =	ssyncadd.s32 @!p1 $0xFFFFD800;
	s0 =	simm.s32 $0x0  }
0x77: {  	v4 =	vld.idx.msk [tilespmem:v2+s0+$0xFFFFFFE0 ss:$0x1], $0xffff  }
0x78: {  	v5 =	vld.idx.msk [tilespmem:v3+s0+$0xFFFFFFE0 ss:$0x1], $0xffff;
	_ =	sdelay $0x4  }
0x79: {  	v4 =	vadd.f32 v5, v4;
	_ =	sdelay $0x1  }
0x7a: {  	[tilespmem:s0+$0xCA00] =	vst v4  }
0x7b: {  	v4 =	vld.idx.msk [tilespmem:v2+s0+$0xFFFFFFF0 ss:$0x1], $0xffff  }
0x7c: {  	v5 =	vld.idx.msk [tilespmem:v3+s0+$0xFFFFFFF0 ss:$0x1], $0xffff;
	_ =	sdelay $0x4  }
0x7d: {  	v4 =	vadd.f32 v5, v4;
	_ =	sdelay $0x1  }
0x7e: {  	[tilespmem:s0+$0xCA10] =	vst v4  }
0x7f: {  	v4 =	vld.idx.msk [tilespmem:v2+s0+$0x0 ss:$0x1], $0xffff  }
0x80: {  	v5 =	vld.idx.msk [tilespmem:v3+s0+$0x0 ss:$0x1], $0xffff;
	_ =	sdelay $0x4  }
0x81: {  	v4 =	vadd.f32 v5, v4;
	_ =	sdelay $0x1  }
0x82: {  	[tilespmem:s0+$0xCA20] =	vst v4  }
0x83: {  	v4 =	vld.idx.msk [tilespmem:v2+s0+$0x10 ss:$0x1], $0xffff  }
0x84: {  	s16 =	simm.s32 $0x200;
	v5 =	vld.idx.msk [tilespmem:v3+s0+$0x10 ss:$0x1], $0xffff  }
.LBB2_8:
0x85: {  	_ =	sdelay $0x1  }
0x86: {  	p1 =	sne.s32 s16, $0x9E00;
	s9 =	smov.u32 s16;
	s16 =	sadd.s32 $0x200, s16  }
0x87: {  	_ = 	snop  }
0x88: {  	v4 =	vadd.f32 v5, v4;
	_ =	sdelay $0x1  }
0x89: {  	[tilespmem:s0+$0xCA30] =	vst v4;
	s0 =	sshra.s32 s9, $0x2  }
0x8a: {  	v4 =	vld.idx.msk [tilespmem:v2+s0+$0xFFFFFFE0 ss:$0x1], $0xffff  }
0x8b: {  	v5 =	vld.idx.msk [tilespmem:v3+s0+$0xFFFFFFE0 ss:$0x1], $0xffff;
	_ =	sdelay $0x5  }
0x8c: {  	v4 =	vadd.f32 v5, v4;
	_ =	sdelay $0x1  }
0x8d: {  	[tilespmem:s0+$0xCA00] =	vst v4  }
0x8e: {  	v4 =	vld.idx.msk [tilespmem:v2+s0+$0xFFFFFFF0 ss:$0x1], $0xffff  }
0x8f: {  	v5 =	vld.idx.msk [tilespmem:v3+s0+$0xFFFFFFF0 ss:$0x1], $0xffff;
	_ =	sdelay $0x5  }
0x90: {  	v4 =	vadd.f32 v5, v4;
	_ =	sdelay $0x1  }
0x91: {  	[tilespmem:s0+$0xCA10] =	vst v4  }
0x92: {  	v4 =	vld.idx.msk [tilespmem:v2+s0+$0x0 ss:$0x1], $0xffff  }
0x93: {  	v5 =	vld.idx.msk [tilespmem:v3+s0+$0x0 ss:$0x1], $0xffff;
	_ =	sdelay $0x5  }
.Ltmp5:
0x94: {  	v4 =	vadd.f32 v5, v4;
	(pc) =	sbr.rel @p1 .LBB2_8-.Ltmp5, $4  }
0x95: {  	_ = 	snop  }
0x96: {  	[tilespmem:s0+$0xCA20] =	vst v4  }
0x97: {  	v4 =	vld.idx.msk [tilespmem:v2+s0+$0x10 ss:$0x1], $0xffff  }
0x98: {  	v5 =	vld.idx.msk [tilespmem:v3+s0+$0x10 ss:$0x1], $0xffff  }
0x99: {  	_ =	sdelay $0x2  }
.Ltmp6:
0x9a: {  	_ = 	snop;
	(pc) =	sbr.rel @p0 .LBB2_11-.Ltmp6, $4  }
0x9b: {  	s1 =	sadd.s32 s1, s12;
	v4 =	vadd.f32 v5, v4  }
0x9c: {  	s1 =	sshll.u32 s1, $0x4  }
0x9d: {  	s18 =	sadd.s32 s6, s1;
	[tilespmem:s0+$0xCA30] =	vst v4  }
0x9e: {  	[hbm4b:s18+s3] =	stream.linear.scatter [tilespmem:s26], [sflag:$0x6], $0x2800, $0x38;
	[tilespmem:$0xF200] =	vst v63  }
0x9f: {  	_ =	swait.ge [sflag:s20], $0x100  }
.Ltmp7:
0xa0: {  	[sflag:s20] =	ssyncset.done $0x0;
	(pc) =	sbr.rel .LBB2_2-.Ltmp7, $4  }
0xa1: {  	[sflag:s20] =	ssyncadd.s32 $0xFFFFFF00  }
0xa2: {  	[tilespmem:s21], [sflag:$0x2] =	stream.indirect.gather [hbm4b:s4+s15], $0x80, s19, s15, $0xb8;
	[tilespmem:$0xF200] =	vst v63  }
0xa3: {  	s31 =	sadd.s32 $0x1, s31  }
0xa4: {  	[tilespmem:s23], [sflag:$0x4] =	stream.indirect.gather [hbm4b:s2+s15], $0x80, s22, s15, $0xb8;
	[tilespmem:$0xF200] =	vst v63  }
.LBB2_12:
0xa5: {  	_ =	sfence.sel $0x180000  }
0xa6: {  	[bflag:$0x0] =	sbarrier.arrive $0xFFFF  }
0xa7: {  	_ =	strace $0x90000047  }
0xa8: {  	s0 =	stileid.u32;
	[bflag:$0x2] =	sbarrier.arrive $0xFFFF  }
0xa9: {  	p0 =	sne.s32 s0, $0x0;
	s0 =	rddreg [dreg:$0x2]  }
0xaa: {  	s0 =	sadd.s32 @!p0 $0x100000, s0  }
0xab: {  	[sflag:s0] =	ssyncadd.tile.s32 @!p0 $0x1;
	_ =	shalt  }
.Lfunc_end2:
_tile_overlayer_lowered:
.L_overlay_start_2:
0xac: {  	(tag) =	ssettag $0x2  }
0xad: {  	s0 =	rddreg [dreg:$0x0];
	s2 =	stileid.u32  }
0xae: {  	s1 =	rddreg [dreg:$0x1];
	p0 =	sne.s32 s2, $0x0  }
0xaf: {  	s3 =	rddreg [dreg:$0x2];
	[bflag:$0x3] =	sbarrier.arrive $0xFFFF;
	s2 =	simm.s32 @!p0 $0x1C07  }
0xb0: {  	[timem:s3], [sflag:s2] =	dma.local @!p0 [hbm:s0], s1  }
0xb1: {  	s0 =	simm.s32 @!p0 $0x7  }
0xb2: {  	_ =	swait.ge @!p0 [sflag:s0], s1  }
0xb3: {  	s1 =	ssub.s32 @!p0 $0x0, s1;
	[sflag:s0] =	ssyncset.done @!p0 $0x0  }
0xb4: {  	[sflag:s0] =	ssyncadd.s32 @!p0 s1  }
0xb5: {  	[bflag:$0x3] =	sbarrier.arrive $0xFFFF  }
0xb6: {  	_ =	shalt  }

</sc_bundles>
